<compile_context>
chip_gen: v7x
topology: tpu7x:2x2x1
jax: 0.10.2.dev20260603
libtpu: 0.0.44.dev20260713+nightly
codegen_flags: <defaults>
</compile_context>

<pallas_src>
import functools

import jax
import jax.numpy as jnp
from jax import lax
from jax.experimental import pallas as pl
from jax.experimental.pallas import tpu as pltpu
from jax.experimental.pallas import tpu_sc as plsc

N_NODES = 10000
N_PAD = 10240
D_FEAT = 128
DH = 64
N_EDGES = 320000
EPT = N_EDGES // 16
CHUNK = 128
NCHUNK = 157
TAIL_PATCH = NCHUNK * CHUNK - EPT
NBUF = 5
LAG = 2
GLAG = 2
NMAIN = 155
TRASH_ROW = N_NODES
ROWS_PER_TILE = N_PAD // 16
STAGE_ROWS = N_NODES // 16


def _make_sc_call():
  mesh = plsc.VectorSubcoreMesh(core_axis_name="c", subcore_axis_name="s")

  @functools.partial(
      pl.kernel,
      mesh=mesh,
      out_type=jax.ShapeDtypeStruct((N_NODES, D_FEAT), jnp.float32),
      compiler_params=pltpu.CompilerParams(use_tc_tiling_on_sc=False),
      scratch_types=[
          pltpu.VMEM((NBUF, 2, CHUNK), jnp.int32),
          pltpu.VMEM((NBUF, CHUNK, DH), jnp.float32),
          pltpu.VMEM_SHARED((N_PAD, DH), jnp.float32),
          pltpu.VMEM_SHARED((N_PAD, DH), jnp.float32),
          pltpu.SemaphoreType.DMA((NBUF,)),
          pltpu.SemaphoreType.DMA((NBUF,)),
          pltpu.SemaphoreType.DMA((NBUF,)),
      ],
  )
  def sc_kernel(feat_hbm, edge_hbm, out_hbm,
                idx_v, rows_v, ftab, acc, isem, gsem, ssem):
    c = lax.axis_index("c")
    s = lax.axis_index("s")

    st0 = s * STAGE_ROWS
    stage = pltpu.async_copy(
        feat_hbm.at[pl.ds(st0, STAGE_ROWS), pl.ds(c * DH, DH)],
        ftab.at[pl.ds(st0, STAGE_ROWS)], gsem.at[0])

    zero16 = jnp.zeros((16,), jnp.float32)

    def _zrow(i, carry):
      for t in range(DH // 16):
        rows_v[0, i, pl.ds(t * 16, 16)] = zero16
      return carry

    lax.fori_loop(0, CHUNK, _zrow, 0)
    row0 = s * ROWS_PER_TILE
    for b in range(ROWS_PER_TILE // CHUNK):
      pltpu.sync_copy(rows_v.at[0], acc.at[pl.ds(row0 + b * CHUNK, CHUNK)])
    stage.wait()
    plsc.subcore_barrier()

    ebase = s * EPT

    def _off(j):
      return ebase + lax.min(j * CHUNK, EPT - CHUNK)

    def _start_idx(j, b):
      pltpu.async_copy(edge_hbm.at[0, pl.ds(_off(j), CHUNK)],
                       idx_v.at[b, 0], isem.at[b])
      pltpu.async_copy(edge_hbm.at[1, pl.ds(_off(j), CHUNK)],
                       idx_v.at[b, 1], isem.at[b])

    def _wait_idx(j, b):
      pltpu.make_async_copy(edge_hbm.at[0, pl.ds(_off(j), CHUNK)],
                            idx_v.at[b, 0], isem.at[b]).wait()
      pltpu.make_async_copy(edge_hbm.at[1, pl.ds(_off(j), CHUNK)],
                            idx_v.at[b, 1], isem.at[b]).wait()

    def _patch_tail(b):
      trash16 = jnp.full((16,), TRASH_ROW, jnp.int32)
      zero16i = jnp.zeros((16,), jnp.int32)
      for t in range(TAIL_PATCH // 16):
        idx_v[b, 0, pl.ds(t * 16, 16)] = zero16i
        idx_v[b, 1, pl.ds(t * 16, 16)] = trash16

    def _start_gather(b):
      pltpu.async_copy(ftab.at[idx_v.at[b, 0]], rows_v.at[b], gsem.at[b])

    def _wait_gather(b):
      pltpu.make_async_copy(
          ftab.at[idx_v.at[b, 0]], rows_v.at[b], gsem.at[b]).wait()

    def _start_scatter(b):
      pltpu.async_copy(rows_v.at[b], acc.at[idx_v.at[b, 1]], ssem.at[b],
                       add=True)

    def _wait_scatter(b):
      pltpu.make_async_copy(
          rows_v.at[b], acc.at[idx_v.at[b, 1]], ssem.at[b]).wait()

    for b in range(NBUF):
      _start_idx(b, b)
    for b in range(GLAG):
      _wait_idx(b, b)
      _start_gather(b)

    def _group(g, carry):
      for b in range(NBUF):
        j = g * NBUF + b
        _wait_gather(b)
        _start_scatter(b)
        jj = j - LAG
        bb = (b - LAG) % NBUF

        @pl.when(jj >= 0)
        def _():
          _wait_scatter(bb)
          ji = jj + NBUF

          @pl.when(ji < NCHUNK)
          def _():
            _start_idx(ji, bb)

        jg = j + GLAG
        bg = (b + GLAG) % NBUF

        @pl.when(jg < NCHUNK)
        def _():
          _wait_idx(jg, bg)

          @pl.when(jg == NCHUNK - 1)
          def _():
            _patch_tail(bg)

          _start_gather(bg)

      return carry

    lax.fori_loop(0, NMAIN // NBUF, _group, 0)
    for j in range(NMAIN, NCHUNK):
      _wait_gather(j % NBUF)
      _start_scatter(j % NBUF)
    for j in range(NMAIN - LAG, NCHUNK):
      _wait_scatter(j % NBUF)
    plsc.subcore_barrier()

    @pl.when(s < 15)
    def _():
      pltpu.sync_copy(
          acc.at[pl.ds(row0, ROWS_PER_TILE)],
          out_hbm.at[pl.ds(row0, ROWS_PER_TILE), pl.ds(c * DH, DH)])

    @pl.when(s == 15)
    def _():
      last = N_NODES - 15 * ROWS_PER_TILE
      pltpu.sync_copy(
          acc.at[pl.ds(15 * ROWS_PER_TILE, last)],
          out_hbm.at[pl.ds(15 * ROWS_PER_TILE, last), pl.ds(c * DH, DH)])

  return sc_kernel


_sc_call = _make_sc_call()


def kernel(feat, edge_index):
  return _sc_call(feat, edge_index.astype(jnp.int32))

# --- scband reference (transcript-rebuilt; emitter-appended) ---
"""Pipeline reference for scband-gcn-dgl-12661563589060 (READ-ONLY COPY).

The authoritative reference and input builder live on the scoring server;
editing this copy changes nothing except your own understanding.
"""

import jax, jax.numpy as jnp
import numpy as np

N_NODES = 10000
N_EDGES = 320000
D_FEAT = 128

def setup_inputs(seed: int = 0) -> dict:
    key = jax.random.key(seed)
    k1, k2 = jax.random.split(key)
    feat = jax.random.normal(k1, (N_NODES, D_FEAT), dtype=jnp.float32)
    edge_index = jax.random.randint(k2, (2, N_EDGES), 0, N_NODES, dtype=jnp.int64)
    return {"feat": feat, "edge_index": edge_index}

def reference(feat, edge_index):
    # DGL GCN aggregation: message = copy_u (source feature), reduce = sum over incoming edges.
    # Note: in the original module, self.weights / self.bias are defined in __init__ but are
    # NOT used in forward; forward only performs the copy_u + sum aggregation.
    src = edge_index[0]
    dst = edge_index[1]
    msg = jnp.take(feat, src, axis=0)          # gather source features per edge [E, d]
    rst = jax.ops.segment_sum(msg, dst, num_segments=N_NODES)  # scatter-add to dst nodes [N, d]
    return rst

if __name__ == "__main__":
    import jax
    _d = setup_inputs()
    print(jax.jit(kernel)(*tuple(_d.values())))

</pallas_src>

<mosaic_0001>
#map = affine_map<(d0, d1) -> (0, 0)>
module attributes {stable_mosaic.version = 14 : i64} {
  func.func @sc_kernel(%arg0: i32, %arg1: i32, %arg2: memref<10000x128xf32, #tpu.memory_space<hbm>>, %arg3: memref<2x320000xi32, #tpu.memory_space<hbm>>, %arg4: memref<10000x128xf32, #tpu.memory_space<hbm>>, %arg5: memref<5x2x128xi32, #tpu.memory_space<vmem>>, %arg6: memref<5x128x64xf32, #tpu.memory_space<vmem>>, %arg7: memref<10240x64xf32, #tpu.memory_space<vmem_shared>>, %arg8: memref<10240x64xf32, #tpu.memory_space<vmem_shared>>, %arg9: memref<5x!tpu.dma_semaphore, #tpu.memory_space<semaphore_mem>>, %arg10: memref<5x!tpu.dma_semaphore, #tpu.memory_space<semaphore_mem>>, %arg11: memref<5x!tpu.dma_semaphore, #tpu.memory_space<semaphore_mem>>) attributes {dimension_semantics = [#tpu.dimension_semantics<core_parallel>, #tpu.dimension_semantics<subcore_parallel>], iteration_bounds = array<i64: 2, 16>, scalar_prefetch = 0 : i64, scratch_operands = 7 : i64, tpu.core_type = #tpu.core_type<sc_vector_subcore>, window_params = [{transform_indices = #map}, {transform_indices = #map}, {transform_indices = #map}]} {
    %mul3A = arith.constant 625 : i32
    %mul3A_0 = arith.muli %arg1, %mul3A : i32
    %mul3A_1 = arith.constant 64 : i32
    %mul3A_2 = arith.muli %arg0, %mul3A_1 : i32
    %dma_start3A = arith.constant 0 : i32
    %dma_start3A_3 = tpu.memref_slice %arg10[%dma_start3A] : memref<5x!tpu.dma_semaphore, #tpu.memory_space<semaphore_mem>> -> memref<1x!tpu.dma_semaphore, #tpu.memory_space<semaphore_mem>>
    %dma_start3A_4 = tpu.memref_squeeze %dma_start3A_3 : memref<1x!tpu.dma_semaphore, #tpu.memory_space<semaphore_mem>> -> memref<!tpu.dma_semaphore, #tpu.memory_space<semaphore_mem>>
    %dma_start3A_5 = arith.constant 0 : i32
    %dma_start3A_6 = tpu.memref_slice %arg7[%mul3A_0, %dma_start3A_5] : memref<10240x64xf32, #tpu.memory_space<vmem_shared>> -> memref<625x64xf32, #tpu.memory_space<vmem_shared>>
    %dma_start3A_7 = tpu.memref_slice %arg2[%mul3A_0, %mul3A_2] : memref<10000x128xf32, #tpu.memory_space<hbm>> -> memref<625x64xf32, #tpu.memory_space<hbm>>
    tpu.enqueue_dma source(%dma_start3A_7 : memref<625x64xf32, #tpu.memory_space<hbm>>) target(%dma_start3A_6 : memref<625x64xf32, #tpu.memory_space<vmem_shared>>) target_semaphore(%dma_start3A_4 : memref<!tpu.dma_semaphore, #tpu.memory_space<semaphore_mem>>)
    %broadcast_in_dim3A = arith.constant 0.000000e+00 : f32
    %broadcast_in_dim3A_8 = vector.broadcast %broadcast_in_dim3A : f32 to vector<16xf32>
    %scan3A = arith.constant 0 : i32
    %scan3A_9 = arith.constant 0 : i32
    %scan3A_10 = arith.constant 128 : i32
    %scan3A_11 = arith.addi %scan3A_9, %scan3A_10 : i32
    %scan3A_12 = arith.constant 1 : i32
    scf.for %scan3A_488 = %scan3A_9 to %scan3A_11 step %scan3A_12  : i32 {
      %swap3A = arith.constant 0 : i32
      %swap3A_489 = arith.index_cast %swap3A : i32 to index
      %swap3A_490 = arith.index_cast %scan3A_488 : i32 to index
      %swap3A_491 = arith.constant 0 : index
      %swap3A_492 = tpu.vector_load %arg6[%swap3A_489, %swap3A_490, %swap3A_491] {strides = array<i32>} : memref<5x128x64xf32, #tpu.memory_space<vmem>>, vector<1x1x16xf32>,
      %swap3A_493 = vector.shape_cast %swap3A_492 : vector<1x1x16xf32> to vector<16xf32>
      %swap3A_494 = vector.shape_cast %broadcast_in_dim3A_8 : vector<16xf32> to vector<1x1x16xf32>
      tpu.vector_store %arg6[%swap3A_489, %swap3A_490, %swap3A_491], %swap3A_494 {strides = array<i32>} : memref<5x128x64xf32, #tpu.memory_space<vmem>>, vector<1x1x16xf32>,
      %swap3A_495 = arith.constant 0 : i32
      %swap3A_496 = arith.index_cast %swap3A_495 : i32 to index
      %swap3A_497 = arith.index_cast %scan3A_488 : i32 to index
      %swap3A_498 = arith.constant 16 : index
      %swap3A_499 = tpu.vector_load %arg6[%swap3A_496, %swap3A_497, %swap3A_498] {strides = array<i32>} : memref<5x128x64xf32, #tpu.memory_space<vmem>>, vector<1x1x16xf32>,
      %swap3A_500 = vector.shape_cast %swap3A_499 : vector<1x1x16xf32> to vector<16xf32>
      %swap3A_501 = vector.shape_cast %broadcast_in_dim3A_8 : vector<16xf32> to vector<1x1x16xf32>
      tpu.vector_store %arg6[%swap3A_496, %swap3A_497, %swap3A_498], %swap3A_501 {strides = array<i32>} : memref<5x128x64xf32, #tpu.memory_space<vmem>>, vector<1x1x16xf32>,
      %swap3A_502 = arith.constant 0 : i32
      %swap3A_503 = arith.index_cast %swap3A_502 : i32 to index
      %swap3A_504 = arith.index_cast %scan3A_488 : i32 to index
      %swap3A_505 = arith.constant 32 : index
      %swap3A_506 = tpu.vector_load %arg6[%swap3A_503, %swap3A_504, %swap3A_505] {strides = array<i32>} : memref<5x128x64xf32, #tpu.memory_space<vmem>>, vector<1x1x16xf32>,
      %swap3A_507 = vector.shape_cast %swap3A_506 : vector<1x1x16xf32> to vector<16xf32>
      %swap3A_508 = vector.shape_cast %broadcast_in_dim3A_8 : vector<16xf32> to vector<1x1x16xf32>
      tpu.vector_store %arg6[%swap3A_503, %swap3A_504, %swap3A_505], %swap3A_508 {strides = array<i32>} : memref<5x128x64xf32, #tpu.memory_space<vmem>>, vector<1x1x16xf32>,
      %swap3A_509 = arith.constant 0 : i32
      %swap3A_510 = arith.index_cast %swap3A_509 : i32 to index
      %swap3A_511 = arith.index_cast %scan3A_488 : i32 to index
      %swap3A_512 = arith.constant 48 : index
      %swap3A_513 = tpu.vector_load %arg6[%swap3A_510, %swap3A_511, %swap3A_512] {strides = array<i32>} : memref<5x128x64xf32, #tpu.memory_space<vmem>>, vector<1x1x16xf32>,
      %swap3A_514 = vector.shape_cast %swap3A_513 : vector<1x1x16xf32> to vector<16xf32>
      %swap3A_515 = vector.shape_cast %broadcast_in_dim3A_8 : vector<16xf32> to vector<1x1x16xf32>
      tpu.vector_store %arg6[%swap3A_510, %swap3A_511, %swap3A_512], %swap3A_515 {strides = array<i32>} : memref<5x128x64xf32, #tpu.memory_space<vmem>>, vector<1x1x16xf32>,
    }
    %scan3A_13 = arith.constant 128 : i32
    %mul3A_14 = arith.constant 640 : i32
    %mul3A_15 = arith.muli %arg1, %mul3A_14 : i32
    %add3A = arith.constant 0 : i32
    %add3A_16 = arith.addi %mul3A_15, %add3A : i32
    %run_scoped3A = arith.constant 0 : i32
    "tpu.region"() ({
      %run_scoped3A_488 = tpu.sem_alloc : memref<!tpu.dma_semaphore, #tpu.memory_space<semaphore_mem>>
      %dma_start3A_489 = arith.constant 0 : i32
      %dma_start3A_490 = arith.constant 0 : i32
      %dma_start3A_491 = tpu.memref_slice %arg6[%run_scoped3A, %dma_start3A_489, %dma_start3A_490] : memref<5x128x64xf32, #tpu.memory_space<vmem>> -> memref<1x128x64xf32, #tpu.memory_space<vmem>>
      %dma_start3A_492 = tpu.memref_squeeze %dma_start3A_491 : memref<1x128x64xf32, #tpu.memory_space<vmem>> -> memref<128x64xf32, #tpu.memory_space<vmem>>
      %dma_start3A_493 = arith.constant 0 : i32
      %dma_start3A_494 = tpu.memref_slice %arg8[%add3A_16, %dma_start3A_493] : memref<10240x64xf32, #tpu.memory_space<vmem_shared>> -> memref<128x64xf32, #tpu.memory_space<vmem_shared>>
      %dma_start3A_495 = arith.constant 0 : i32
      %dma_start3A_496 = tpu.memref_slice %arg8[%add3A_16, %dma_start3A_495] : memref<10240x64xf32, #tpu.memory_space<vmem_shared>> -> memref<128x64xf32, #tpu.memory_space<vmem_shared>>
      %dma_start3A_497 = arith.constant 0 : i32
      %dma_start3A_498 = arith.constant 0 : i32
      %dma_start3A_499 = tpu.memref_slice %arg6[%run_scoped3A, %dma_start3A_497, %dma_start3A_498] : memref<5x128x64xf32, #tpu.memory_space<vmem>> -> memref<1x128x64xf32, #tpu.memory_space<vmem>>
      %dma_start3A_500 = tpu.memref_squeeze %dma_start3A_499 : memref<1x128x64xf32, #tpu.memory_space<vmem>> -> memref<128x64xf32, #tpu.memory_space<vmem>>
      tpu.enqueue_dma source(%dma_start3A_500 : memref<128x64xf32, #tpu.memory_space<vmem>>) target(%dma_start3A_496 : memref<128x64xf32, #tpu.memory_space<vmem_shared>>) target_semaphore(%run_scoped3A_488 : memref<!tpu.dma_semaphore, #tpu.memory_space<semaphore_mem>>)
      %dma_wait3A_501 = arith.constant 0 : i32
      %dma_wait3A_502 = arith.constant 0 : i32
      %dma_wait3A_503 = tpu.memref_slice %arg6[%run_scoped3A, %dma_wait3A_501, %dma_wait3A_502] : memref<5x128x64xf32, #tpu.memory_space<vmem>> -> memref<1x128x64xf32, #tpu.memory_space<vmem>>
      %dma_wait3A_504 = tpu.memref_squeeze %dma_wait3A_503 : memref<1x128x64xf32, #tpu.memory_space<vmem>> -> memref<128x64xf32, #tpu.memory_space<vmem>>
      %dma_wait3A_505 = arith.constant 0 : i32
      %dma_wait3A_506 = tpu.memref_slice %arg8[%add3A_16, %dma_wait3A_505] : memref<10240x64xf32, #tpu.memory_space<vmem_shared>> -> memref<128x64xf32, #tpu.memory_space<vmem_shared>>
      %dma_wait3A_507 = arith.constant 0 : i32
      %dma_wait3A_508 = tpu.memref_slice %arg8[%add3A_16, %dma_wait3A_507] : memref<10240x64xf32, #tpu.memory_space<vmem_shared>> -> memref<128x64xf32, #tpu.memory_space<vmem_shared>>
      %dma_wait3A_509 = arith.constant 0 : i32
      %dma_wait3A_510 = arith.constant 0 : i32
      %dma_wait3A_511 = tpu.memref_slice %arg6[%run_scoped3A, %dma_wait3A_509, %dma_wait3A_510] : memref<5x128x64xf32, #tpu.memory_space<vmem>> -> memref<1x128x64xf32, #tpu.memory_space<vmem>>
      %dma_wait3A_512 = tpu.memref_squeeze %dma_wait3A_511 : memref<1x128x64xf32, #tpu.memory_space<vmem>> -> memref<128x64xf32, #tpu.memory_space<vmem>>
      tpu.wait_dma2 semaphore(%run_scoped3A_488 : memref<!tpu.dma_semaphore, #tpu.memory_space<semaphore_mem>>) src(%dma_wait3A_512 : memref<128x64xf32, #tpu.memory_space<vmem>>) dst(%dma_wait3A_508 : memref<128x64xf32, #tpu.memory_space<vmem_shared>>)
      tpu.yield
    }) : () -> ()
    %add3A_17 = arith.constant 128 : i32
    %add3A_18 = arith.addi %mul3A_15, %add3A_17 : i32
    %run_scoped3A_19 = arith.constant 0 : i32
    "tpu.region"() ({
      %run_scoped3A_488 = tpu.sem_alloc : memref<!tpu.dma_semaphore, #tpu.memory_space<semaphore_mem>>
      %dma_start3A_489 = arith.constant 0 : i32
      %dma_start3A_490 = arith.constant 0 : i32
      %dma_start3A_491 = tpu.memref_slice %arg6[%run_scoped3A_19, %dma_start3A_489, %dma_start3A_490] : memref<5x128x64xf32, #tpu.memory_space<vmem>> -> memref<1x128x64xf32, #tpu.memory_space<vmem>>
      %dma_start3A_492 = tpu.memref_squeeze %dma_start3A_491 : memref<1x128x64xf32, #tpu.memory_space<vmem>> -> memref<128x64xf32, #tpu.memory_space<vmem>>
      %dma_start3A_493 = arith.constant 0 : i32
      %dma_start3A_494 = tpu.memref_slice %arg8[%add3A_18, %dma_start3A_493] : memref<10240x64xf32, #tpu.memory_space<vmem_shared>> -> memref<128x64xf32, #tpu.memory_space<vmem_shared>>
      %dma_start3A_495 = arith.constant 0 : i32
      %dma_start3A_496 = tpu.memref_slice %arg8[%add3A_18, %dma_start3A_495] : memref<10240x64xf32, #tpu.memory_space<vmem_shared>> -> memref<128x64xf32, #tpu.memory_space<vmem_shared>>
      %dma_start3A_497 = arith.constant 0 : i32
      %dma_start3A_498 = arith.constant 0 : i32
      %dma_start3A_499 = tpu.memref_slice %arg6[%run_scoped3A_19, %dma_start3A_497, %dma_start3A_498] : memref<5x128x64xf32, #tpu.memory_space<vmem>> -> memref<1x128x64xf32, #tpu.memory_space<vmem>>
      %dma_start3A_500 = tpu.memref_squeeze %dma_start3A_499 : memref<1x128x64xf32, #tpu.memory_space<vmem>> -> memref<128x64xf32, #tpu.memory_space<vmem>>
      tpu.enqueue_dma source(%dma_start3A_500 : memref<128x64xf32, #tpu.memory_space<vmem>>) target(%dma_start3A_496 : memref<128x64xf32, #tpu.memory_space<vmem_shared>>) target_semaphore(%run_scoped3A_488 : memref<!tpu.dma_semaphore, #tpu.memory_space<semaphore_mem>>)
      %dma_wait3A_501 = arith.constant 0 : i32
      %dma_wait3A_502 = arith.constant 0 : i32
      %dma_wait3A_503 = tpu.memref_slice %arg6[%run_scoped3A_19, %dma_wait3A_501, %dma_wait3A_502] : memref<5x128x64xf32, #tpu.memory_space<vmem>> -> memref<1x128x64xf32, #tpu.memory_space<vmem>>
      %dma_wait3A_504 = tpu.memref_squeeze %dma_wait3A_503 : memref<1x128x64xf32, #tpu.memory_space<vmem>> -> memref<128x64xf32, #tpu.memory_space<vmem>>
      %dma_wait3A_505 = arith.constant 0 : i32
      %dma_wait3A_506 = tpu.memref_slice %arg8[%add3A_18, %dma_wait3A_505] : memref<10240x64xf32, #tpu.memory_space<vmem_shared>> -> memref<128x64xf32, #tpu.memory_space<vmem_shared>>
      %dma_wait3A_507 = arith.constant 0 : i32
      %dma_wait3A_508 = tpu.memref_slice %arg8[%add3A_18, %dma_wait3A_507] : memref<10240x64xf32, #tpu.memory_space<vmem_shared>> -> memref<128x64xf32, #tpu.memory_space<vmem_shared>>
      %dma_wait3A_509 = arith.constant 0 : i32
      %dma_wait3A_510 = arith.constant 0 : i32
      %dma_wait3A_511 = tpu.memref_slice %arg6[%run_scoped3A_19, %dma_wait3A_509, %dma_wait3A_510] : memref<5x128x64xf32, #tpu.memory_space<vmem>> -> memref<1x128x64xf32, #tpu.memory_space<vmem>>
      %dma_wait3A_512 = tpu.memref_squeeze %dma_wait3A_511 : memref<1x128x64xf32, #tpu.memory_space<vmem>> -> memref<128x64xf32, #tpu.memory_space<vmem>>
      tpu.wait_dma2 semaphore(%run_scoped3A_488 : memref<!tpu.dma_semaphore, #tpu.memory_space<semaphore_mem>>) src(%dma_wait3A_512 : memref<128x64xf32, #tpu.memory_space<vmem>>) dst(%dma_wait3A_508 : memref<128x64xf32, #tpu.memory_space<vmem_shared>>)
      tpu.yield
    }) : () -> ()
    %add3A_20 = arith.constant 256 : i32
    %add3A_21 = arith.addi %mul3A_15, %add3A_20 : i32
    %run_scoped3A_22 = arith.constant 0 : i32
    "tpu.region"() ({
      %run_scoped3A_488 = tpu.sem_alloc : memref<!tpu.dma_semaphore, #tpu.memory_space<semaphore_mem>>
      %dma_start3A_489 = arith.constant 0 : i32
      %dma_start3A_490 = arith.constant 0 : i32
      %dma_start3A_491 = tpu.memref_slice %arg6[%run_scoped3A_22, %dma_start3A_489, %dma_start3A_490] : memref<5x128x64xf32, #tpu.memory_space<vmem>> -> memref<1x128x64xf32, #tpu.memory_space<vmem>>
      %dma_start3A_492 = tpu.memref_squeeze %dma_start3A_491 : memref<1x128x64xf32, #tpu.memory_space<vmem>> -> memref<128x64xf32, #tpu.memory_space<vmem>>
      %dma_start3A_493 = arith.constant 0 : i32
      %dma_start3A_494 = tpu.memref_slice %arg8[%add3A_21, %dma_start3A_493] : memref<10240x64xf32, #tpu.memory_space<vmem_shared>> -> memref<128x64xf32, #tpu.memory_space<vmem_shared>>
      %dma_start3A_495 = arith.constant 0 : i32
      %dma_start3A_496 = tpu.memref_slice %arg8[%add3A_21, %dma_start3A_495] : memref<10240x64xf32, #tpu.memory_space<vmem_shared>> -> memref<128x64xf32, #tpu.memory_space<vmem_shared>>
      %dma_start3A_497 = arith.constant 0 : i32
      %dma_start3A_498 = arith.constant 0 : i32
      %dma_start3A_499 = tpu.memref_slice %arg6[%run_scoped3A_22, %dma_start3A_497, %dma_start3A_498] : memref<5x128x64xf32, #tpu.memory_space<vmem>> -> memref<1x128x64xf32, #tpu.memory_space<vmem>>
      %dma_start3A_500 = tpu.memref_squeeze %dma_start3A_499 : memref<1x128x64xf32, #tpu.memory_space<vmem>> -> memref<128x64xf32, #tpu.memory_space<vmem>>
      tpu.enqueue_dma source(%dma_start3A_500 : memref<128x64xf32, #tpu.memory_space<vmem>>) target(%dma_start3A_496 : memref<128x64xf32, #tpu.memory_space<vmem_shared>>) target_semaphore(%run_scoped3A_488 : memref<!tpu.dma_semaphore, #tpu.memory_space<semaphore_mem>>)
      %dma_wait3A_501 = arith.constant 0 : i32
      %dma_wait3A_502 = arith.constant 0 : i32
      %dma_wait3A_503 = tpu.memref_slice %arg6[%run_scoped3A_22, %dma_wait3A_501, %dma_wait3A_502] : memref<5x128x64xf32, #tpu.memory_space<vmem>> -> memref<1x128x64xf32, #tpu.memory_space<vmem>>
      %dma_wait3A_504 = tpu.memref_squeeze %dma_wait3A_503 : memref<1x128x64xf32, #tpu.memory_space<vmem>> -> memref<128x64xf32, #tpu.memory_space<vmem>>
      %dma_wait3A_505 = arith.constant 0 : i32
      %dma_wait3A_506 = tpu.memref_slice %arg8[%add3A_21, %dma_wait3A_505] : memref<10240x64xf32, #tpu.memory_space<vmem_shared>> -> memref<128x64xf32, #tpu.memory_space<vmem_shared>>
      %dma_wait3A_507 = arith.constant 0 : i32
      %dma_wait3A_508 = tpu.memref_slice %arg8[%add3A_21, %dma_wait3A_507] : memref<10240x64xf32, #tpu.memory_space<vmem_shared>> -> memref<128x64xf32, #tpu.memory_space<vmem_shared>>
      %dma_wait3A_509 = arith.constant 0 : i32
      %dma_wait3A_510 = arith.constant 0 : i32
      %dma_wait3A_511 = tpu.memref_slice %arg6[%run_scoped3A_22, %dma_wait3A_509, %dma_wait3A_510] : memref<5x128x64xf32, #tpu.memory_space<vmem>> -> memref<1x128x64xf32, #tpu.memory_space<vmem>>
      %dma_wait3A_512 = tpu.memref_squeeze %dma_wait3A_511 : memref<1x128x64xf32, #tpu.memory_space<vmem>> -> memref<128x64xf32, #tpu.memory_space<vmem>>
      tpu.wait_dma2 semaphore(%run_scoped3A_488 : memref<!tpu.dma_semaphore, #tpu.memory_space<semaphore_mem>>) src(%dma_wait3A_512 : memref<128x64xf32, #tpu.memory_space<vmem>>) dst(%dma_wait3A_508 : memref<128x64xf32, #tpu.memory_space<vmem_shared>>)
      tpu.yield
    }) : () -> ()
    %add3A_23 = arith.constant 384 : i32
    %add3A_24 = arith.addi %mul3A_15, %add3A_23 : i32
    %run_scoped3A_25 = arith.constant 0 : i32
    "tpu.region"() ({
      %run_scoped3A_488 = tpu.sem_alloc : memref<!tpu.dma_semaphore, #tpu.memory_space<semaphore_mem>>
      %dma_start3A_489 = arith.constant 0 : i32
      %dma_start3A_490 = arith.constant 0 : i32
      %dma_start3A_491 = tpu.memref_slice %arg6[%run_scoped3A_25, %dma_start3A_489, %dma_start3A_490] : memref<5x128x64xf32, #tpu.memory_space<vmem>> -> memref<1x128x64xf32, #tpu.memory_space<vmem>>
      %dma_start3A_492 = tpu.memref_squeeze %dma_start3A_491 : memref<1x128x64xf32, #tpu.memory_space<vmem>> -> memref<128x64xf32, #tpu.memory_space<vmem>>
      %dma_start3A_493 = arith.constant 0 : i32
      %dma_start3A_494 = tpu.memref_slice %arg8[%add3A_24, %dma_start3A_493] : memref<10240x64xf32, #tpu.memory_space<vmem_shared>> -> memref<128x64xf32, #tpu.memory_space<vmem_shared>>
      %dma_start3A_495 = arith.constant 0 : i32
      %dma_start3A_496 = tpu.memref_slice %arg8[%add3A_24, %dma_start3A_495] : memref<10240x64xf32, #tpu.memory_space<vmem_shared>> -> memref<128x64xf32, #tpu.memory_space<vmem_shared>>
      %dma_start3A_497 = arith.constant 0 : i32
      %dma_start3A_498 = arith.constant 0 : i32
      %dma_start3A_499 = tpu.memref_slice %arg6[%run_scoped3A_25, %dma_start3A_497, %dma_start3A_498] : memref<5x128x64xf32, #tpu.memory_space<vmem>> -> memref<1x128x64xf32, #tpu.memory_space<vmem>>
      %dma_start3A_500 = tpu.memref_squeeze %dma_start3A_499 : memref<1x128x64xf32, #tpu.memory_space<vmem>> -> memref<128x64xf32, #tpu.memory_space<vmem>>
      tpu.enqueue_dma source(%dma_start3A_500 : memref<128x64xf32, #tpu.memory_space<vmem>>) target(%dma_start3A_496 : memref<128x64xf32, #tpu.memory_space<vmem_shared>>) target_semaphore(%run_scoped3A_488 : memref<!tpu.dma_semaphore, #tpu.memory_space<semaphore_mem>>)
      %dma_wait3A_501 = arith.constant 0 : i32
      %dma_wait3A_502 = arith.constant 0 : i32
      %dma_wait3A_503 = tpu.memref_slice %arg6[%run_scoped3A_25, %dma_wait3A_501, %dma_wait3A_502] : memref<5x128x64xf32, #tpu.memory_space<vmem>> -> memref<1x128x64xf32, #tpu.memory_space<vmem>>
      %dma_wait3A_504 = tpu.memref_squeeze %dma_wait3A_503 : memref<1x128x64xf32, #tpu.memory_space<vmem>> -> memref<128x64xf32, #tpu.memory_space<vmem>>
      %dma_wait3A_505 = arith.constant 0 : i32
      %dma_wait3A_506 = tpu.memref_slice %arg8[%add3A_24, %dma_wait3A_505] : memref<10240x64xf32, #tpu.memory_space<vmem_shared>> -> memref<128x64xf32, #tpu.memory_space<vmem_shared>>
      %dma_wait3A_507 = arith.constant 0 : i32
      %dma_wait3A_508 = tpu.memref_slice %arg8[%add3A_24, %dma_wait3A_507] : memref<10240x64xf32, #tpu.memory_space<vmem_shared>> -> memref<128x64xf32, #tpu.memory_space<vmem_shared>>
      %dma_wait3A_509 = arith.constant 0 : i32
      %dma_wait3A_510 = arith.constant 0 : i32
      %dma_wait3A_511 = tpu.memref_slice %arg6[%run_scoped3A_25, %dma_wait3A_509, %dma_wait3A_510] : memref<5x128x64xf32, #tpu.memory_space<vmem>> -> memref<1x128x64xf32, #tpu.memory_space<vmem>>
      %dma_wait3A_512 = tpu.memref_squeeze %dma_wait3A_511 : memref<1x128x64xf32, #tpu.memory_space<vmem>> -> memref<128x64xf32, #tpu.memory_space<vmem>>
      tpu.wait_dma2 semaphore(%run_scoped3A_488 : memref<!tpu.dma_semaphore, #tpu.memory_space<semaphore_mem>>) src(%dma_wait3A_512 : memref<128x64xf32, #tpu.memory_space<vmem>>) dst(%dma_wait3A_508 : memref<128x64xf32, #tpu.memory_space<vmem_shared>>)
      tpu.yield
    }) : () -> ()
    %add3A_26 = arith.constant 512 : i32
    %add3A_27 = arith.addi %mul3A_15, %add3A_26 : i32
    %run_scoped3A_28 = arith.constant 0 : i32
    "tpu.region"() ({
      %run_scoped3A_488 = tpu.sem_alloc : memref<!tpu.dma_semaphore, #tpu.memory_space<semaphore_mem>>
      %dma_start3A_489 = arith.constant 0 : i32
      %dma_start3A_490 = arith.constant 0 : i32
      %dma_start3A_491 = tpu.memref_slice %arg6[%run_scoped3A_28, %dma_start3A_489, %dma_start3A_490] : memref<5x128x64xf32, #tpu.memory_space<vmem>> -> memref<1x128x64xf32, #tpu.memory_space<vmem>>
      %dma_start3A_492 = tpu.memref_squeeze %dma_start3A_491 : memref<1x128x64xf32, #tpu.memory_space<vmem>> -> memref<128x64xf32, #tpu.memory_space<vmem>>
      %dma_start3A_493 = arith.constant 0 : i32
      %dma_start3A_494 = tpu.memref_slice %arg8[%add3A_27, %dma_start3A_493] : memref<10240x64xf32, #tpu.memory_space<vmem_shared>> -> memref<128x64xf32, #tpu.memory_space<vmem_shared>>
      %dma_start3A_495 = arith.constant 0 : i32
      %dma_start3A_496 = tpu.memref_slice %arg8[%add3A_27, %dma_start3A_495] : memref<10240x64xf32, #tpu.memory_space<vmem_shared>> -> memref<128x64xf32, #tpu.memory_space<vmem_shared>>
      %dma_start3A_497 = arith.constant 0 : i32
      %dma_start3A_498 = arith.constant 0 : i32
      %dma_start3A_499 = tpu.memref_slice %arg6[%run_scoped3A_28, %dma_start3A_497, %dma_start3A_498] : memref<5x128x64xf32, #tpu.memory_space<vmem>> -> memref<1x128x64xf32, #tpu.memory_space<vmem>>
      %dma_start3A_500 = tpu.memref_squeeze %dma_start3A_499 : memref<1x128x64xf32, #tpu.memory_space<vmem>> -> memref<128x64xf32, #tpu.memory_space<vmem>>
      tpu.enqueue_dma source(%dma_start3A_500 : memref<128x64xf32, #tpu.memory_space<vmem>>) target(%dma_start3A_496 : memref<128x64xf32, #tpu.memory_space<vmem_shared>>) target_semaphore(%run_scoped3A_488 : memref<!tpu.dma_semaphore, #tpu.memory_space<semaphore_mem>>)
      %dma_wait3A_501 = arith.constant 0 : i32
      %dma_wait3A_502 = arith.constant 0 : i32
      %dma_wait3A_503 = tpu.memref_slice %arg6[%run_scoped3A_28, %dma_wait3A_501, %dma_wait3A_502] : memref<5x128x64xf32, #tpu.memory_space<vmem>> -> memref<1x128x64xf32, #tpu.memory_space<vmem>>
      %dma_wait3A_504 = tpu.memref_squeeze %dma_wait3A_503 : memref<1x128x64xf32, #tpu.memory_space<vmem>> -> memref<128x64xf32, #tpu.memory_space<vmem>>
      %dma_wait3A_505 = arith.constant 0 : i32
      %dma_wait3A_506 = tpu.memref_slice %arg8[%add3A_27, %dma_wait3A_505] : memref<10240x64xf32, #tpu.memory_space<vmem_shared>> -> memref<128x64xf32, #tpu.memory_space<vmem_shared>>
      %dma_wait3A_507 = arith.constant 0 : i32
      %dma_wait3A_508 = tpu.memref_slice %arg8[%add3A_27, %dma_wait3A_507] : memref<10240x64xf32, #tpu.memory_space<vmem_shared>> -> memref<128x64xf32, #tpu.memory_space<vmem_shared>>
      %dma_wait3A_509 = arith.constant 0 : i32
      %dma_wait3A_510 = arith.constant 0 : i32
      %dma_wait3A_511 = tpu.memref_slice %arg6[%run_scoped3A_28, %dma_wait3A_509, %dma_wait3A_510] : memref<5x128x64xf32, #tpu.memory_space<vmem>> -> memref<1x128x64xf32, #tpu.memory_space<vmem>>
      %dma_wait3A_512 = tpu.memref_squeeze %dma_wait3A_511 : memref<1x128x64xf32, #tpu.memory_space<vmem>> -> memref<128x64xf32, #tpu.memory_space<vmem>>
      tpu.wait_dma2 semaphore(%run_scoped3A_488 : memref<!tpu.dma_semaphore, #tpu.memory_space<semaphore_mem>>) src(%dma_wait3A_512 : memref<128x64xf32, #tpu.memory_space<vmem>>) dst(%dma_wait3A_508 : memref<128x64xf32, #tpu.memory_space<vmem_shared>>)
      tpu.yield
    }) : () -> ()
    %dma_wait3A = arith.constant 0 : i32
    %dma_wait3A_29 = tpu.memref_slice %arg10[%dma_wait3A] : memref<5x!tpu.dma_semaphore, #tpu.memory_space<semaphore_mem>> -> memref<1x!tpu.dma_semaphore, #tpu.memory_space<semaphore_mem>>
    %dma_wait3A_30 = tpu.memref_squeeze %dma_wait3A_29 : memref<1x!tpu.dma_semaphore, #tpu.memory_space<semaphore_mem>> -> memref<!tpu.dma_semaphore, #tpu.memory_space<semaphore_mem>>
    %dma_wait3A_31 = arith.constant 0 : i32
    %dma_wait3A_32 = tpu.memref_slice %arg7[%mul3A_0, %dma_wait3A_31] : memref<10240x64xf32, #tpu.memory_space<vmem_shared>> -> memref<625x64xf32, #tpu.memory_space<vmem_shared>>
    %dma_wait3A_33 = tpu.memref_slice %arg2[%mul3A_0, %mul3A_2] : memref<10000x128xf32, #tpu.memory_space<hbm>> -> memref<625x64xf32, #tpu.memory_space<hbm>>
    tpu.wait_dma2 semaphore(%dma_wait3A_30 : memref<!tpu.dma_semaphore, #tpu.memory_space<semaphore_mem>>) src(%dma_wait3A_33 : memref<625x64xf32, #tpu.memory_space<hbm>>) dst(%dma_wait3A_32 : memref<625x64xf32, #tpu.memory_space<vmem_shared>>)
    %barrier3A = arith.constant 0 : index
    tpu.barrier barrier_id(%barrier3A)
    %mul3A_34 = arith.constant 20000 : i32
    %mul3A_35 = arith.muli %arg1, %mul3A_34 : i32
    %min3A = arith.constant 0 : i32
    %min3A_36 = arith.constant 19872 : i32
    %min3A_37 = arith.minsi %min3A, %min3A_36 : i32
    %add3A_38 = arith.addi %mul3A_35, %min3A_37 : i32
    %dma_start3A_39 = arith.constant 0 : i32
    %dma_start3A_40 = arith.constant 0 : i32
    %dma_start3A_41 = arith.constant 0 : i32
    %dma_start3A_42 = arith.constant 0 : i32
    %dma_start3A_43 = arith.constant 0 : i32
    %dma_start3A_44 = tpu.memref_slice %arg5[%dma_start3A_40, %dma_start3A_41, %dma_start3A_43] : memref<5x2x128xi32, #tpu.memory_space<vmem>> -> memref<1x1x128xi32, #tpu.memory_space<vmem>>
    %dma_start3A_45 = tpu.memref_squeeze %dma_start3A_44 : memref<1x1x128xi32, #tpu.memory_space<vmem>> -> memref<128xi32, #tpu.memory_space<vmem>>
    %dma_start3A_46 = tpu.memref_slice %arg3[%dma_start3A_39, %add3A_38] : memref<2x320000xi32, #tpu.memory_space<hbm>> -> memref<1x128xi32, #tpu.memory_space<hbm>>
    %dma_start3A_47 = tpu.memref_squeeze %dma_start3A_46 : memref<1x128xi32, #tpu.memory_space<hbm>> -> memref<128xi32, #tpu.memory_space<hbm>>
    %dma_start3A_48 = tpu.memref_slice %arg9[%dma_start3A_42] : memref<5x!tpu.dma_semaphore, #tpu.memory_space<semaphore_mem>> -> memref<1x!tpu.dma_semaphore, #tpu.memory_space<semaphore_mem>>
    %dma_start3A_49 = tpu.memref_squeeze %dma_start3A_48 : memref<1x!tpu.dma_semaphore, #tpu.memory_space<semaphore_mem>> -> memref<!tpu.dma_semaphore, #tpu.memory_space<semaphore_mem>>
    %dma_start3A_50 = arith.constant 0 : i32
    %dma_start3A_51 = tpu.memref_slice %arg5[%dma_start3A_40, %dma_start3A_41, %dma_start3A_50] : memref<5x2x128xi32, #tpu.memory_space<vmem>> -> memref<1x1x128xi32, #tpu.memory_space<vmem>>
    %dma_start3A_52 = tpu.memref_squeeze %dma_start3A_51 : memref<1x1x128xi32, #tpu.memory_space<vmem>> -> memref<128xi32, #tpu.memory_space<vmem>>
    %dma_start3A_53 = tpu.memref_slice %arg3[%dma_start3A_39, %add3A_38] : memref<2x320000xi32, #tpu.memory_space<hbm>> -> memref<1x128xi32, #tpu.memory_space<hbm>>
    %dma_start3A_54 = tpu.memref_squeeze %dma_start3A_53 : memref<1x128xi32, #tpu.memory_space<hbm>> -> memref<128xi32, #tpu.memory_space<hbm>>
    tpu.enqueue_dma source(%dma_start3A_54 : memref<128xi32, #tpu.memory_space<hbm>>) target(%dma_start3A_52 : memref<128xi32, #tpu.memory_space<vmem>>) target_semaphore(%dma_start3A_49 : memref<!tpu.dma_semaphore, #tpu.memory_space<semaphore_mem>>)
    %min3A_55 = arith.constant 0 : i32
    %min3A_56 = arith.constant 19872 : i32
    %min3A_57 = arith.minsi %min3A_55, %min3A_56 : i32
    %add3A_58 = arith.addi %mul3A_35, %min3A_57 : i32
    %dma_start3A_59 = arith.constant 1 : i32
    %dma_start3A_60 = arith.constant 0 : i32
    %dma_start3A_61 = arith.constant 1 : i32
    %dma_start3A_62 = arith.constant 0 : i32
    %dma_start3A_63 = arith.constant 0 : i32
    %dma_start3A_64 = tpu.memref_slice %arg5[%dma_start3A_60, %dma_start3A_61, %dma_start3A_63] : memref<5x2x128xi32, #tpu.memory_space<vmem>> -> memref<1x1x128xi32, #tpu.memory_space<vmem>>
    %dma_start3A_65 = tpu.memref_squeeze %dma_start3A_64 : memref<1x1x128xi32, #tpu.memory_space<vmem>> -> memref<128xi32, #tpu.memory_space<vmem>>
    %dma_start3A_66 = tpu.memref_slice %arg3[%dma_start3A_59, %add3A_58] : memref<2x320000xi32, #tpu.memory_space<hbm>> -> memref<1x128xi32, #tpu.memory_space<hbm>>
    %dma_start3A_67 = tpu.memref_squeeze %dma_start3A_66 : memref<1x128xi32, #tpu.memory_space<hbm>> -> memref<128xi32, #tpu.memory_space<hbm>>
    %dma_start3A_68 = tpu.memref_slice %arg9[%dma_start3A_62] : memref<5x!tpu.dma_semaphore, #tpu.memory_space<semaphore_mem>> -> memref<1x!tpu.dma_semaphore, #tpu.memory_space<semaphore_mem>>
    %dma_start3A_69 = tpu.memref_squeeze %dma_start3A_68 : memref<1x!tpu.dma_semaphore, #tpu.memory_space<semaphore_mem>> -> memref<!tpu.dma_semaphore, #tpu.memory_space<semaphore_mem>>
    %dma_start3A_70 = arith.constant 0 : i32
    %dma_start3A_71 = tpu.memref_slice %arg5[%dma_start3A_60, %dma_start3A_61, %dma_start3A_70] : memref<5x2x128xi32, #tpu.memory_space<vmem>> -> memref<1x1x128xi32, #tpu.memory_space<vmem>>
    %dma_start3A_72 = tpu.memref_squeeze %dma_start3A_71 : memref<1x1x128xi32, #tpu.memory_space<vmem>> -> memref<128xi32, #tpu.memory_space<vmem>>
    %dma_start3A_73 = tpu.memref_slice %arg3[%dma_start3A_59, %add3A_58] : memref<2x320000xi32, #tpu.memory_space<hbm>> -> memref<1x128xi32, #tpu.memory_space<hbm>>
    %dma_start3A_74 = tpu.memref_squeeze %dma_start3A_73 : memref<1x128xi32, #tpu.memory_space<hbm>> -> memref<128xi32, #tpu.memory_space<hbm>>
    tpu.enqueue_dma source(%dma_start3A_74 : memref<128xi32, #tpu.memory_space<hbm>>) target(%dma_start3A_72 : memref<128xi32, #tpu.memory_space<vmem>>) target_semaphore(%dma_start3A_69 : memref<!tpu.dma_semaphore, #tpu.memory_space<semaphore_mem>>)
    %min3A_75 = arith.constant 128 : i32
    %min3A_76 = arith.constant 19872 : i32
    %min3A_77 = arith.minsi %min3A_75, %min3A_76 : i32
    %add3A_78 = arith.addi %mul3A_35, %min3A_77 : i32
    %dma_start3A_79 = arith.constant 0 : i32
    %dma_start3A_80 = arith.constant 1 : i32
    %dma_start3A_81 = arith.constant 0 : i32
    %dma_start3A_82 = arith.constant 1 : i32
    %dma_start3A_83 = arith.constant 0 : i32
    %dma_start3A_84 = tpu.memref_slice %arg5[%dma_start3A_80, %dma_start3A_81, %dma_start3A_83] : memref<5x2x128xi32, #tpu.memory_space<vmem>> -> memref<1x1x128xi32, #tpu.memory_space<vmem>>
    %dma_start3A_85 = tpu.memref_squeeze %dma_start3A_84 : memref<1x1x128xi32, #tpu.memory_space<vmem>> -> memref<128xi32, #tpu.memory_space<vmem>>
    %dma_start3A_86 = tpu.memref_slice %arg3[%dma_start3A_79, %add3A_78] : memref<2x320000xi32, #tpu.memory_space<hbm>> -> memref<1x128xi32, #tpu.memory_space<hbm>>
    %dma_start3A_87 = tpu.memref_squeeze %dma_start3A_86 : memref<1x128xi32, #tpu.memory_space<hbm>> -> memref<128xi32, #tpu.memory_space<hbm>>
    %dma_start3A_88 = tpu.memref_slice %arg9[%dma_start3A_82] : memref<5x!tpu.dma_semaphore, #tpu.memory_space<semaphore_mem>> -> memref<1x!tpu.dma_semaphore, #tpu.memory_space<semaphore_mem>>
    %dma_start3A_89 = tpu.memref_squeeze %dma_start3A_88 : memref<1x!tpu.dma_semaphore, #tpu.memory_space<semaphore_mem>> -> memref<!tpu.dma_semaphore, #tpu.memory_space<semaphore_mem>>
    %dma_start3A_90 = arith.constant 0 : i32
    %dma_start3A_91 = tpu.memref_slice %arg5[%dma_start3A_80, %dma_start3A_81, %dma_start3A_90] : memref<5x2x128xi32, #tpu.memory_space<vmem>> -> memref<1x1x128xi32, #tpu.memory_space<vmem>>
    %dma_start3A_92 = tpu.memref_squeeze %dma_start3A_91 : memref<1x1x128xi32, #tpu.memory_space<vmem>> -> memref<128xi32, #tpu.memory_space<vmem>>
    %dma_start3A_93 = tpu.memref_slice %arg3[%dma_start3A_79, %add3A_78] : memref<2x320000xi32, #tpu.memory_space<hbm>> -> memref<1x128xi32, #tpu.memory_space<hbm>>
    %dma_start3A_94 = tpu.memref_squeeze %dma_start3A_93 : memref<1x128xi32, #tpu.memory_space<hbm>> -> memref<128xi32, #tpu.memory_space<hbm>>
    tpu.enqueue_dma source(%dma_start3A_94 : memref<128xi32, #tpu.memory_space<hbm>>) target(%dma_start3A_92 : memref<128xi32, #tpu.memory_space<vmem>>) target_semaphore(%dma_start3A_89 : memref<!tpu.dma_semaphore, #tpu.memory_space<semaphore_mem>>)
    %min3A_95 = arith.constant 128 : i32
    %min3A_96 = arith.constant 19872 : i32
    %min3A_97 = arith.minsi %min3A_95, %min3A_96 : i32
    %add3A_98 = arith.addi %mul3A_35, %min3A_97 : i32
    %dma_start3A_99 = arith.constant 1 : i32
    %dma_start3A_100 = arith.constant 1 : i32
    %dma_start3A_101 = arith.constant 1 : i32
    %dma_start3A_102 = arith.constant 1 : i32
    %dma_start3A_103 = arith.constant 0 : i32
    %dma_start3A_104 = tpu.memref_slice %arg5[%dma_start3A_100, %dma_start3A_101, %dma_start3A_103] : memref<5x2x128xi32, #tpu.memory_space<vmem>> -> memref<1x1x128xi32, #tpu.memory_space<vmem>>
    %dma_start3A_105 = tpu.memref_squeeze %dma_start3A_104 : memref<1x1x128xi32, #tpu.memory_space<vmem>> -> memref<128xi32, #tpu.memory_space<vmem>>
    %dma_start3A_106 = tpu.memref_slice %arg3[%dma_start3A_99, %add3A_98] : memref<2x320000xi32, #tpu.memory_space<hbm>> -> memref<1x128xi32, #tpu.memory_space<hbm>>
    %dma_start3A_107 = tpu.memref_squeeze %dma_start3A_106 : memref<1x128xi32, #tpu.memory_space<hbm>> -> memref<128xi32, #tpu.memory_space<hbm>>
    %dma_start3A_108 = tpu.memref_slice %arg9[%dma_start3A_102] : memref<5x!tpu.dma_semaphore, #tpu.memory_space<semaphore_mem>> -> memref<1x!tpu.dma_semaphore, #tpu.memory_space<semaphore_mem>>
    %dma_start3A_109 = tpu.memref_squeeze %dma_start3A_108 : memref<1x!tpu.dma_semaphore, #tpu.memory_space<semaphore_mem>> -> memref<!tpu.dma_semaphore, #tpu.memory_space<semaphore_mem>>
    %dma_start3A_110 = arith.constant 0 : i32
    %dma_start3A_111 = tpu.memref_slice %arg5[%dma_start3A_100, %dma_start3A_101, %dma_start3A_110] : memref<5x2x128xi32, #tpu.memory_space<vmem>> -> memref<1x1x128xi32, #tpu.memory_space<vmem>>
    %dma_start3A_112 = tpu.memref_squeeze %dma_start3A_111 : memref<1x1x128xi32, #tpu.memory_space<vmem>> -> memref<128xi32, #tpu.memory_space<vmem>>
    %dma_start3A_113 = tpu.memref_slice %arg3[%dma_start3A_99, %add3A_98] : memref<2x320000xi32, #tpu.memory_space<hbm>> -> memref<1x128xi32, #tpu.memory_space<hbm>>
    %dma_start3A_114 = tpu.memref_squeeze %dma_start3A_113 : memref<1x128xi32, #tpu.memory_space<hbm>> -> memref<128xi32, #tpu.memory_space<hbm>>
    tpu.enqueue_dma source(%dma_start3A_114 : memref<128xi32, #tpu.memory_space<hbm>>) target(%dma_start3A_112 : memref<128xi32, #tpu.memory_space<vmem>>) target_semaphore(%dma_start3A_109 : memref<!tpu.dma_semaphore, #tpu.memory_space<semaphore_mem>>)
    %min3A_115 = arith.constant 256 : i32
    %min3A_116 = arith.constant 19872 : i32
    %min3A_117 = arith.minsi %min3A_115, %min3A_116 : i32
    %add3A_118 = arith.addi %mul3A_35, %min3A_117 : i32
    %dma_start3A_119 = arith.constant 0 : i32
    %dma_start3A_120 = arith.constant 2 : i32
    %dma_start3A_121 = arith.constant 0 : i32
    %dma_start3A_122 = arith.constant 2 : i32
    %dma_start3A_123 = arith.constant 0 : i32
    %dma_start3A_124 = tpu.memref_slice %arg5[%dma_start3A_120, %dma_start3A_121, %dma_start3A_123] : memref<5x2x128xi32, #tpu.memory_space<vmem>> -> memref<1x1x128xi32, #tpu.memory_space<vmem>>
    %dma_start3A_125 = tpu.memref_squeeze %dma_start3A_124 : memref<1x1x128xi32, #tpu.memory_space<vmem>> -> memref<128xi32, #tpu.memory_space<vmem>>
    %dma_start3A_126 = tpu.memref_slice %arg3[%dma_start3A_119, %add3A_118] : memref<2x320000xi32, #tpu.memory_space<hbm>> -> memref<1x128xi32, #tpu.memory_space<hbm>>
    %dma_start3A_127 = tpu.memref_squeeze %dma_start3A_126 : memref<1x128xi32, #tpu.memory_space<hbm>> -> memref<128xi32, #tpu.memory_space<hbm>>
    %dma_start3A_128 = tpu.memref_slice %arg9[%dma_start3A_122] : memref<5x!tpu.dma_semaphore, #tpu.memory_space<semaphore_mem>> -> memref<1x!tpu.dma_semaphore, #tpu.memory_space<semaphore_mem>>
    %dma_start3A_129 = tpu.memref_squeeze %dma_start3A_128 : memref<1x!tpu.dma_semaphore, #tpu.memory_space<semaphore_mem>> -> memref<!tpu.dma_semaphore, #tpu.memory_space<semaphore_mem>>
    %dma_start3A_130 = arith.constant 0 : i32
    %dma_start3A_131 = tpu.memref_slice %arg5[%dma_start3A_120, %dma_start3A_121, %dma_start3A_130] : memref<5x2x128xi32, #tpu.memory_space<vmem>> -> memref<1x1x128xi32, #tpu.memory_space<vmem>>
    %dma_start3A_132 = tpu.memref_squeeze %dma_start3A_131 : memref<1x1x128xi32, #tpu.memory_space<vmem>> -> memref<128xi32, #tpu.memory_space<vmem>>
    %dma_start3A_133 = tpu.memref_slice %arg3[%dma_start3A_119, %add3A_118] : memref<2x320000xi32, #tpu.memory_space<hbm>> -> memref<1x128xi32, #tpu.memory_space<hbm>>
    %dma_start3A_134 = tpu.memref_squeeze %dma_start3A_133 : memref<1x128xi32, #tpu.memory_space<hbm>> -> memref<128xi32, #tpu.memory_space<hbm>>
    tpu.enqueue_dma source(%dma_start3A_134 : memref<128xi32, #tpu.memory_space<hbm>>) target(%dma_start3A_132 : memref<128xi32, #tpu.memory_space<vmem>>) target_semaphore(%dma_start3A_129 : memref<!tpu.dma_semaphore, #tpu.memory_space<semaphore_mem>>)
    %min3A_135 = arith.constant 256 : i32
    %min3A_136 = arith.constant 19872 : i32
    %min3A_137 = arith.minsi %min3A_135, %min3A_136 : i32
    %add3A_138 = arith.addi %mul3A_35, %min3A_137 : i32
    %dma_start3A_139 = arith.constant 1 : i32
    %dma_start3A_140 = arith.constant 2 : i32
    %dma_start3A_141 = arith.constant 1 : i32
    %dma_start3A_142 = arith.constant 2 : i32
    %dma_start3A_143 = arith.constant 0 : i32
    %dma_start3A_144 = tpu.memref_slice %arg5[%dma_start3A_140, %dma_start3A_141, %dma_start3A_143] : memref<5x2x128xi32, #tpu.memory_space<vmem>> -> memref<1x1x128xi32, #tpu.memory_space<vmem>>
    %dma_start3A_145 = tpu.memref_squeeze %dma_start3A_144 : memref<1x1x128xi32, #tpu.memory_space<vmem>> -> memref<128xi32, #tpu.memory_space<vmem>>
    %dma_start3A_146 = tpu.memref_slice %arg3[%dma_start3A_139, %add3A_138] : memref<2x320000xi32, #tpu.memory_space<hbm>> -> memref<1x128xi32, #tpu.memory_space<hbm>>
    %dma_start3A_147 = tpu.memref_squeeze %dma_start3A_146 : memref<1x128xi32, #tpu.memory_space<hbm>> -> memref<128xi32, #tpu.memory_space<hbm>>
    %dma_start3A_148 = tpu.memref_slice %arg9[%dma_start3A_142] : memref<5x!tpu.dma_semaphore, #tpu.memory_space<semaphore_mem>> -> memref<1x!tpu.dma_semaphore, #tpu.memory_space<semaphore_mem>>
    %dma_start3A_149 = tpu.memref_squeeze %dma_start3A_148 : memref<1x!tpu.dma_semaphore, #tpu.memory_space<semaphore_mem>> -> memref<!tpu.dma_semaphore, #tpu.memory_space<semaphore_mem>>
    %dma_start3A_150 = arith.constant 0 : i32
    %dma_start3A_151 = tpu.memref_slice %arg5[%dma_start3A_140, %dma_start3A_141, %dma_start3A_150] : memref<5x2x128xi32, #tpu.memory_space<vmem>> -> memref<1x1x128xi32, #tpu.memory_space<vmem>>
    %dma_start3A_152 = tpu.memref_squeeze %dma_start3A_151 : memref<1x1x128xi32, #tpu.memory_space<vmem>> -> memref<128xi32, #tpu.memory_space<vmem>>
    %dma_start3A_153 = tpu.memref_slice %arg3[%dma_start3A_139, %add3A_138] : memref<2x320000xi32, #tpu.memory_space<hbm>> -> memref<1x128xi32, #tpu.memory_space<hbm>>
    %dma_start3A_154 = tpu.memref_squeeze %dma_start3A_153 : memref<1x128xi32, #tpu.memory_space<hbm>> -> memref<128xi32, #tpu.memory_space<hbm>>
    tpu.enqueue_dma source(%dma_start3A_154 : memref<128xi32, #tpu.memory_space<hbm>>) target(%dma_start3A_152 : memref<128xi32, #tpu.memory_space<vmem>>) target_semaphore(%dma_start3A_149 : memref<!tpu.dma_semaphore, #tpu.memory_space<semaphore_mem>>)
    %min3A_155 = arith.constant 384 : i32
    %min3A_156 = arith.constant 19872 : i32
    %min3A_157 = arith.minsi %min3A_155, %min3A_156 : i32
    %add3A_158 = arith.addi %mul3A_35, %min3A_157 : i32
    %dma_start3A_159 = arith.constant 0 : i32
    %dma_start3A_160 = arith.constant 3 : i32
    %dma_start3A_161 = arith.constant 0 : i32
    %dma_start3A_162 = arith.constant 3 : i32
    %dma_start3A_163 = arith.constant 0 : i32
    %dma_start3A_164 = tpu.memref_slice %arg5[%dma_start3A_160, %dma_start3A_161, %dma_start3A_163] : memref<5x2x128xi32, #tpu.memory_space<vmem>> -> memref<1x1x128xi32, #tpu.memory_space<vmem>>
    %dma_start3A_165 = tpu.memref_squeeze %dma_start3A_164 : memref<1x1x128xi32, #tpu.memory_space<vmem>> -> memref<128xi32, #tpu.memory_space<vmem>>
    %dma_start3A_166 = tpu.memref_slice %arg3[%dma_start3A_159, %add3A_158] : memref<2x320000xi32, #tpu.memory_space<hbm>> -> memref<1x128xi32, #tpu.memory_space<hbm>>
    %dma_start3A_167 = tpu.memref_squeeze %dma_start3A_166 : memref<1x128xi32, #tpu.memory_space<hbm>> -> memref<128xi32, #tpu.memory_space<hbm>>
    %dma_start3A_168 = tpu.memref_slice %arg9[%dma_start3A_162] : memref<5x!tpu.dma_semaphore, #tpu.memory_space<semaphore_mem>> -> memref<1x!tpu.dma_semaphore, #tpu.memory_space<semaphore_mem>>
    %dma_start3A_169 = tpu.memref_squeeze %dma_start3A_168 : memref<1x!tpu.dma_semaphore, #tpu.memory_space<semaphore_mem>> -> memref<!tpu.dma_semaphore, #tpu.memory_space<semaphore_mem>>
    %dma_start3A_170 = arith.constant 0 : i32
    %dma_start3A_171 = tpu.memref_slice %arg5[%dma_start3A_160, %dma_start3A_161, %dma_start3A_170] : memref<5x2x128xi32, #tpu.memory_space<vmem>> -> memref<1x1x128xi32, #tpu.memory_space<vmem>>
    %dma_start3A_172 = tpu.memref_squeeze %dma_start3A_171 : memref<1x1x128xi32, #tpu.memory_space<vmem>> -> memref<128xi32, #tpu.memory_space<vmem>>
    %dma_start3A_173 = tpu.memref_slice %arg3[%dma_start3A_159, %add3A_158] : memref<2x320000xi32, #tpu.memory_space<hbm>> -> memref<1x128xi32, #tpu.memory_space<hbm>>
    %dma_start3A_174 = tpu.memref_squeeze %dma_start3A_173 : memref<1x128xi32, #tpu.memory_space<hbm>> -> memref<128xi32, #tpu.memory_space<hbm>>
    tpu.enqueue_dma source(%dma_start3A_174 : memref<128xi32, #tpu.memory_space<hbm>>) target(%dma_start3A_172 : memref<128xi32, #tpu.memory_space<vmem>>) target_semaphore(%dma_start3A_169 : memref<!tpu.dma_semaphore, #tpu.memory_space<semaphore_mem>>)
    %min3A_175 = arith.constant 384 : i32
    %min3A_176 = arith.constant 19872 : i32
    %min3A_177 = arith.minsi %min3A_175, %min3A_176 : i32
    %add3A_178 = arith.addi %mul3A_35, %min3A_177 : i32
    %dma_start3A_179 = arith.constant 1 : i32
    %dma_start3A_180 = arith.constant 3 : i32
    %dma_start3A_181 = arith.constant 1 : i32
    %dma_start3A_182 = arith.constant 3 : i32
    %dma_start3A_183 = arith.constant 0 : i32
    %dma_start3A_184 = tpu.memref_slice %arg5[%dma_start3A_180, %dma_start3A_181, %dma_start3A_183] : memref<5x2x128xi32, #tpu.memory_space<vmem>> -> memref<1x1x128xi32, #tpu.memory_space<vmem>>
    %dma_start3A_185 = tpu.memref_squeeze %dma_start3A_184 : memref<1x1x128xi32, #tpu.memory_space<vmem>> -> memref<128xi32, #tpu.memory_space<vmem>>
    %dma_start3A_186 = tpu.memref_slice %arg3[%dma_start3A_179, %add3A_178] : memref<2x320000xi32, #tpu.memory_space<hbm>> -> memref<1x128xi32, #tpu.memory_space<hbm>>
    %dma_start3A_187 = tpu.memref_squeeze %dma_start3A_186 : memref<1x128xi32, #tpu.memory_space<hbm>> -> memref<128xi32, #tpu.memory_space<hbm>>
    %dma_start3A_188 = tpu.memref_slice %arg9[%dma_start3A_182] : memref<5x!tpu.dma_semaphore, #tpu.memory_space<semaphore_mem>> -> memref<1x!tpu.dma_semaphore, #tpu.memory_space<semaphore_mem>>
    %dma_start3A_189 = tpu.memref_squeeze %dma_start3A_188 : memref<1x!tpu.dma_semaphore, #tpu.memory_space<semaphore_mem>> -> memref<!tpu.dma_semaphore, #tpu.memory_space<semaphore_mem>>
    %dma_start3A_190 = arith.constant 0 : i32
    %dma_start3A_191 = tpu.memref_slice %arg5[%dma_start3A_180, %dma_start3A_181, %dma_start3A_190] : memref<5x2x128xi32, #tpu.memory_space<vmem>> -> memref<1x1x128xi32, #tpu.memory_space<vmem>>
    %dma_start3A_192 = tpu.memref_squeeze %dma_start3A_191 : memref<1x1x128xi32, #tpu.memory_space<vmem>> -> memref<128xi32, #tpu.memory_space<vmem>>
    %dma_start3A_193 = tpu.memref_slice %arg3[%dma_start3A_179, %add3A_178] : memref<2x320000xi32, #tpu.memory_space<hbm>> -> memref<1x128xi32, #tpu.memory_space<hbm>>
    %dma_start3A_194 = tpu.memref_squeeze %dma_start3A_193 : memref<1x128xi32, #tpu.memory_space<hbm>> -> memref<128xi32, #tpu.memory_space<hbm>>
    tpu.enqueue_dma source(%dma_start3A_194 : memref<128xi32, #tpu.memory_space<hbm>>) target(%dma_start3A_192 : memref<128xi32, #tpu.memory_space<vmem>>) target_semaphore(%dma_start3A_189 : memref<!tpu.dma_semaphore, #tpu.memory_space<semaphore_mem>>)
    %min3A_195 = arith.constant 512 : i32
    %min3A_196 = arith.constant 19872 : i32
    %min3A_197 = arith.minsi %min3A_195, %min3A_196 : i32
    %add3A_198 = arith.addi %mul3A_35, %min3A_197 : i32
    %dma_start3A_199 = arith.constant 0 : i32
    %dma_start3A_200 = arith.constant 4 : i32
    %dma_start3A_201 = arith.constant 0 : i32
    %dma_start3A_202 = arith.constant 4 : i32
    %dma_start3A_203 = arith.constant 0 : i32
    %dma_start3A_204 = tpu.memref_slice %arg5[%dma_start3A_200, %dma_start3A_201, %dma_start3A_203] : memref<5x2x128xi32, #tpu.memory_space<vmem>> -> memref<1x1x128xi32, #tpu.memory_space<vmem>>
    %dma_start3A_205 = tpu.memref_squeeze %dma_start3A_204 : memref<1x1x128xi32, #tpu.memory_space<vmem>> -> memref<128xi32, #tpu.memory_space<vmem>>
    %dma_start3A_206 = tpu.memref_slice %arg3[%dma_start3A_199, %add3A_198] : memref<2x320000xi32, #tpu.memory_space<hbm>> -> memref<1x128xi32, #tpu.memory_space<hbm>>
    %dma_start3A_207 = tpu.memref_squeeze %dma_start3A_206 : memref<1x128xi32, #tpu.memory_space<hbm>> -> memref<128xi32, #tpu.memory_space<hbm>>
    %dma_start3A_208 = tpu.memref_slice %arg9[%dma_start3A_202] : memref<5x!tpu.dma_semaphore, #tpu.memory_space<semaphore_mem>> -> memref<1x!tpu.dma_semaphore, #tpu.memory_space<semaphore_mem>>
    %dma_start3A_209 = tpu.memref_squeeze %dma_start3A_208 : memref<1x!tpu.dma_semaphore, #tpu.memory_space<semaphore_mem>> -> memref<!tpu.dma_semaphore, #tpu.memory_space<semaphore_mem>>
    %dma_start3A_210 = arith.constant 0 : i32
    %dma_start3A_211 = tpu.memref_slice %arg5[%dma_start3A_200, %dma_start3A_201, %dma_start3A_210] : memref<5x2x128xi32, #tpu.memory_space<vmem>> -> memref<1x1x128xi32, #tpu.memory_space<vmem>>
    %dma_start3A_212 = tpu.memref_squeeze %dma_start3A_211 : memref<1x1x128xi32, #tpu.memory_space<vmem>> -> memref<128xi32, #tpu.memory_space<vmem>>
    %dma_start3A_213 = tpu.memref_slice %arg3[%dma_start3A_199, %add3A_198] : memref<2x320000xi32, #tpu.memory_space<hbm>> -> memref<1x128xi32, #tpu.memory_space<hbm>>
    %dma_start3A_214 = tpu.memref_squeeze %dma_start3A_213 : memref<1x128xi32, #tpu.memory_space<hbm>> -> memref<128xi32, #tpu.memory_space<hbm>>
    tpu.enqueue_dma source(%dma_start3A_214 : memref<128xi32, #tpu.memory_space<hbm>>) target(%dma_start3A_212 : memref<128xi32, #tpu.memory_space<vmem>>) target_semaphore(%dma_start3A_209 : memref<!tpu.dma_semaphore, #tpu.memory_space<semaphore_mem>>)
    %min3A_215 = arith.constant 512 : i32
    %min3A_216 = arith.constant 19872 : i32
    %min3A_217 = arith.minsi %min3A_215, %min3A_216 : i32
    %add3A_218 = arith.addi %mul3A_35, %min3A_217 : i32
    %dma_start3A_219 = arith.constant 1 : i32
    %dma_start3A_220 = arith.constant 4 : i32
    %dma_start3A_221 = arith.constant 1 : i32
    %dma_start3A_222 = arith.constant 4 : i32
    %dma_start3A_223 = arith.constant 0 : i32
    %dma_start3A_224 = tpu.memref_slice %arg5[%dma_start3A_220, %dma_start3A_221, %dma_start3A_223] : memref<5x2x128xi32, #tpu.memory_space<vmem>> -> memref<1x1x128xi32, #tpu.memory_space<vmem>>
    %dma_start3A_225 = tpu.memref_squeeze %dma_start3A_224 : memref<1x1x128xi32, #tpu.memory_space<vmem>> -> memref<128xi32, #tpu.memory_space<vmem>>
    %dma_start3A_226 = tpu.memref_slice %arg3[%dma_start3A_219, %add3A_218] : memref<2x320000xi32, #tpu.memory_space<hbm>> -> memref<1x128xi32, #tpu.memory_space<hbm>>
    %dma_start3A_227 = tpu.memref_squeeze %dma_start3A_226 : memref<1x128xi32, #tpu.memory_space<hbm>> -> memref<128xi32, #tpu.memory_space<hbm>>
    %dma_start3A_228 = tpu.memref_slice %arg9[%dma_start3A_222] : memref<5x!tpu.dma_semaphore, #tpu.memory_space<semaphore_mem>> -> memref<1x!tpu.dma_semaphore, #tpu.memory_space<semaphore_mem>>
    %dma_start3A_229 = tpu.memref_squeeze %dma_start3A_228 : memref<1x!tpu.dma_semaphore, #tpu.memory_space<semaphore_mem>> -> memref<!tpu.dma_semaphore, #tpu.memory_space<semaphore_mem>>
    %dma_start3A_230 = arith.constant 0 : i32
    %dma_start3A_231 = tpu.memref_slice %arg5[%dma_start3A_220, %dma_start3A_221, %dma_start3A_230] : memref<5x2x128xi32, #tpu.memory_space<vmem>> -> memref<1x1x128xi32, #tpu.memory_space<vmem>>
    %dma_start3A_232 = tpu.memref_squeeze %dma_start3A_231 : memref<1x1x128xi32, #tpu.memory_space<vmem>> -> memref<128xi32, #tpu.memory_space<vmem>>
    %dma_start3A_233 = tpu.memref_slice %arg3[%dma_start3A_219, %add3A_218] : memref<2x320000xi32, #tpu.memory_space<hbm>> -> memref<1x128xi32, #tpu.memory_space<hbm>>
    %dma_start3A_234 = tpu.memref_squeeze %dma_start3A_233 : memref<1x128xi32, #tpu.memory_space<hbm>> -> memref<128xi32, #tpu.memory_space<hbm>>
    tpu.enqueue_dma source(%dma_start3A_234 : memref<128xi32, #tpu.memory_space<hbm>>) target(%dma_start3A_232 : memref<128xi32, #tpu.memory_space<vmem>>) target_semaphore(%dma_start3A_229 : memref<!tpu.dma_semaphore, #tpu.memory_space<semaphore_mem>>)
    %min3A_235 = arith.constant 0 : i32
    %min3A_236 = arith.constant 19872 : i32
    %min3A_237 = arith.minsi %min3A_235, %min3A_236 : i32
    %add3A_238 = arith.addi %mul3A_35, %min3A_237 : i32
    %dma_wait3A_239 = arith.constant 0 : i32
    %dma_wait3A_240 = arith.constant 0 : i32
    %dma_wait3A_241 = arith.constant 0 : i32
    %dma_wait3A_242 = arith.constant 0 : i32
    %dma_wait3A_243 = arith.constant 0 : i32
    %dma_wait3A_244 = tpu.memref_slice %arg5[%dma_wait3A_240, %dma_wait3A_241, %dma_wait3A_243] : memref<5x2x128xi32, #tpu.memory_space<vmem>> -> memref<1x1x128xi32, #tpu.memory_space<vmem>>
    %dma_wait3A_245 = tpu.memref_squeeze %dma_wait3A_244 : memref<1x1x128xi32, #tpu.memory_space<vmem>> -> memref<128xi32, #tpu.memory_space<vmem>>
    %dma_wait3A_246 = tpu.memref_slice %arg3[%dma_wait3A_239, %add3A_238] : memref<2x320000xi32, #tpu.memory_space<hbm>> -> memref<1x128xi32, #tpu.memory_space<hbm>>
    %dma_wait3A_247 = tpu.memref_squeeze %dma_wait3A_246 : memref<1x128xi32, #tpu.memory_space<hbm>> -> memref<128xi32, #tpu.memory_space<hbm>>
    %dma_wait3A_248 = tpu.memref_slice %arg9[%dma_wait3A_242] : memref<5x!tpu.dma_semaphore, #tpu.memory_space<semaphore_mem>> -> memref<1x!tpu.dma_semaphore, #tpu.memory_space<semaphore_mem>>
    %dma_wait3A_249 = tpu.memref_squeeze %dma_wait3A_248 : memref<1x!tpu.dma_semaphore, #tpu.memory_space<semaphore_mem>> -> memref<!tpu.dma_semaphore, #tpu.memory_space<semaphore_mem>>
    %dma_wait3A_250 = arith.constant 0 : i32
    %dma_wait3A_251 = tpu.memref_slice %arg5[%dma_wait3A_240, %dma_wait3A_241, %dma_wait3A_250] : memref<5x2x128xi32, #tpu.memory_space<vmem>> -> memref<1x1x128xi32, #tpu.memory_space<vmem>>
    %dma_wait3A_252 = tpu.memref_squeeze %dma_wait3A_251 : memref<1x1x128xi32, #tpu.memory_space<vmem>> -> memref<128xi32, #tpu.memory_space<vmem>>
    %dma_wait3A_253 = tpu.memref_slice %arg3[%dma_wait3A_239, %add3A_238] : memref<2x320000xi32, #tpu.memory_space<hbm>> -> memref<1x128xi32, #tpu.memory_space<hbm>>
    %dma_wait3A_254 = tpu.memref_squeeze %dma_wait3A_253 : memref<1x128xi32, #tpu.memory_space<hbm>> -> memref<128xi32, #tpu.memory_space<hbm>>
    tpu.wait_dma2 semaphore(%dma_wait3A_249 : memref<!tpu.dma_semaphore, #tpu.memory_space<semaphore_mem>>) src(%dma_wait3A_254 : memref<128xi32, #tpu.memory_space<hbm>>) dst(%dma_wait3A_252 : memref<128xi32, #tpu.memory_space<vmem>>)
    %min3A_255 = arith.constant 0 : i32
    %min3A_256 = arith.constant 19872 : i32
    %min3A_257 = arith.minsi %min3A_255, %min3A_256 : i32
    %add3A_258 = arith.addi %mul3A_35, %min3A_257 : i32
    %dma_wait3A_259 = arith.constant 1 : i32
    %dma_wait3A_260 = arith.constant 0 : i32
    %dma_wait3A_261 = arith.constant 1 : i32
    %dma_wait3A_262 = arith.constant 0 : i32
    %dma_wait3A_263 = arith.constant 0 : i32
    %dma_wait3A_264 = tpu.memref_slice %arg5[%dma_wait3A_260, %dma_wait3A_261, %dma_wait3A_263] : memref<5x2x128xi32, #tpu.memory_space<vmem>> -> memref<1x1x128xi32, #tpu.memory_space<vmem>>
    %dma_wait3A_265 = tpu.memref_squeeze %dma_wait3A_264 : memref<1x1x128xi32, #tpu.memory_space<vmem>> -> memref<128xi32, #tpu.memory_space<vmem>>
    %dma_wait3A_266 = tpu.memref_slice %arg3[%dma_wait3A_259, %add3A_258] : memref<2x320000xi32, #tpu.memory_space<hbm>> -> memref<1x128xi32, #tpu.memory_space<hbm>>
    %dma_wait3A_267 = tpu.memref_squeeze %dma_wait3A_266 : memref<1x128xi32, #tpu.memory_space<hbm>> -> memref<128xi32, #tpu.memory_space<hbm>>
    %dma_wait3A_268 = tpu.memref_slice %arg9[%dma_wait3A_262] : memref<5x!tpu.dma_semaphore, #tpu.memory_space<semaphore_mem>> -> memref<1x!tpu.dma_semaphore, #tpu.memory_space<semaphore_mem>>
    %dma_wait3A_269 = tpu.memref_squeeze %dma_wait3A_268 : memref<1x!tpu.dma_semaphore, #tpu.memory_space<semaphore_mem>> -> memref<!tpu.dma_semaphore, #tpu.memory_space<semaphore_mem>>
    %dma_wait3A_270 = arith.constant 0 : i32
    %dma_wait3A_271 = tpu.memref_slice %arg5[%dma_wait3A_260, %dma_wait3A_261, %dma_wait3A_270] : memref<5x2x128xi32, #tpu.memory_space<vmem>> -> memref<1x1x128xi32, #tpu.memory_space<vmem>>
    %dma_wait3A_272 = tpu.memref_squeeze %dma_wait3A_271 : memref<1x1x128xi32, #tpu.memory_space<vmem>> -> memref<128xi32, #tpu.memory_space<vmem>>
    %dma_wait3A_273 = tpu.memref_slice %arg3[%dma_wait3A_259, %add3A_258] : memref<2x320000xi32, #tpu.memory_space<hbm>> -> memref<1x128xi32, #tpu.memory_space<hbm>>
    %dma_wait3A_274 = tpu.memref_squeeze %dma_wait3A_273 : memref<1x128xi32, #tpu.memory_space<hbm>> -> memref<128xi32, #tpu.memory_space<hbm>>
    tpu.wait_dma2 semaphore(%dma_wait3A_269 : memref<!tpu.dma_semaphore, #tpu.memory_space<semaphore_mem>>) src(%dma_wait3A_274 : memref<128xi32, #tpu.memory_space<hbm>>) dst(%dma_wait3A_272 : memref<128xi32, #tpu.memory_space<vmem>>)
    %dma_start3A_275 = arith.constant 0 : i32
    %dma_start3A_276 = arith.constant 0 : i32
    %dma_start3A_277 = arith.constant 0 : i32
    %dma_start3A_278 = arith.constant 0 : i32
    %dma_start3A_279 = arith.constant 0 : i32
    %dma_start3A_280 = arith.constant 0 : i32
    %dma_start3A_281 = tpu.memref_slice %arg6[%dma_start3A_277, %dma_start3A_279, %dma_start3A_280] : memref<5x128x64xf32, #tpu.memory_space<vmem>> -> memref<1x128x64xf32, #tpu.memory_space<vmem>>
    %dma_start3A_282 = tpu.memref_squeeze %dma_start3A_281 : memref<1x128x64xf32, #tpu.memory_space<vmem>> -> memref<128x64xf32, #tpu.memory_space<vmem>>
    %dma_start3A_283 = arith.constant 0 : i32
    %dma_start3A_284 = tpu.memref_slice %arg5[%dma_start3A_275, %dma_start3A_276, %dma_start3A_283] : memref<5x2x128xi32, #tpu.memory_space<vmem>> -> memref<1x1x128xi32, #tpu.memory_space<vmem>>
    %dma_start3A_285 = tpu.memref_squeeze %dma_start3A_284 : memref<1x1x128xi32, #tpu.memory_space<vmem>> -> memref<128xi32, #tpu.memory_space<vmem>>
    %dma_start3A_286 = arith.constant 0 : i32
    %dma_start3A_287 = arith.constant 0 : i32
    %dma_start3A_288 = tpu.memref_slice %arg7[%dma_start3A_286, %dma_start3A_287] : memref<10240x64xf32, #tpu.memory_space<vmem_shared>> -> memref<10240x64xf32, #tpu.memory_space<vmem_shared>>
    %dma_start3A_289 = tpu.memref_slice %arg10[%dma_start3A_278] : memref<5x!tpu.dma_semaphore, #tpu.memory_space<semaphore_mem>> -> memref<1x!tpu.dma_semaphore, #tpu.memory_space<semaphore_mem>>
    %dma_start3A_290 = tpu.memref_squeeze %dma_start3A_289 : memref<1x!tpu.dma_semaphore, #tpu.memory_space<semaphore_mem>> -> memref<!tpu.dma_semaphore, #tpu.memory_space<semaphore_mem>>
    tpu.enqueue_indirect_dma source(%dma_start3A_288 : memref<10240x64xf32, #tpu.memory_space<vmem_shared>>) target(%dma_start3A_282 : memref<128x64xf32, #tpu.memory_space<vmem>>) offsets(%dma_start3A_285 : memref<128xi32, #tpu.memory_space<vmem>>) semaphore(%dma_start3A_290 : memref<!tpu.dma_semaphore, #tpu.memory_space<semaphore_mem>>)
    %min3A_291 = arith.constant 128 : i32
    %min3A_292 = arith.constant 19872 : i32
    %min3A_293 = arith.minsi %min3A_291, %min3A_292 : i32
    %add3A_294 = arith.addi %mul3A_35, %min3A_293 : i32
    %dma_wait3A_295 = arith.constant 0 : i32
    %dma_wait3A_296 = arith.constant 1 : i32
    %dma_wait3A_297 = arith.constant 0 : i32
    %dma_wait3A_298 = arith.constant 1 : i32
    %dma_wait3A_299 = arith.constant 0 : i32
    %dma_wait3A_300 = tpu.memref_slice %arg5[%dma_wait3A_296, %dma_wait3A_297, %dma_wait3A_299] : memref<5x2x128xi32, #tpu.memory_space<vmem>> -> memref<1x1x128xi32, #tpu.memory_space<vmem>>
    %dma_wait3A_301 = tpu.memref_squeeze %dma_wait3A_300 : memref<1x1x128xi32, #tpu.memory_space<vmem>> -> memref<128xi32, #tpu.memory_space<vmem>>
    %dma_wait3A_302 = tpu.memref_slice %arg3[%dma_wait3A_295, %add3A_294] : memref<2x320000xi32, #tpu.memory_space<hbm>> -> memref<1x128xi32, #tpu.memory_space<hbm>>
    %dma_wait3A_303 = tpu.memref_squeeze %dma_wait3A_302 : memref<1x128xi32, #tpu.memory_space<hbm>> -> memref<128xi32, #tpu.memory_space<hbm>>
    %dma_wait3A_304 = tpu.memref_slice %arg9[%dma_wait3A_298] : memref<5x!tpu.dma_semaphore, #tpu.memory_space<semaphore_mem>> -> memref<1x!tpu.dma_semaphore, #tpu.memory_space<semaphore_mem>>
    %dma_wait3A_305 = tpu.memref_squeeze %dma_wait3A_304 : memref<1x!tpu.dma_semaphore, #tpu.memory_space<semaphore_mem>> -> memref<!tpu.dma_semaphore, #tpu.memory_space<semaphore_mem>>
    %dma_wait3A_306 = arith.constant 0 : i32
    %dma_wait3A_307 = tpu.memref_slice %arg5[%dma_wait3A_296, %dma_wait3A_297, %dma_wait3A_306] : memref<5x2x128xi32, #tpu.memory_space<vmem>> -> memref<1x1x128xi32, #tpu.memory_space<vmem>>
    %dma_wait3A_308 = tpu.memref_squeeze %dma_wait3A_307 : memref<1x1x128xi32, #tpu.memory_space<vmem>> -> memref<128xi32, #tpu.memory_space<vmem>>
    %dma_wait3A_309 = tpu.memref_slice %arg3[%dma_wait3A_295, %add3A_294] : memref<2x320000xi32, #tpu.memory_space<hbm>> -> memref<1x128xi32, #tpu.memory_space<hbm>>
    %dma_wait3A_310 = tpu.memref_squeeze %dma_wait3A_309 : memref<1x128xi32, #tpu.memory_space<hbm>> -> memref<128xi32, #tpu.memory_space<hbm>>
    tpu.wait_dma2 semaphore(%dma_wait3A_305 : memref<!tpu.dma_semaphore, #tpu.memory_space<semaphore_mem>>) src(%dma_wait3A_310 : memref<128xi32, #tpu.memory_space<hbm>>) dst(%dma_wait3A_308 : memref<128xi32, #tpu.memory_space<vmem>>)
    %min3A_311 = arith.constant 128 : i32
    %min3A_312 = arith.constant 19872 : i32
    %min3A_313 = arith.minsi %min3A_311, %min3A_312 : i32
    %add3A_314 = arith.addi %mul3A_35, %min3A_313 : i32
    %dma_wait3A_315 = arith.constant 1 : i32
    %dma_wait3A_316 = arith.constant 1 : i32
    %dma_wait3A_317 = arith.constant 1 : i32
    %dma_wait3A_318 = arith.constant 1 : i32
    %dma_wait3A_319 = arith.constant 0 : i32
    %dma_wait3A_320 = tpu.memref_slice %arg5[%dma_wait3A_316, %dma_wait3A_317, %dma_wait3A_319] : memref<5x2x128xi32, #tpu.memory_space<vmem>> -> memref<1x1x128xi32, #tpu.memory_space<vmem>>
    %dma_wait3A_321 = tpu.memref_squeeze %dma_wait3A_320 : memref<1x1x128xi32, #tpu.memory_space<vmem>> -> memref<128xi32, #tpu.memory_space<vmem>>
    %dma_wait3A_322 = tpu.memref_slice %arg3[%dma_wait3A_315, %add3A_314] : memref<2x320000xi32, #tpu.memory_space<hbm>> -> memref<1x128xi32, #tpu.memory_space<hbm>>
    %dma_wait3A_323 = tpu.memref_squeeze %dma_wait3A_322 : memref<1x128xi32, #tpu.memory_space<hbm>> -> memref<128xi32, #tpu.memory_space<hbm>>
    %dma_wait3A_324 = tpu.memref_slice %arg9[%dma_wait3A_318] : memref<5x!tpu.dma_semaphore, #tpu.memory_space<semaphore_mem>> -> memref<1x!tpu.dma_semaphore, #tpu.memory_space<semaphore_mem>>
    %dma_wait3A_325 = tpu.memref_squeeze %dma_wait3A_324 : memref<1x!tpu.dma_semaphore, #tpu.memory_space<semaphore_mem>> -> memref<!tpu.dma_semaphore, #tpu.memory_space<semaphore_mem>>
    %dma_wait3A_326 = arith.constant 0 : i32
    %dma_wait3A_327 = tpu.memref_slice %arg5[%dma_wait3A_316, %dma_wait3A_317, %dma_wait3A_326] : memref<5x2x128xi32, #tpu.memory_space<vmem>> -> memref<1x1x128xi32, #tpu.memory_space<vmem>>
    %dma_wait3A_328 = tpu.memref_squeeze %dma_wait3A_327 : memref<1x1x128xi32, #tpu.memory_space<vmem>> -> memref<128xi32, #tpu.memory_space<vmem>>
    %dma_wait3A_329 = tpu.memref_slice %arg3[%dma_wait3A_315, %add3A_314] : memref<2x320000xi32, #tpu.memory_space<hbm>> -> memref<1x128xi32, #tpu.memory_space<hbm>>
    %dma_wait3A_330 = tpu.memref_squeeze %dma_wait3A_329 : memref<1x128xi32, #tpu.memory_space<hbm>> -> memref<128xi32, #tpu.memory_space<hbm>>
    tpu.wait_dma2 semaphore(%dma_wait3A_325 : memref<!tpu.dma_semaphore, #tpu.memory_space<semaphore_mem>>) src(%dma_wait3A_330 : memref<128xi32, #tpu.memory_space<hbm>>) dst(%dma_wait3A_328 : memref<128xi32, #tpu.memory_space<vmem>>)
    %dma_start3A_331 = arith.constant 1 : i32
    %dma_start3A_332 = arith.constant 0 : i32
    %dma_start3A_333 = arith.constant 1 : i32
    %dma_start3A_334 = arith.constant 1 : i32
    %dma_start3A_335 = arith.constant 0 : i32
    %dma_start3A_336 = arith.constant 0 : i32
    %dma_start3A_337 = tpu.memref_slice %arg6[%dma_start3A_333, %dma_start3A_335, %dma_start3A_336] : memref<5x128x64xf32, #tpu.memory_space<vmem>> -> memref<1x128x64xf32, #tpu.memory_space<vmem>>
    %dma_start3A_338 = tpu.memref_squeeze %dma_start3A_337 : memref<1x128x64xf32, #tpu.memory_space<vmem>> -> memref<128x64xf32, #tpu.memory_space<vmem>>
    %dma_start3A_339 = arith.constant 0 : i32
    %dma_start3A_340 = tpu.memref_slice %arg5[%dma_start3A_331, %dma_start3A_332, %dma_start3A_339] : memref<5x2x128xi32, #tpu.memory_space<vmem>> -> memref<1x1x128xi32, #tpu.memory_space<vmem>>
    %dma_start3A_341 = tpu.memref_squeeze %dma_start3A_340 : memref<1x1x128xi32, #tpu.memory_space<vmem>> -> memref<128xi32, #tpu.memory_space<vmem>>
    %dma_start3A_342 = arith.constant 0 : i32
    %dma_start3A_343 = arith.constant 0 : i32
    %dma_start3A_344 = tpu.memref_slice %arg7[%dma_start3A_342, %dma_start3A_343] : memref<10240x64xf32, #tpu.memory_space<vmem_shared>> -> memref<10240x64xf32, #tpu.memory_space<vmem_shared>>
    %dma_start3A_345 = tpu.memref_slice %arg10[%dma_start3A_334] : memref<5x!tpu.dma_semaphore, #tpu.memory_space<semaphore_mem>> -> memref<1x!tpu.dma_semaphore, #tpu.memory_space<semaphore_mem>>
    %dma_start3A_346 = tpu.memref_squeeze %dma_start3A_345 : memref<1x!tpu.dma_semaphore, #tpu.memory_space<semaphore_mem>> -> memref<!tpu.dma_semaphore, #tpu.memory_space<semaphore_mem>>
    tpu.enqueue_indirect_dma source(%dma_start3A_344 : memref<10240x64xf32, #tpu.memory_space<vmem_shared>>) target(%dma_start3A_338 : memref<128x64xf32, #tpu.memory_space<vmem>>) offsets(%dma_start3A_341 : memref<128xi32, #tpu.memory_space<vmem>>) semaphore(%dma_start3A_346 : memref<!tpu.dma_semaphore, #tpu.memory_space<semaphore_mem>>)
    %scan3A_347 = arith.constant 0 : i32
    %scan3A_348 = arith.constant 0 : i32
    %scan3A_349 = arith.constant 31 : i32
    %scan3A_350 = arith.addi %scan3A_348, %scan3A_349 : i32
    %scan3A_351 = arith.constant 1 : i32
    scf.for %scan3A_488 = %scan3A_348 to %scan3A_350 step %scan3A_351  : i32 {
      %mul3A_489 = arith.constant 5 : i32
      %mul3A_490 = arith.muli %scan3A_488, %mul3A_489 : i32
      %add3A_491 = arith.constant 0 : i32
      %add3A_492 = arith.addi %mul3A_490, %add3A_491 : i32
      %dma_wait3A_493 = arith.constant 0 : i32
      %dma_wait3A_494 = arith.constant 0 : i32
      %dma_wait3A_495 = arith.constant 0 : i32
      %dma_wait3A_496 = arith.constant 0 : i32
      %dma_wait3A_497 = arith.constant 0 : i32
      %dma_wait3A_498 = arith.constant 0 : i32
      %dma_wait3A_499 = tpu.memref_slice %arg6[%dma_wait3A_495, %dma_wait3A_497, %dma_wait3A_498] : memref<5x128x64xf32, #tpu.memory_space<vmem>> -> memref<1x128x64xf32, #tpu.memory_space<vmem>>
      %dma_wait3A_500 = tpu.memref_squeeze %dma_wait3A_499 : memref<1x128x64xf32, #tpu.memory_space<vmem>> -> memref<128x64xf32, #tpu.memory_space<vmem>>
      %dma_wait3A_501 = arith.constant 0 : i32
      %dma_wait3A_502 = tpu.memref_slice %arg5[%dma_wait3A_493, %dma_wait3A_494, %dma_wait3A_501] : memref<5x2x128xi32, #tpu.memory_space<vmem>> -> memref<1x1x128xi32, #tpu.memory_space<vmem>>
      %dma_wait3A_503 = tpu.memref_squeeze %dma_wait3A_502 : memref<1x1x128xi32, #tpu.memory_space<vmem>> -> memref<128xi32, #tpu.memory_space<vmem>>
      %dma_wait3A_504 = arith.constant 0 : i32
      %dma_wait3A_505 = arith.constant 0 : i32
      %dma_wait3A_506 = tpu.memref_slice %arg7[%dma_wait3A_504, %dma_wait3A_505] : memref<10240x64xf32, #tpu.memory_space<vmem_shared>> -> memref<10240x64xf32, #tpu.memory_space<vmem_shared>>
      %dma_wait3A_507 = tpu.memref_slice %arg10[%dma_wait3A_496] : memref<5x!tpu.dma_semaphore, #tpu.memory_space<semaphore_mem>> -> memref<1x!tpu.dma_semaphore, #tpu.memory_space<semaphore_mem>>
      %dma_wait3A_508 = tpu.memref_squeeze %dma_wait3A_507 : memref<1x!tpu.dma_semaphore, #tpu.memory_space<semaphore_mem>> -> memref<!tpu.dma_semaphore, #tpu.memory_space<semaphore_mem>>
      tpu.wait_indirect_dma semaphore(%dma_wait3A_508 : memref<!tpu.dma_semaphore, #tpu.memory_space<semaphore_mem>>) src(%dma_wait3A_506 : memref<10240x64xf32, #tpu.memory_space<vmem_shared>>) dst(%dma_wait3A_500 : memref<128x64xf32, #tpu.memory_space<vmem>>)
      %dma_start3A_509 = arith.constant 0 : i32
      %dma_start3A_510 = arith.constant 0 : i32
      %dma_start3A_511 = arith.constant 1 : i32
      %dma_start3A_512 = arith.constant 0 : i32
      %dma_start3A_513 = arith.constant 0 : i32
      %dma_start3A_514 = arith.constant 0 : i32
      %dma_start3A_515 = tpu.memref_slice %arg6[%dma_start3A_509, %dma_start3A_513, %dma_start3A_514] : memref<5x128x64xf32, #tpu.memory_space<vmem>> -> memref<1x128x64xf32, #tpu.memory_space<vmem>>
      %dma_start3A_516 = tpu.memref_squeeze %dma_start3A_515 : memref<1x128x64xf32, #tpu.memory_space<vmem>> -> memref<128x64xf32, #tpu.memory_space<vmem>>
      %dma_start3A_517 = arith.constant 0 : i32
      %dma_start3A_518 = tpu.memref_slice %arg5[%dma_start3A_510, %dma_start3A_511, %dma_start3A_517] : memref<5x2x128xi32, #tpu.memory_space<vmem>> -> memref<1x1x128xi32, #tpu.memory_space<vmem>>
      %dma_start3A_519 = tpu.memref_squeeze %dma_start3A_518 : memref<1x1x128xi32, #tpu.memory_space<vmem>> -> memref<128xi32, #tpu.memory_space<vmem>>
      %dma_start3A_520 = arith.constant 0 : i32
      %dma_start3A_521 = arith.constant 0 : i32
      %dma_start3A_522 = tpu.memref_slice %arg8[%dma_start3A_520, %dma_start3A_521] : memref<10240x64xf32, #tpu.memory_space<vmem_shared>> -> memref<10240x64xf32, #tpu.memory_space<vmem_shared>>
      %dma_start3A_523 = tpu.memref_slice %arg11[%dma_start3A_512] : memref<5x!tpu.dma_semaphore, #tpu.memory_space<semaphore_mem>> -> memref<1x!tpu.dma_semaphore, #tpu.memory_space<semaphore_mem>>
      %dma_start3A_524 = tpu.memref_squeeze %dma_start3A_523 : memref<1x!tpu.dma_semaphore, #tpu.memory_space<semaphore_mem>> -> memref<!tpu.dma_semaphore, #tpu.memory_space<semaphore_mem>>
      tpu.enqueue_indirect_dma source(%dma_start3A_516 : memref<128x64xf32, #tpu.memory_space<vmem>>) target(%dma_start3A_522 : memref<10240x64xf32, #tpu.memory_space<vmem_shared>>) offsets(%dma_start3A_519 : memref<128xi32, #tpu.memory_space<vmem>>) semaphore(%dma_start3A_524 : memref<!tpu.dma_semaphore, #tpu.memory_space<semaphore_mem>>) {add = true}
      %sub3A = arith.constant 2 : i32
      %sub3A_525 = arith.subi %add3A_492, %sub3A : i32
      %ge3A = arith.constant 0 : i32
      %ge3A_526 = arith.cmpi sge, %sub3A_525, %ge3A : i32
      %convert_element_type3A_527 = arith.extui %ge3A_526 : i1 to i32
      %cond3A_528 = arith.constant 0 : i32
      %cond3A_529 = arith.cmpi ne, %convert_element_type3A_527, %cond3A_528 : i32
      scf.if %cond3A_529 {
        %dma_wait3A_737 = arith.constant 3 : i32
        %dma_wait3A_738 = arith.constant 3 : i32
        %dma_wait3A_739 = arith.constant 1 : i32
        %dma_wait3A_740 = arith.constant 3 : i32
        %dma_wait3A_741 = arith.constant 0 : i32
        %dma_wait3A_742 = arith.constant 0 : i32
        %dma_wait3A_743 = tpu.memref_slice %arg6[%dma_wait3A_737, %dma_wait3A_741, %dma_wait3A_742] : memref<5x128x64xf32, #tpu.memory_space<vmem>> -> memref<1x128x64xf32, #tpu.memory_space<vmem>>
        %dma_wait3A_744 = tpu.memref_squeeze %dma_wait3A_743 : memref<1x128x64xf32, #tpu.memory_space<vmem>> -> memref<128x64xf32, #tpu.memory_space<vmem>>
        %dma_wait3A_745 = arith.constant 0 : i32
        %dma_wait3A_746 = tpu.memref_slice %arg5[%dma_wait3A_738, %dma_wait3A_739, %dma_wait3A_745] : memref<5x2x128xi32, #tpu.memory_space<vmem>> -> memref<1x1x128xi32, #tpu.memory_space<vmem>>
        %dma_wait3A_747 = tpu.memref_squeeze %dma_wait3A_746 : memref<1x1x128xi32, #tpu.memory_space<vmem>> -> memref<128xi32, #tpu.memory_space<vmem>>
        %dma_wait3A_748 = arith.constant 0 : i32
        %dma_wait3A_749 = arith.constant 0 : i32
        %dma_wait3A_750 = tpu.memref_slice %arg8[%dma_wait3A_748, %dma_wait3A_749] : memref<10240x64xf32, #tpu.memory_space<vmem_shared>> -> memref<10240x64xf32, #tpu.memory_space<vmem_shared>>
        %dma_wait3A_751 = tpu.memref_slice %arg11[%dma_wait3A_740] : memref<5x!tpu.dma_semaphore, #tpu.memory_space<semaphore_mem>> -> memref<1x!tpu.dma_semaphore, #tpu.memory_space<semaphore_mem>>
        %dma_wait3A_752 = tpu.memref_squeeze %dma_wait3A_751 : memref<1x!tpu.dma_semaphore, #tpu.memory_space<semaphore_mem>> -> memref<!tpu.dma_semaphore, #tpu.memory_space<semaphore_mem>>
        tpu.wait_indirect_dma semaphore(%dma_wait3A_752 : memref<!tpu.dma_semaphore, #tpu.memory_space<semaphore_mem>>) src(%dma_wait3A_744 : memref<128x64xf32, #tpu.memory_space<vmem>>) dst(%dma_wait3A_750 : memref<10240x64xf32, #tpu.memory_space<vmem_shared>>)
        %add3A_753 = arith.constant 5 : i32
        %add3A_754 = arith.addi %sub3A_525, %add3A_753 : i32
        %lt3A_755 = arith.constant 157 : i32
        %lt3A_756 = arith.cmpi slt, %add3A_754, %lt3A_755 : i32
        %convert_element_type3A_757 = arith.extui %lt3A_756 : i1 to i32
        %cond3A_758 = arith.constant 0 : i32
        %cond3A_759 = arith.cmpi ne, %convert_element_type3A_757, %cond3A_758 : i32
        scf.if %cond3A_759 {
          %mul3A_760 = arith.constant 128 : i32
          %mul3A_761 = arith.muli %add3A_754, %mul3A_760 : i32
          %min3A_762 = arith.constant 19872 : i32
          %min3A_763 = arith.minsi %mul3A_761, %min3A_762 : i32
          %add3A_764 = arith.addi %mul3A_35, %min3A_763 : i32
          %dma_start3A_765 = arith.constant 0 : i32
          %dma_start3A_766 = arith.constant 3 : i32
          %dma_start3A_767 = arith.constant 0 : i32
          %dma_start3A_768 = arith.constant 3 : i32
          %dma_start3A_769 = arith.constant 0 : i32
          %dma_start3A_770 = tpu.memref_slice %arg5[%dma_start3A_766, %dma_start3A_767, %dma_start3A_769] : memref<5x2x128xi32, #tpu.memory_space<vmem>> -> memref<1x1x128xi32, #tpu.memory_space<vmem>>
          %dma_start3A_771 = tpu.memref_squeeze %dma_start3A_770 : memref<1x1x128xi32, #tpu.memory_space<vmem>> -> memref<128xi32, #tpu.memory_space<vmem>>
          %dma_start3A_772 = tpu.memref_slice %arg3[%dma_start3A_765, %add3A_764] : memref<2x320000xi32, #tpu.memory_space<hbm>> -> memref<1x128xi32, #tpu.memory_space<hbm>>
          %dma_start3A_773 = tpu.memref_squeeze %dma_start3A_772 : memref<1x128xi32, #tpu.memory_space<hbm>> -> memref<128xi32, #tpu.memory_space<hbm>>
          %dma_start3A_774 = tpu.memref_slice %arg9[%dma_start3A_768] : memref<5x!tpu.dma_semaphore, #tpu.memory_space<semaphore_mem>> -> memref<1x!tpu.dma_semaphore, #tpu.memory_space<semaphore_mem>>
          %dma_start3A_775 = tpu.memref_squeeze %dma_start3A_774 : memref<1x!tpu.dma_semaphore, #tpu.memory_space<semaphore_mem>> -> memref<!tpu.dma_semaphore, #tpu.memory_space<semaphore_mem>>
          %dma_start3A_776 = arith.constant 0 : i32
          %dma_start3A_777 = tpu.memref_slice %arg5[%dma_start3A_766, %dma_start3A_767, %dma_start3A_776] : memref<5x2x128xi32, #tpu.memory_space<vmem>> -> memref<1x1x128xi32, #tpu.memory_space<vmem>>
          %dma_start3A_778 = tpu.memref_squeeze %dma_start3A_777 : memref<1x1x128xi32, #tpu.memory_space<vmem>> -> memref<128xi32, #tpu.memory_space<vmem>>
          %dma_start3A_779 = tpu.memref_slice %arg3[%dma_start3A_765, %add3A_764] : memref<2x320000xi32, #tpu.memory_space<hbm>> -> memref<1x128xi32, #tpu.memory_space<hbm>>
          %dma_start3A_780 = tpu.memref_squeeze %dma_start3A_779 : memref<1x128xi32, #tpu.memory_space<hbm>> -> memref<128xi32, #tpu.memory_space<hbm>>
          tpu.enqueue_dma source(%dma_start3A_780 : memref<128xi32, #tpu.memory_space<hbm>>) target(%dma_start3A_778 : memref<128xi32, #tpu.memory_space<vmem>>) target_semaphore(%dma_start3A_775 : memref<!tpu.dma_semaphore, #tpu.memory_space<semaphore_mem>>)
          %mul3A_781 = arith.constant 128 : i32
          %mul3A_782 = arith.muli %add3A_754, %mul3A_781 : i32
          %min3A_783 = arith.constant 19872 : i32
          %min3A_784 = arith.minsi %mul3A_782, %min3A_783 : i32
          %add3A_785 = arith.addi %mul3A_35, %min3A_784 : i32
          %dma_start3A_786 = arith.constant 1 : i32
          %dma_start3A_787 = arith.constant 3 : i32
          %dma_start3A_788 = arith.constant 1 : i32
          %dma_start3A_789 = arith.constant 3 : i32
          %dma_start3A_790 = arith.constant 0 : i32
          %dma_start3A_791 = tpu.memref_slice %arg5[%dma_start3A_787, %dma_start3A_788, %dma_start3A_790] : memref<5x2x128xi32, #tpu.memory_space<vmem>> -> memref<1x1x128xi32, #tpu.memory_space<vmem>>
          %dma_start3A_792 = tpu.memref_squeeze %dma_start3A_791 : memref<1x1x128xi32, #tpu.memory_space<vmem>> -> memref<128xi32, #tpu.memory_space<vmem>>
          %dma_start3A_793 = tpu.memref_slice %arg3[%dma_start3A_786, %add3A_785] : memref<2x320000xi32, #tpu.memory_space<hbm>> -> memref<1x128xi32, #tpu.memory_space<hbm>>
          %dma_start3A_794 = tpu.memref_squeeze %dma_start3A_793 : memref<1x128xi32, #tpu.memory_space<hbm>> -> memref<128xi32, #tpu.memory_space<hbm>>
          %dma_start3A_795 = tpu.memref_slice %arg9[%dma_start3A_789] : memref<5x!tpu.dma_semaphore, #tpu.memory_space<semaphore_mem>> -> memref<1x!tpu.dma_semaphore, #tpu.memory_space<semaphore_mem>>
          %dma_start3A_796 = tpu.memref_squeeze %dma_start3A_795 : memref<1x!tpu.dma_semaphore, #tpu.memory_space<semaphore_mem>> -> memref<!tpu.dma_semaphore, #tpu.memory_space<semaphore_mem>>
          %dma_start3A_797 = arith.constant 0 : i32
          %dma_start3A_798 = tpu.memref_slice %arg5[%dma_start3A_787, %dma_start3A_788, %dma_start3A_797] : memref<5x2x128xi32, #tpu.memory_space<vmem>> -> memref<1x1x128xi32, #tpu.memory_space<vmem>>
          %dma_start3A_799 = tpu.memref_squeeze %dma_start3A_798 : memref<1x1x128xi32, #tpu.memory_space<vmem>> -> memref<128xi32, #tpu.memory_space<vmem>>
          %dma_start3A_800 = tpu.memref_slice %arg3[%dma_start3A_786, %add3A_785] : memref<2x320000xi32, #tpu.memory_space<hbm>> -> memref<1x128xi32, #tpu.memory_space<hbm>>
          %dma_start3A_801 = tpu.memref_squeeze %dma_start3A_800 : memref<1x128xi32, #tpu.memory_space<hbm>> -> memref<128xi32, #tpu.memory_space<hbm>>
          tpu.enqueue_dma source(%dma_start3A_801 : memref<128xi32, #tpu.memory_space<hbm>>) target(%dma_start3A_799 : memref<128xi32, #tpu.memory_space<vmem>>) target_semaphore(%dma_start3A_796 : memref<!tpu.dma_semaphore, #tpu.memory_space<semaphore_mem>>)
        } else {
        }
      } else {
      }
      %add3A_530 = arith.constant 2 : i32
      %add3A_531 = arith.addi %add3A_492, %add3A_530 : i32
      %lt3A_532 = arith.constant 157 : i32
      %lt3A_533 = arith.cmpi slt, %add3A_531, %lt3A_532 : i32
      %convert_element_type3A_534 = arith.extui %lt3A_533 : i1 to i32
      %cond3A_535 = arith.constant 0 : i32
      %cond3A_536 = arith.cmpi ne, %convert_element_type3A_534, %cond3A_535 : i32
      scf.if %cond3A_536 {
        %mul3A_737 = arith.constant 128 : i32
        %mul3A_738 = arith.muli %add3A_531, %mul3A_737 : i32
        %min3A_739 = arith.constant 19872 : i32
        %min3A_740 = arith.minsi %mul3A_738, %min3A_739 : i32
        %add3A_741 = arith.addi %mul3A_35, %min3A_740 : i32
        %dma_wait3A_742 = arith.constant 0 : i32
        %dma_wait3A_743 = arith.constant 2 : i32
        %dma_wait3A_744 = arith.constant 0 : i32
        %dma_wait3A_745 = arith.constant 2 : i32
        %dma_wait3A_746 = arith.constant 0 : i32
        %dma_wait3A_747 = tpu.memref_slice %arg5[%dma_wait3A_743, %dma_wait3A_744, %dma_wait3A_746] : memref<5x2x128xi32, #tpu.memory_space<vmem>> -> memref<1x1x128xi32, #tpu.memory_space<vmem>>
        %dma_wait3A_748 = tpu.memref_squeeze %dma_wait3A_747 : memref<1x1x128xi32, #tpu.memory_space<vmem>> -> memref<128xi32, #tpu.memory_space<vmem>>
        %dma_wait3A_749 = tpu.memref_slice %arg3[%dma_wait3A_742, %add3A_741] : memref<2x320000xi32, #tpu.memory_space<hbm>> -> memref<1x128xi32, #tpu.memory_space<hbm>>
        %dma_wait3A_750 = tpu.memref_squeeze %dma_wait3A_749 : memref<1x128xi32, #tpu.memory_space<hbm>> -> memref<128xi32, #tpu.memory_space<hbm>>
        %dma_wait3A_751 = tpu.memref_slice %arg9[%dma_wait3A_745] : memref<5x!tpu.dma_semaphore, #tpu.memory_space<semaphore_mem>> -> memref<1x!tpu.dma_semaphore, #tpu.memory_space<semaphore_mem>>
        %dma_wait3A_752 = tpu.memref_squeeze %dma_wait3A_751 : memref<1x!tpu.dma_semaphore, #tpu.memory_space<semaphore_mem>> -> memref<!tpu.dma_semaphore, #tpu.memory_space<semaphore_mem>>
        %dma_wait3A_753 = arith.constant 0 : i32
        %dma_wait3A_754 = tpu.memref_slice %arg5[%dma_wait3A_743, %dma_wait3A_744, %dma_wait3A_753] : memref<5x2x128xi32, #tpu.memory_space<vmem>> -> memref<1x1x128xi32, #tpu.memory_space<vmem>>
        %dma_wait3A_755 = tpu.memref_squeeze %dma_wait3A_754 : memref<1x1x128xi32, #tpu.memory_space<vmem>> -> memref<128xi32, #tpu.memory_space<vmem>>
        %dma_wait3A_756 = tpu.memref_slice %arg3[%dma_wait3A_742, %add3A_741] : memref<2x320000xi32, #tpu.memory_space<hbm>> -> memref<1x128xi32, #tpu.memory_space<hbm>>
        %dma_wait3A_757 = tpu.memref_squeeze %dma_wait3A_756 : memref<1x128xi32, #tpu.memory_space<hbm>> -> memref<128xi32, #tpu.memory_space<hbm>>
        tpu.wait_dma2 semaphore(%dma_wait3A_752 : memref<!tpu.dma_semaphore, #tpu.memory_space<semaphore_mem>>) src(%dma_wait3A_757 : memref<128xi32, #tpu.memory_space<hbm>>) dst(%dma_wait3A_755 : memref<128xi32, #tpu.memory_space<vmem>>)
        %mul3A_758 = arith.constant 128 : i32
        %mul3A_759 = arith.muli %add3A_531, %mul3A_758 : i32
        %min3A_760 = arith.constant 19872 : i32
        %min3A_761 = arith.minsi %mul3A_759, %min3A_760 : i32
        %add3A_762 = arith.addi %mul3A_35, %min3A_761 : i32
        %dma_wait3A_763 = arith.constant 1 : i32
        %dma_wait3A_764 = arith.constant 2 : i32
        %dma_wait3A_765 = arith.constant 1 : i32
        %dma_wait3A_766 = arith.constant 2 : i32
        %dma_wait3A_767 = arith.constant 0 : i32
        %dma_wait3A_768 = tpu.memref_slice %arg5[%dma_wait3A_764, %dma_wait3A_765, %dma_wait3A_767] : memref<5x2x128xi32, #tpu.memory_space<vmem>> -> memref<1x1x128xi32, #tpu.memory_space<vmem>>
        %dma_wait3A_769 = tpu.memref_squeeze %dma_wait3A_768 : memref<1x1x128xi32, #tpu.memory_space<vmem>> -> memref<128xi32, #tpu.memory_space<vmem>>
        %dma_wait3A_770 = tpu.memref_slice %arg3[%dma_wait3A_763, %add3A_762] : memref<2x320000xi32, #tpu.memory_space<hbm>> -> memref<1x128xi32, #tpu.memory_space<hbm>>
        %dma_wait3A_771 = tpu.memref_squeeze %dma_wait3A_770 : memref<1x128xi32, #tpu.memory_space<hbm>> -> memref<128xi32, #tpu.memory_space<hbm>>
        %dma_wait3A_772 = tpu.memref_slice %arg9[%dma_wait3A_766] : memref<5x!tpu.dma_semaphore, #tpu.memory_space<semaphore_mem>> -> memref<1x!tpu.dma_semaphore, #tpu.memory_space<semaphore_mem>>
        %dma_wait3A_773 = tpu.memref_squeeze %dma_wait3A_772 : memref<1x!tpu.dma_semaphore, #tpu.memory_space<semaphore_mem>> -> memref<!tpu.dma_semaphore, #tpu.memory_space<semaphore_mem>>
        %dma_wait3A_774 = arith.constant 0 : i32
        %dma_wait3A_775 = tpu.memref_slice %arg5[%dma_wait3A_764, %dma_wait3A_765, %dma_wait3A_774] : memref<5x2x128xi32, #tpu.memory_space<vmem>> -> memref<1x1x128xi32, #tpu.memory_space<vmem>>
        %dma_wait3A_776 = tpu.memref_squeeze %dma_wait3A_775 : memref<1x1x128xi32, #tpu.memory_space<vmem>> -> memref<128xi32, #tpu.memory_space<vmem>>
        %dma_wait3A_777 = tpu.memref_slice %arg3[%dma_wait3A_763, %add3A_762] : memref<2x320000xi32, #tpu.memory_space<hbm>> -> memref<1x128xi32, #tpu.memory_space<hbm>>
        %dma_wait3A_778 = tpu.memref_squeeze %dma_wait3A_777 : memref<1x128xi32, #tpu.memory_space<hbm>> -> memref<128xi32, #tpu.memory_space<hbm>>
        tpu.wait_dma2 semaphore(%dma_wait3A_773 : memref<!tpu.dma_semaphore, #tpu.memory_space<semaphore_mem>>) src(%dma_wait3A_778 : memref<128xi32, #tpu.memory_space<hbm>>) dst(%dma_wait3A_776 : memref<128xi32, #tpu.memory_space<vmem>>)
        %eq3A_779 = arith.constant 156 : i32
        %eq3A_780 = arith.cmpi eq, %add3A_531, %eq3A_779 : i32
        %convert_element_type3A_781 = arith.extui %eq3A_780 : i1 to i32
        %cond3A_782 = arith.constant 0 : i32
        %cond3A_783 = arith.cmpi ne, %convert_element_type3A_781, %cond3A_782 : i32
        scf.if %cond3A_783 {
          %broadcast_in_dim3A_800 = arith.constant 10000 : i32
          %broadcast_in_dim3A_801 = vector.broadcast %broadcast_in_dim3A_800 : i32 to vector<16xi32>
          %broadcast_in_dim3A_802 = arith.constant 0 : i32
          %broadcast_in_dim3A_803 = vector.broadcast %broadcast_in_dim3A_802 : i32 to vector<16xi32>
          %swap3A = arith.constant 2 : i32
          %swap3A_804 = arith.constant 0 : i32
          %swap3A_805 = arith.index_cast %swap3A : i32 to index
          %swap3A_806 = arith.index_cast %swap3A_804 : i32 to index
          %swap3A_807 = arith.constant 0 : index
          %swap3A_808 = tpu.vector_load %arg5[%swap3A_805, %swap3A_806, %swap3A_807] {strides = array<i32>} : memref<5x2x128xi32, #tpu.memory_space<vmem>>, vector<1x1x16xi32>,
          %swap3A_809 = vector.shape_cast %swap3A_808 : vector<1x1x16xi32> to vector<16xi32>
          %swap3A_810 = vector.shape_cast %broadcast_in_dim3A_803 : vector<16xi32> to vector<1x1x16xi32>
          tpu.vector_store %arg5[%swap3A_805, %swap3A_806, %swap3A_807], %swap3A_810 {strides = array<i32>} : memref<5x2x128xi32, #tpu.memory_space<vmem>>, vector<1x1x16xi32>,
          %swap3A_811 = arith.constant 2 : i32
          %swap3A_812 = arith.constant 1 : i32
          %swap3A_813 = arith.index_cast %swap3A_811 : i32 to index
          %swap3A_814 = arith.index_cast %swap3A_812 : i32 to index
          %swap3A_815 = arith.constant 0 : index
          %swap3A_816 = tpu.vector_load %arg5[%swap3A_813, %swap3A_814, %swap3A_815] {strides = array<i32>} : memref<5x2x128xi32, #tpu.memory_space<vmem>>, vector<1x1x16xi32>,
          %swap3A_817 = vector.shape_cast %swap3A_816 : vector<1x1x16xi32> to vector<16xi32>
          %swap3A_818 = vector.shape_cast %broadcast_in_dim3A_801 : vector<16xi32> to vector<1x1x16xi32>
          tpu.vector_store %arg5[%swap3A_813, %swap3A_814, %swap3A_815], %swap3A_818 {strides = array<i32>} : memref<5x2x128xi32, #tpu.memory_space<vmem>>, vector<1x1x16xi32>,
          %swap3A_819 = arith.constant 2 : i32
          %swap3A_820 = arith.constant 0 : i32
          %swap3A_821 = arith.index_cast %swap3A_819 : i32 to index
          %swap3A_822 = arith.index_cast %swap3A_820 : i32 to index
          %swap3A_823 = arith.constant 16 : index
          %swap3A_824 = tpu.vector_load %arg5[%swap3A_821, %swap3A_822, %swap3A_823] {strides = array<i32>} : memref<5x2x128xi32, #tpu.memory_space<vmem>>, vector<1x1x16xi32>,
          %swap3A_825 = vector.shape_cast %swap3A_824 : vector<1x1x16xi32> to vector<16xi32>
          %swap3A_826 = vector.shape_cast %broadcast_in_dim3A_803 : vector<16xi32> to vector<1x1x16xi32>
          tpu.vector_store %arg5[%swap3A_821, %swap3A_822, %swap3A_823], %swap3A_826 {strides = array<i32>} : memref<5x2x128xi32, #tpu.memory_space<vmem>>, vector<1x1x16xi32>,
          %swap3A_827 = arith.constant 2 : i32
          %swap3A_828 = arith.constant 1 : i32
          %swap3A_829 = arith.index_cast %swap3A_827 : i32 to index
          %swap3A_830 = arith.index_cast %swap3A_828 : i32 to index
          %swap3A_831 = arith.constant 16 : index
          %swap3A_832 = tpu.vector_load %arg5[%swap3A_829, %swap3A_830, %swap3A_831] {strides = array<i32>} : memref<5x2x128xi32, #tpu.memory_space<vmem>>, vector<1x1x16xi32>,
          %swap3A_833 = vector.shape_cast %swap3A_832 : vector<1x1x16xi32> to vector<16xi32>
          %swap3A_834 = vector.shape_cast %broadcast_in_dim3A_801 : vector<16xi32> to vector<1x1x16xi32>
          tpu.vector_store %arg5[%swap3A_829, %swap3A_830, %swap3A_831], %swap3A_834 {strides = array<i32>} : memref<5x2x128xi32, #tpu.memory_space<vmem>>, vector<1x1x16xi32>,
          %swap3A_835 = arith.constant 2 : i32
          %swap3A_836 = arith.constant 0 : i32
          %swap3A_837 = arith.index_cast %swap3A_835 : i32 to index
          %swap3A_838 = arith.index_cast %swap3A_836 : i32 to index
          %swap3A_839 = arith.constant 32 : index
          %swap3A_840 = tpu.vector_load %arg5[%swap3A_837, %swap3A_838, %swap3A_839] {strides = array<i32>} : memref<5x2x128xi32, #tpu.memory_space<vmem>>, vector<1x1x16xi32>,
          %swap3A_841 = vector.shape_cast %swap3A_840 : vector<1x1x16xi32> to vector<16xi32>
          %swap3A_842 = vector.shape_cast %broadcast_in_dim3A_803 : vector<16xi32> to vector<1x1x16xi32>
          tpu.vector_store %arg5[%swap3A_837, %swap3A_838, %swap3A_839], %swap3A_842 {strides = array<i32>} : memref<5x2x128xi32, #tpu.memory_space<vmem>>, vector<1x1x16xi32>,
          %swap3A_843 = arith.constant 2 : i32
          %swap3A_844 = arith.constant 1 : i32
          %swap3A_845 = arith.index_cast %swap3A_843 : i32 to index
          %swap3A_846 = arith.index_cast %swap3A_844 : i32 to index
          %swap3A_847 = arith.constant 32 : index
          %swap3A_848 = tpu.vector_load %arg5[%swap3A_845, %swap3A_846, %swap3A_847] {strides = array<i32>} : memref<5x2x128xi32, #tpu.memory_space<vmem>>, vector<1x1x16xi32>,
          %swap3A_849 = vector.shape_cast %swap3A_848 : vector<1x1x16xi32> to vector<16xi32>
          %swap3A_850 = vector.shape_cast %broadcast_in_dim3A_801 : vector<16xi32> to vector<1x1x16xi32>
          tpu.vector_store %arg5[%swap3A_845, %swap3A_846, %swap3A_847], %swap3A_850 {strides = array<i32>} : memref<5x2x128xi32, #tpu.memory_space<vmem>>, vector<1x1x16xi32>,
          %swap3A_851 = arith.constant 2 : i32
          %swap3A_852 = arith.constant 0 : i32
          %swap3A_853 = arith.index_cast %swap3A_851 : i32 to index
          %swap3A_854 = arith.index_cast %swap3A_852 : i32 to index
          %swap3A_855 = arith.constant 48 : index
          %swap3A_856 = tpu.vector_load %arg5[%swap3A_853, %swap3A_854, %swap3A_855] {strides = array<i32>} : memref<5x2x128xi32, #tpu.memory_space<vmem>>, vector<1x1x16xi32>,
          %swap3A_857 = vector.shape_cast %swap3A_856 : vector<1x1x16xi32> to vector<16xi32>
          %swap3A_858 = vector.shape_cast %broadcast_in_dim3A_803 : vector<16xi32> to vector<1x1x16xi32>
          tpu.vector_store %arg5[%swap3A_853, %swap3A_854, %swap3A_855], %swap3A_858 {strides = array<i32>} : memref<5x2x128xi32, #tpu.memory_space<vmem>>, vector<1x1x16xi32>,
          %swap3A_859 = arith.constant 2 : i32
          %swap3A_860 = arith.constant 1 : i32
          %swap3A_861 = arith.index_cast %swap3A_859 : i32 to index
          %swap3A_862 = arith.index_cast %swap3A_860 : i32 to index
          %swap3A_863 = arith.constant 48 : index
          %swap3A_864 = tpu.vector_load %arg5[%swap3A_861, %swap3A_862, %swap3A_863] {strides = array<i32>} : memref<5x2x128xi32, #tpu.memory_space<vmem>>, vector<1x1x16xi32>,
          %swap3A_865 = vector.shape_cast %swap3A_864 : vector<1x1x16xi32> to vector<16xi32>
          %swap3A_866 = vector.shape_cast %broadcast_in_dim3A_801 : vector<16xi32> to vector<1x1x16xi32>
          tpu.vector_store %arg5[%swap3A_861, %swap3A_862, %swap3A_863], %swap3A_866 {strides = array<i32>} : memref<5x2x128xi32, #tpu.memory_space<vmem>>, vector<1x1x16xi32>,
          %swap3A_867 = arith.constant 2 : i32
          %swap3A_868 = arith.constant 0 : i32
          %swap3A_869 = arith.index_cast %swap3A_867 : i32 to index
          %swap3A_870 = arith.index_cast %swap3A_868 : i32 to index
          %swap3A_871 = arith.constant 64 : index
          %swap3A_872 = tpu.vector_load %arg5[%swap3A_869, %swap3A_870, %swap3A_871] {strides = array<i32>} : memref<5x2x128xi32, #tpu.memory_space<vmem>>, vector<1x1x16xi32>,
          %swap3A_873 = vector.shape_cast %swap3A_872 : vector<1x1x16xi32> to vector<16xi32>
          %swap3A_874 = vector.shape_cast %broadcast_in_dim3A_803 : vector<16xi32> to vector<1x1x16xi32>
          tpu.vector_store %arg5[%swap3A_869, %swap3A_870, %swap3A_871], %swap3A_874 {strides = array<i32>} : memref<5x2x128xi32, #tpu.memory_space<vmem>>, vector<1x1x16xi32>,
          %swap3A_875 = arith.constant 2 : i32
          %swap3A_876 = arith.constant 1 : i32
          %swap3A_877 = arith.index_cast %swap3A_875 : i32 to index
          %swap3A_878 = arith.index_cast %swap3A_876 : i32 to index
          %swap3A_879 = arith.constant 64 : index
          %swap3A_880 = tpu.vector_load %arg5[%swap3A_877, %swap3A_878, %swap3A_879] {strides = array<i32>} : memref<5x2x128xi32, #tpu.memory_space<vmem>>, vector<1x1x16xi32>,
          %swap3A_881 = vector.shape_cast %swap3A_880 : vector<1x1x16xi32> to vector<16xi32>
          %swap3A_882 = vector.shape_cast %broadcast_in_dim3A_801 : vector<16xi32> to vector<1x1x16xi32>
          tpu.vector_store %arg5[%swap3A_877, %swap3A_878, %swap3A_879], %swap3A_882 {strides = array<i32>} : memref<5x2x128xi32, #tpu.memory_space<vmem>>, vector<1x1x16xi32>,
          %swap3A_883 = arith.constant 2 : i32
          %swap3A_884 = arith.constant 0 : i32
          %swap3A_885 = arith.index_cast %swap3A_883 : i32 to index
          %swap3A_886 = arith.index_cast %swap3A_884 : i32 to index
          %swap3A_887 = arith.constant 80 : index
          %swap3A_888 = tpu.vector_load %arg5[%swap3A_885, %swap3A_886, %swap3A_887] {strides = array<i32>} : memref<5x2x128xi32, #tpu.memory_space<vmem>>, vector<1x1x16xi32>,
          %swap3A_889 = vector.shape_cast %swap3A_888 : vector<1x1x16xi32> to vector<16xi32>
          %swap3A_890 = vector.shape_cast %broadcast_in_dim3A_803 : vector<16xi32> to vector<1x1x16xi32>
          tpu.vector_store %arg5[%swap3A_885, %swap3A_886, %swap3A_887], %swap3A_890 {strides = array<i32>} : memref<5x2x128xi32, #tpu.memory_space<vmem>>, vector<1x1x16xi32>,
          %swap3A_891 = arith.constant 2 : i32
          %swap3A_892 = arith.constant 1 : i32
          %swap3A_893 = arith.index_cast %swap3A_891 : i32 to index
          %swap3A_894 = arith.index_cast %swap3A_892 : i32 to index
          %swap3A_895 = arith.constant 80 : index
          %swap3A_896 = tpu.vector_load %arg5[%swap3A_893, %swap3A_894, %swap3A_895] {strides = array<i32>} : memref<5x2x128xi32, #tpu.memory_space<vmem>>, vector<1x1x16xi32>,
          %swap3A_897 = vector.shape_cast %swap3A_896 : vector<1x1x16xi32> to vector<16xi32>
          %swap3A_898 = vector.shape_cast %broadcast_in_dim3A_801 : vector<16xi32> to vector<1x1x16xi32>
          tpu.vector_store %arg5[%swap3A_893, %swap3A_894, %swap3A_895], %swap3A_898 {strides = array<i32>} : memref<5x2x128xi32, #tpu.memory_space<vmem>>, vector<1x1x16xi32>,
        } else {
        }
        %dma_start3A_784 = arith.constant 2 : i32
        %dma_start3A_785 = arith.constant 0 : i32
        %dma_start3A_786 = arith.constant 2 : i32
        %dma_start3A_787 = arith.constant 2 : i32
        %dma_start3A_788 = arith.constant 0 : i32
        %dma_start3A_789 = arith.constant 0 : i32
        %dma_start3A_790 = tpu.memref_slice %arg6[%dma_start3A_786, %dma_start3A_788, %dma_start3A_789] : memref<5x128x64xf32, #tpu.memory_space<vmem>> -> memref<1x128x64xf32, #tpu.memory_space<vmem>>
        %dma_start3A_791 = tpu.memref_squeeze %dma_start3A_790 : memref<1x128x64xf32, #tpu.memory_space<vmem>> -> memref<128x64xf32, #tpu.memory_space<vmem>>
        %dma_start3A_792 = arith.constant 0 : i32
        %dma_start3A_793 = tpu.memref_slice %arg5[%dma_start3A_784, %dma_start3A_785, %dma_start3A_792] : memref<5x2x128xi32, #tpu.memory_space<vmem>> -> memref<1x1x128xi32, #tpu.memory_space<vmem>>
        %dma_start3A_794 = tpu.memref_squeeze %dma_start3A_793 : memref<1x1x128xi32, #tpu.memory_space<vmem>> -> memref<128xi32, #tpu.memory_space<vmem>>
        %dma_start3A_795 = arith.constant 0 : i32
        %dma_start3A_796 = arith.constant 0 : i32
        %dma_start3A_797 = tpu.memref_slice %arg7[%dma_start3A_795, %dma_start3A_796] : memref<10240x64xf32, #tpu.memory_space<vmem_shared>> -> memref<10240x64xf32, #tpu.memory_space<vmem_shared>>
        %dma_start3A_798 = tpu.memref_slice %arg10[%dma_start3A_787] : memref<5x!tpu.dma_semaphore, #tpu.memory_space<semaphore_mem>> -> memref<1x!tpu.dma_semaphore, #tpu.memory_space<semaphore_mem>>
        %dma_start3A_799 = tpu.memref_squeeze %dma_start3A_798 : memref<1x!tpu.dma_semaphore, #tpu.memory_space<semaphore_mem>> -> memref<!tpu.dma_semaphore, #tpu.memory_space<semaphore_mem>>
        tpu.enqueue_indirect_dma source(%dma_start3A_797 : memref<10240x64xf32, #tpu.memory_space<vmem_shared>>) target(%dma_start3A_791 : memref<128x64xf32, #tpu.memory_space<vmem>>) offsets(%dma_start3A_794 : memref<128xi32, #tpu.memory_space<vmem>>) semaphore(%dma_start3A_799 : memref<!tpu.dma_semaphore, #tpu.memory_space<semaphore_mem>>)
      } else {
      }
      %mul3A_537 = arith.constant 5 : i32
      %mul3A_538 = arith.muli %scan3A_488, %mul3A_537 : i32
      %add3A_539 = arith.constant 1 : i32
      %add3A_540 = arith.addi %mul3A_538, %add3A_539 : i32
      %dma_wait3A_541 = arith.constant 1 : i32
      %dma_wait3A_542 = arith.constant 0 : i32
      %dma_wait3A_543 = arith.constant 1 : i32
      %dma_wait3A_544 = arith.constant 1 : i32
      %dma_wait3A_545 = arith.constant 0 : i32
      %dma_wait3A_546 = arith.constant 0 : i32
      %dma_wait3A_547 = tpu.memref_slice %arg6[%dma_wait3A_543, %dma_wait3A_545, %dma_wait3A_546] : memref<5x128x64xf32, #tpu.memory_space<vmem>> -> memref<1x128x64xf32, #tpu.memory_space<vmem>>
      %dma_wait3A_548 = tpu.memref_squeeze %dma_wait3A_547 : memref<1x128x64xf32, #tpu.memory_space<vmem>> -> memref<128x64xf32, #tpu.memory_space<vmem>>
      %dma_wait3A_549 = arith.constant 0 : i32
      %dma_wait3A_550 = tpu.memref_slice %arg5[%dma_wait3A_541, %dma_wait3A_542, %dma_wait3A_549] : memref<5x2x128xi32, #tpu.memory_space<vmem>> -> memref<1x1x128xi32, #tpu.memory_space<vmem>>
      %dma_wait3A_551 = tpu.memref_squeeze %dma_wait3A_550 : memref<1x1x128xi32, #tpu.memory_space<vmem>> -> memref<128xi32, #tpu.memory_space<vmem>>
      %dma_wait3A_552 = arith.constant 0 : i32
      %dma_wait3A_553 = arith.constant 0 : i32
      %dma_wait3A_554 = tpu.memref_slice %arg7[%dma_wait3A_552, %dma_wait3A_553] : memref<10240x64xf32, #tpu.memory_space<vmem_shared>> -> memref<10240x64xf32, #tpu.memory_space<vmem_shared>>
      %dma_wait3A_555 = tpu.memref_slice %arg10[%dma_wait3A_544] : memref<5x!tpu.dma_semaphore, #tpu.memory_space<semaphore_mem>> -> memref<1x!tpu.dma_semaphore, #tpu.memory_space<semaphore_mem>>
      %dma_wait3A_556 = tpu.memref_squeeze %dma_wait3A_555 : memref<1x!tpu.dma_semaphore, #tpu.memory_space<semaphore_mem>> -> memref<!tpu.dma_semaphore, #tpu.memory_space<semaphore_mem>>
      tpu.wait_indirect_dma semaphore(%dma_wait3A_556 : memref<!tpu.dma_semaphore, #tpu.memory_space<semaphore_mem>>) src(%dma_wait3A_554 : memref<10240x64xf32, #tpu.memory_space<vmem_shared>>) dst(%dma_wait3A_548 : memref<128x64xf32, #tpu.memory_space<vmem>>)
      %dma_start3A_557 = arith.constant 1 : i32
      %dma_start3A_558 = arith.constant 1 : i32
      %dma_start3A_559 = arith.constant 1 : i32
      %dma_start3A_560 = arith.constant 1 : i32
      %dma_start3A_561 = arith.constant 0 : i32
      %dma_start3A_562 = arith.constant 0 : i32
      %dma_start3A_563 = tpu.memref_slice %arg6[%dma_start3A_557, %dma_start3A_561, %dma_start3A_562] : memref<5x128x64xf32, #tpu.memory_space<vmem>> -> memref<1x128x64xf32, #tpu.memory_space<vmem>>
      %dma_start3A_564 = tpu.memref_squeeze %dma_start3A_563 : memref<1x128x64xf32, #tpu.memory_space<vmem>> -> memref<128x64xf32, #tpu.memory_space<vmem>>
      %dma_start3A_565 = arith.constant 0 : i32
      %dma_start3A_566 = tpu.memref_slice %arg5[%dma_start3A_558, %dma_start3A_559, %dma_start3A_565] : memref<5x2x128xi32, #tpu.memory_space<vmem>> -> memref<1x1x128xi32, #tpu.memory_space<vmem>>
      %dma_start3A_567 = tpu.memref_squeeze %dma_start3A_566 : memref<1x1x128xi32, #tpu.memory_space<vmem>> -> memref<128xi32, #tpu.memory_space<vmem>>
      %dma_start3A_568 = arith.constant 0 : i32
      %dma_start3A_569 = arith.constant 0 : i32
      %dma_start3A_570 = tpu.memref_slice %arg8[%dma_start3A_568, %dma_start3A_569] : memref<10240x64xf32, #tpu.memory_space<vmem_shared>> -> memref<10240x64xf32, #tpu.memory_space<vmem_shared>>
      %dma_start3A_571 = tpu.memref_slice %arg11[%dma_start3A_560] : memref<5x!tpu.dma_semaphore, #tpu.memory_space<semaphore_mem>> -> memref<1x!tpu.dma_semaphore, #tpu.memory_space<semaphore_mem>>
      %dma_start3A_572 = tpu.memref_squeeze %dma_start3A_571 : memref<1x!tpu.dma_semaphore, #tpu.memory_space<semaphore_mem>> -> memref<!tpu.dma_semaphore, #tpu.memory_space<semaphore_mem>>
      tpu.enqueue_indirect_dma source(%dma_start3A_564 : memref<128x64xf32, #tpu.memory_space<vmem>>) target(%dma_start3A_570 : memref<10240x64xf32, #tpu.memory_space<vmem_shared>>) offsets(%dma_start3A_567 : memref<128xi32, #tpu.memory_space<vmem>>) semaphore(%dma_start3A_572 : memref<!tpu.dma_semaphore, #tpu.memory_space<semaphore_mem>>) {add = true}
      %sub3A_573 = arith.constant 2 : i32
      %sub3A_574 = arith.subi %add3A_540, %sub3A_573 : i32
      %ge3A_575 = arith.constant 0 : i32
      %ge3A_576 = arith.cmpi sge, %sub3A_574, %ge3A_575 : i32
      %convert_element_type3A_577 = arith.extui %ge3A_576 : i1 to i32
      %cond3A_578 = arith.constant 0 : i32
      %cond3A_579 = arith.cmpi ne, %convert_element_type3A_577, %cond3A_578 : i32
      scf.if %cond3A_579 {
        %dma_wait3A_737 = arith.constant 4 : i32
        %dma_wait3A_738 = arith.constant 4 : i32
        %dma_wait3A_739 = arith.constant 1 : i32
        %dma_wait3A_740 = arith.constant 4 : i32
        %dma_wait3A_741 = arith.constant 0 : i32
        %dma_wait3A_742 = arith.constant 0 : i32
        %dma_wait3A_743 = tpu.memref_slice %arg6[%dma_wait3A_737, %dma_wait3A_741, %dma_wait3A_742] : memref<5x128x64xf32, #tpu.memory_space<vmem>> -> memref<1x128x64xf32, #tpu.memory_space<vmem>>
        %dma_wait3A_744 = tpu.memref_squeeze %dma_wait3A_743 : memref<1x128x64xf32, #tpu.memory_space<vmem>> -> memref<128x64xf32, #tpu.memory_space<vmem>>
        %dma_wait3A_745 = arith.constant 0 : i32
        %dma_wait3A_746 = tpu.memref_slice %arg5[%dma_wait3A_738, %dma_wait3A_739, %dma_wait3A_745] : memref<5x2x128xi32, #tpu.memory_space<vmem>> -> memref<1x1x128xi32, #tpu.memory_space<vmem>>
        %dma_wait3A_747 = tpu.memref_squeeze %dma_wait3A_746 : memref<1x1x128xi32, #tpu.memory_space<vmem>> -> memref<128xi32, #tpu.memory_space<vmem>>
        %dma_wait3A_748 = arith.constant 0 : i32
        %dma_wait3A_749 = arith.constant 0 : i32
        %dma_wait3A_750 = tpu.memref_slice %arg8[%dma_wait3A_748, %dma_wait3A_749] : memref<10240x64xf32, #tpu.memory_space<vmem_shared>> -> memref<10240x64xf32, #tpu.memory_space<vmem_shared>>
        %dma_wait3A_751 = tpu.memref_slice %arg11[%dma_wait3A_740] : memref<5x!tpu.dma_semaphore, #tpu.memory_space<semaphore_mem>> -> memref<1x!tpu.dma_semaphore, #tpu.memory_space<semaphore_mem>>
        %dma_wait3A_752 = tpu.memref_squeeze %dma_wait3A_751 : memref<1x!tpu.dma_semaphore, #tpu.memory_space<semaphore_mem>> -> memref<!tpu.dma_semaphore, #tpu.memory_space<semaphore_mem>>
        tpu.wait_indirect_dma semaphore(%dma_wait3A_752 : memref<!tpu.dma_semaphore, #tpu.memory_space<semaphore_mem>>) src(%dma_wait3A_744 : memref<128x64xf32, #tpu.memory_space<vmem>>) dst(%dma_wait3A_750 : memref<10240x64xf32, #tpu.memory_space<vmem_shared>>)
        %add3A_753 = arith.constant 5 : i32
        %add3A_754 = arith.addi %sub3A_574, %add3A_753 : i32
        %lt3A_755 = arith.constant 157 : i32
        %lt3A_756 = arith.cmpi slt, %add3A_754, %lt3A_755 : i32
        %convert_element_type3A_757 = arith.extui %lt3A_756 : i1 to i32
        %cond3A_758 = arith.constant 0 : i32
        %cond3A_759 = arith.cmpi ne, %convert_element_type3A_757, %cond3A_758 : i32
        scf.if %cond3A_759 {
          %mul3A_760 = arith.constant 128 : i32
          %mul3A_761 = arith.muli %add3A_754, %mul3A_760 : i32
          %min3A_762 = arith.constant 19872 : i32
          %min3A_763 = arith.minsi %mul3A_761, %min3A_762 : i32
          %add3A_764 = arith.addi %mul3A_35, %min3A_763 : i32
          %dma_start3A_765 = arith.constant 0 : i32
          %dma_start3A_766 = arith.constant 4 : i32
          %dma_start3A_767 = arith.constant 0 : i32
          %dma_start3A_768 = arith.constant 4 : i32
          %dma_start3A_769 = arith.constant 0 : i32
          %dma_start3A_770 = tpu.memref_slice %arg5[%dma_start3A_766, %dma_start3A_767, %dma_start3A_769] : memref<5x2x128xi32, #tpu.memory_space<vmem>> -> memref<1x1x128xi32, #tpu.memory_space<vmem>>
          %dma_start3A_771 = tpu.memref_squeeze %dma_start3A_770 : memref<1x1x128xi32, #tpu.memory_space<vmem>> -> memref<128xi32, #tpu.memory_space<vmem>>
          %dma_start3A_772 = tpu.memref_slice %arg3[%dma_start3A_765, %add3A_764] : memref<2x320000xi32, #tpu.memory_space<hbm>> -> memref<1x128xi32, #tpu.memory_space<hbm>>
          %dma_start3A_773 = tpu.memref_squeeze %dma_start3A_772 : memref<1x128xi32, #tpu.memory_space<hbm>> -> memref<128xi32, #tpu.memory_space<hbm>>
          %dma_start3A_774 = tpu.memref_slice %arg9[%dma_start3A_768] : memref<5x!tpu.dma_semaphore, #tpu.memory_space<semaphore_mem>> -> memref<1x!tpu.dma_semaphore, #tpu.memory_space<semaphore_mem>>
          %dma_start3A_775 = tpu.memref_squeeze %dma_start3A_774 : memref<1x!tpu.dma_semaphore, #tpu.memory_space<semaphore_mem>> -> memref<!tpu.dma_semaphore, #tpu.memory_space<semaphore_mem>>
          %dma_start3A_776 = arith.constant 0 : i32
          %dma_start3A_777 = tpu.memref_slice %arg5[%dma_start3A_766, %dma_start3A_767, %dma_start3A_776] : memref<5x2x128xi32, #tpu.memory_space<vmem>> -> memref<1x1x128xi32, #tpu.memory_space<vmem>>
          %dma_start3A_778 = tpu.memref_squeeze %dma_start3A_777 : memref<1x1x128xi32, #tpu.memory_space<vmem>> -> memref<128xi32, #tpu.memory_space<vmem>>
          %dma_start3A_779 = tpu.memref_slice %arg3[%dma_start3A_765, %add3A_764] : memref<2x320000xi32, #tpu.memory_space<hbm>> -> memref<1x128xi32, #tpu.memory_space<hbm>>
          %dma_start3A_780 = tpu.memref_squeeze %dma_start3A_779 : memref<1x128xi32, #tpu.memory_space<hbm>> -> memref<128xi32, #tpu.memory_space<hbm>>
          tpu.enqueue_dma source(%dma_start3A_780 : memref<128xi32, #tpu.memory_space<hbm>>) target(%dma_start3A_778 : memref<128xi32, #tpu.memory_space<vmem>>) target_semaphore(%dma_start3A_775 : memref<!tpu.dma_semaphore, #tpu.memory_space<semaphore_mem>>)
          %mul3A_781 = arith.constant 128 : i32
          %mul3A_782 = arith.muli %add3A_754, %mul3A_781 : i32
          %min3A_783 = arith.constant 19872 : i32
          %min3A_784 = arith.minsi %mul3A_782, %min3A_783 : i32
          %add3A_785 = arith.addi %mul3A_35, %min3A_784 : i32
          %dma_start3A_786 = arith.constant 1 : i32
          %dma_start3A_787 = arith.constant 4 : i32
          %dma_start3A_788 = arith.constant 1 : i32
          %dma_start3A_789 = arith.constant 4 : i32
          %dma_start3A_790 = arith.constant 0 : i32
          %dma_start3A_791 = tpu.memref_slice %arg5[%dma_start3A_787, %dma_start3A_788, %dma_start3A_790] : memref<5x2x128xi32, #tpu.memory_space<vmem>> -> memref<1x1x128xi32, #tpu.memory_space<vmem>>
          %dma_start3A_792 = tpu.memref_squeeze %dma_start3A_791 : memref<1x1x128xi32, #tpu.memory_space<vmem>> -> memref<128xi32, #tpu.memory_space<vmem>>
          %dma_start3A_793 = tpu.memref_slice %arg3[%dma_start3A_786, %add3A_785] : memref<2x320000xi32, #tpu.memory_space<hbm>> -> memref<1x128xi32, #tpu.memory_space<hbm>>
          %dma_start3A_794 = tpu.memref_squeeze %dma_start3A_793 : memref<1x128xi32, #tpu.memory_space<hbm>> -> memref<128xi32, #tpu.memory_space<hbm>>
          %dma_start3A_795 = tpu.memref_slice %arg9[%dma_start3A_789] : memref<5x!tpu.dma_semaphore, #tpu.memory_space<semaphore_mem>> -> memref<1x!tpu.dma_semaphore, #tpu.memory_space<semaphore_mem>>
          %dma_start3A_796 = tpu.memref_squeeze %dma_start3A_795 : memref<1x!tpu.dma_semaphore, #tpu.memory_space<semaphore_mem>> -> memref<!tpu.dma_semaphore, #tpu.memory_space<semaphore_mem>>
          %dma_start3A_797 = arith.constant 0 : i32
          %dma_start3A_798 = tpu.memref_slice %arg5[%dma_start3A_787, %dma_start3A_788, %dma_start3A_797] : memref<5x2x128xi32, #tpu.memory_space<vmem>> -> memref<1x1x128xi32, #tpu.memory_space<vmem>>
          %dma_start3A_799 = tpu.memref_squeeze %dma_start3A_798 : memref<1x1x128xi32, #tpu.memory_space<vmem>> -> memref<128xi32, #tpu.memory_space<vmem>>
          %dma_start3A_800 = tpu.memref_slice %arg3[%dma_start3A_786, %add3A_785] : memref<2x320000xi32, #tpu.memory_space<hbm>> -> memref<1x128xi32, #tpu.memory_space<hbm>>
          %dma_start3A_801 = tpu.memref_squeeze %dma_start3A_800 : memref<1x128xi32, #tpu.memory_space<hbm>> -> memref<128xi32, #tpu.memory_space<hbm>>
          tpu.enqueue_dma source(%dma_start3A_801 : memref<128xi32, #tpu.memory_space<hbm>>) target(%dma_start3A_799 : memref<128xi32, #tpu.memory_space<vmem>>) target_semaphore(%dma_start3A_796 : memref<!tpu.dma_semaphore, #tpu.memory_space<semaphore_mem>>)
        } else {
        }
      } else {
      }
      %add3A_580 = arith.constant 2 : i32
      %add3A_581 = arith.addi %add3A_540, %add3A_580 : i32
      %lt3A_582 = arith.constant 157 : i32
      %lt3A_583 = arith.cmpi slt, %add3A_581, %lt3A_582 : i32
      %convert_element_type3A_584 = arith.extui %lt3A_583 : i1 to i32
      %cond3A_585 = arith.constant 0 : i32
      %cond3A_586 = arith.cmpi ne, %convert_element_type3A_584, %cond3A_585 : i32
      scf.if %cond3A_586 {
        %mul3A_737 = arith.constant 128 : i32
        %mul3A_738 = arith.muli %add3A_581, %mul3A_737 : i32
        %min3A_739 = arith.constant 19872 : i32
        %min3A_740 = arith.minsi %mul3A_738, %min3A_739 : i32
        %add3A_741 = arith.addi %mul3A_35, %min3A_740 : i32
        %dma_wait3A_742 = arith.constant 0 : i32
        %dma_wait3A_743 = arith.constant 3 : i32
        %dma_wait3A_744 = arith.constant 0 : i32
        %dma_wait3A_745 = arith.constant 3 : i32
        %dma_wait3A_746 = arith.constant 0 : i32
        %dma_wait3A_747 = tpu.memref_slice %arg5[%dma_wait3A_743, %dma_wait3A_744, %dma_wait3A_746] : memref<5x2x128xi32, #tpu.memory_space<vmem>> -> memref<1x1x128xi32, #tpu.memory_space<vmem>>
        %dma_wait3A_748 = tpu.memref_squeeze %dma_wait3A_747 : memref<1x1x128xi32, #tpu.memory_space<vmem>> -> memref<128xi32, #tpu.memory_space<vmem>>
        %dma_wait3A_749 = tpu.memref_slice %arg3[%dma_wait3A_742, %add3A_741] : memref<2x320000xi32, #tpu.memory_space<hbm>> -> memref<1x128xi32, #tpu.memory_space<hbm>>
        %dma_wait3A_750 = tpu.memref_squeeze %dma_wait3A_749 : memref<1x128xi32, #tpu.memory_space<hbm>> -> memref<128xi32, #tpu.memory_space<hbm>>
        %dma_wait3A_751 = tpu.memref_slice %arg9[%dma_wait3A_745] : memref<5x!tpu.dma_semaphore, #tpu.memory_space<semaphore_mem>> -> memref<1x!tpu.dma_semaphore, #tpu.memory_space<semaphore_mem>>
        %dma_wait3A_752 = tpu.memref_squeeze %dma_wait3A_751 : memref<1x!tpu.dma_semaphore, #tpu.memory_space<semaphore_mem>> -> memref<!tpu.dma_semaphore, #tpu.memory_space<semaphore_mem>>
        %dma_wait3A_753 = arith.constant 0 : i32
        %dma_wait3A_754 = tpu.memref_slice %arg5[%dma_wait3A_743, %dma_wait3A_744, %dma_wait3A_753] : memref<5x2x128xi32, #tpu.memory_space<vmem>> -> memref<1x1x128xi32, #tpu.memory_space<vmem>>
        %dma_wait3A_755 = tpu.memref_squeeze %dma_wait3A_754 : memref<1x1x128xi32, #tpu.memory_space<vmem>> -> memref<128xi32, #tpu.memory_space<vmem>>
        %dma_wait3A_756 = tpu.memref_slice %arg3[%dma_wait3A_742, %add3A_741] : memref<2x320000xi32, #tpu.memory_space<hbm>> -> memref<1x128xi32, #tpu.memory_space<hbm>>
        %dma_wait3A_757 = tpu.memref_squeeze %dma_wait3A_756 : memref<1x128xi32, #tpu.memory_space<hbm>> -> memref<128xi32, #tpu.memory_space<hbm>>
        tpu.wait_dma2 semaphore(%dma_wait3A_752 : memref<!tpu.dma_semaphore, #tpu.memory_space<semaphore_mem>>) src(%dma_wait3A_757 : memref<128xi32, #tpu.memory_space<hbm>>) dst(%dma_wait3A_755 : memref<128xi32, #tpu.memory_space<vmem>>)
        %mul3A_758 = arith.constant 128 : i32
        %mul3A_759 = arith.muli %add3A_581, %mul3A_758 : i32
        %min3A_760 = arith.constant 19872 : i32
        %min3A_761 = arith.minsi %mul3A_759, %min3A_760 : i32
        %add3A_762 = arith.addi %mul3A_35, %min3A_761 : i32
        %dma_wait3A_763 = arith.constant 1 : i32
        %dma_wait3A_764 = arith.constant 3 : i32
        %dma_wait3A_765 = arith.constant 1 : i32
        %dma_wait3A_766 = arith.constant 3 : i32
        %dma_wait3A_767 = arith.constant 0 : i32
        %dma_wait3A_768 = tpu.memref_slice %arg5[%dma_wait3A_764, %dma_wait3A_765, %dma_wait3A_767] : memref<5x2x128xi32, #tpu.memory_space<vmem>> -> memref<1x1x128xi32, #tpu.memory_space<vmem>>
        %dma_wait3A_769 = tpu.memref_squeeze %dma_wait3A_768 : memref<1x1x128xi32, #tpu.memory_space<vmem>> -> memref<128xi32, #tpu.memory_space<vmem>>
        %dma_wait3A_770 = tpu.memref_slice %arg3[%dma_wait3A_763, %add3A_762] : memref<2x320000xi32, #tpu.memory_space<hbm>> -> memref<1x128xi32, #tpu.memory_space<hbm>>
        %dma_wait3A_771 = tpu.memref_squeeze %dma_wait3A_770 : memref<1x128xi32, #tpu.memory_space<hbm>> -> memref<128xi32, #tpu.memory_space<hbm>>
        %dma_wait3A_772 = tpu.memref_slice %arg9[%dma_wait3A_766] : memref<5x!tpu.dma_semaphore, #tpu.memory_space<semaphore_mem>> -> memref<1x!tpu.dma_semaphore, #tpu.memory_space<semaphore_mem>>
        %dma_wait3A_773 = tpu.memref_squeeze %dma_wait3A_772 : memref<1x!tpu.dma_semaphore, #tpu.memory_space<semaphore_mem>> -> memref<!tpu.dma_semaphore, #tpu.memory_space<semaphore_mem>>
        %dma_wait3A_774 = arith.constant 0 : i32
        %dma_wait3A_775 = tpu.memref_slice %arg5[%dma_wait3A_764, %dma_wait3A_765, %dma_wait3A_774] : memref<5x2x128xi32, #tpu.memory_space<vmem>> -> memref<1x1x128xi32, #tpu.memory_space<vmem>>
        %dma_wait3A_776 = tpu.memref_squeeze %dma_wait3A_775 : memref<1x1x128xi32, #tpu.memory_space<vmem>> -> memref<128xi32, #tpu.memory_space<vmem>>
        %dma_wait3A_777 = tpu.memref_slice %arg3[%dma_wait3A_763, %add3A_762] : memref<2x320000xi32, #tpu.memory_space<hbm>> -> memref<1x128xi32, #tpu.memory_space<hbm>>
        %dma_wait3A_778 = tpu.memref_squeeze %dma_wait3A_777 : memref<1x128xi32, #tpu.memory_space<hbm>> -> memref<128xi32, #tpu.memory_space<hbm>>
        tpu.wait_dma2 semaphore(%dma_wait3A_773 : memref<!tpu.dma_semaphore, #tpu.memory_space<semaphore_mem>>) src(%dma_wait3A_778 : memref<128xi32, #tpu.memory_space<hbm>>) dst(%dma_wait3A_776 : memref<128xi32, #tpu.memory_space<vmem>>)
        %eq3A_779 = arith.constant 156 : i32
        %eq3A_780 = arith.cmpi eq, %add3A_581, %eq3A_779 : i32
        %convert_element_type3A_781 = arith.extui %eq3A_780 : i1 to i32
        %cond3A_782 = arith.constant 0 : i32
        %cond3A_783 = arith.cmpi ne, %convert_element_type3A_781, %cond3A_782 : i32
        scf.if %cond3A_783 {
          %broadcast_in_dim3A_800 = arith.constant 10000 : i32
          %broadcast_in_dim3A_801 = vector.broadcast %broadcast_in_dim3A_800 : i32 to vector<16xi32>
          %broadcast_in_dim3A_802 = arith.constant 0 : i32
          %broadcast_in_dim3A_803 = vector.broadcast %broadcast_in_dim3A_802 : i32 to vector<16xi32>
          %swap3A = arith.constant 3 : i32
          %swap3A_804 = arith.constant 0 : i32
          %swap3A_805 = arith.index_cast %swap3A : i32 to index
          %swap3A_806 = arith.index_cast %swap3A_804 : i32 to index
          %swap3A_807 = arith.constant 0 : index
          %swap3A_808 = tpu.vector_load %arg5[%swap3A_805, %swap3A_806, %swap3A_807] {strides = array<i32>} : memref<5x2x128xi32, #tpu.memory_space<vmem>>, vector<1x1x16xi32>,
          %swap3A_809 = vector.shape_cast %swap3A_808 : vector<1x1x16xi32> to vector<16xi32>
          %swap3A_810 = vector.shape_cast %broadcast_in_dim3A_803 : vector<16xi32> to vector<1x1x16xi32>
          tpu.vector_store %arg5[%swap3A_805, %swap3A_806, %swap3A_807], %swap3A_810 {strides = array<i32>} : memref<5x2x128xi32, #tpu.memory_space<vmem>>, vector<1x1x16xi32>,
          %swap3A_811 = arith.constant 3 : i32
          %swap3A_812 = arith.constant 1 : i32
          %swap3A_813 = arith.index_cast %swap3A_811 : i32 to index
          %swap3A_814 = arith.index_cast %swap3A_812 : i32 to index
          %swap3A_815 = arith.constant 0 : index
          %swap3A_816 = tpu.vector_load %arg5[%swap3A_813, %swap3A_814, %swap3A_815] {strides = array<i32>} : memref<5x2x128xi32, #tpu.memory_space<vmem>>, vector<1x1x16xi32>,
          %swap3A_817 = vector.shape_cast %swap3A_816 : vector<1x1x16xi32> to vector<16xi32>
          %swap3A_818 = vector.shape_cast %broadcast_in_dim3A_801 : vector<16xi32> to vector<1x1x16xi32>
          tpu.vector_store %arg5[%swap3A_813, %swap3A_814, %swap3A_815], %swap3A_818 {strides = array<i32>} : memref<5x2x128xi32, #tpu.memory_space<vmem>>, vector<1x1x16xi32>,
          %swap3A_819 = arith.constant 3 : i32
          %swap3A_820 = arith.constant 0 : i32
          %swap3A_821 = arith.index_cast %swap3A_819 : i32 to index
          %swap3A_822 = arith.index_cast %swap3A_820 : i32 to index
          %swap3A_823 = arith.constant 16 : index
          %swap3A_824 = tpu.vector_load %arg5[%swap3A_821, %swap3A_822, %swap3A_823] {strides = array<i32>} : memref<5x2x128xi32, #tpu.memory_space<vmem>>, vector<1x1x16xi32>,
          %swap3A_825 = vector.shape_cast %swap3A_824 : vector<1x1x16xi32> to vector<16xi32>
          %swap3A_826 = vector.shape_cast %broadcast_in_dim3A_803 : vector<16xi32> to vector<1x1x16xi32>
          tpu.vector_store %arg5[%swap3A_821, %swap3A_822, %swap3A_823], %swap3A_826 {strides = array<i32>} : memref<5x2x128xi32, #tpu.memory_space<vmem>>, vector<1x1x16xi32>,
          %swap3A_827 = arith.constant 3 : i32
          %swap3A_828 = arith.constant 1 : i32
          %swap3A_829 = arith.index_cast %swap3A_827 : i32 to index
          %swap3A_830 = arith.index_cast %swap3A_828 : i32 to index
          %swap3A_831 = arith.constant 16 : index
          %swap3A_832 = tpu.vector_load %arg5[%swap3A_829, %swap3A_830, %swap3A_831] {strides = array<i32>} : memref<5x2x128xi32, #tpu.memory_space<vmem>>, vector<1x1x16xi32>,
          %swap3A_833 = vector.shape_cast %swap3A_832 : vector<1x1x16xi32> to vector<16xi32>
          %swap3A_834 = vector.shape_cast %broadcast_in_dim3A_801 : vector<16xi32> to vector<1x1x16xi32>
          tpu.vector_store %arg5[%swap3A_829, %swap3A_830, %swap3A_831], %swap3A_834 {strides = array<i32>} : memref<5x2x128xi32, #tpu.memory_space<vmem>>, vector<1x1x16xi32>,
          %swap3A_835 = arith.constant 3 : i32
          %swap3A_836 = arith.constant 0 : i32
          %swap3A_837 = arith.index_cast %swap3A_835 : i32 to index
          %swap3A_838 = arith.index_cast %swap3A_836 : i32 to index
          %swap3A_839 = arith.constant 32 : index
          %swap3A_840 = tpu.vector_load %arg5[%swap3A_837, %swap3A_838, %swap3A_839] {strides = array<i32>} : memref<5x2x128xi32, #tpu.memory_space<vmem>>, vector<1x1x16xi32>,
          %swap3A_841 = vector.shape_cast %swap3A_840 : vector<1x1x16xi32> to vector<16xi32>
          %swap3A_842 = vector.shape_cast %broadcast_in_dim3A_803 : vector<16xi32> to vector<1x1x16xi32>
          tpu.vector_store %arg5[%swap3A_837, %swap3A_838, %swap3A_839], %swap3A_842 {strides = array<i32>} : memref<5x2x128xi32, #tpu.memory_space<vmem>>, vector<1x1x16xi32>,
          %swap3A_843 = arith.constant 3 : i32
          %swap3A_844 = arith.constant 1 : i32
          %swap3A_845 = arith.index_cast %swap3A_843 : i32 to index
          %swap3A_846 = arith.index_cast %swap3A_844 : i32 to index
          %swap3A_847 = arith.constant 32 : index
          %swap3A_848 = tpu.vector_load %arg5[%swap3A_845, %swap3A_846, %swap3A_847] {strides = array<i32>} : memref<5x2x128xi32, #tpu.memory_space<vmem>>, vector<1x1x16xi32>,
          %swap3A_849 = vector.shape_cast %swap3A_848 : vector<1x1x16xi32> to vector<16xi32>
          %swap3A_850 = vector.shape_cast %broadcast_in_dim3A_801 : vector<16xi32> to vector<1x1x16xi32>
          tpu.vector_store %arg5[%swap3A_845, %swap3A_846, %swap3A_847], %swap3A_850 {strides = array<i32>} : memref<5x2x128xi32, #tpu.memory_space<vmem>>, vector<1x1x16xi32>,
          %swap3A_851 = arith.constant 3 : i32
          %swap3A_852 = arith.constant 0 : i32
          %swap3A_853 = arith.index_cast %swap3A_851 : i32 to index
          %swap3A_854 = arith.index_cast %swap3A_852 : i32 to index
          %swap3A_855 = arith.constant 48 : index
          %swap3A_856 = tpu.vector_load %arg5[%swap3A_853, %swap3A_854, %swap3A_855] {strides = array<i32>} : memref<5x2x128xi32, #tpu.memory_space<vmem>>, vector<1x1x16xi32>,
          %swap3A_857 = vector.shape_cast %swap3A_856 : vector<1x1x16xi32> to vector<16xi32>
          %swap3A_858 = vector.shape_cast %broadcast_in_dim3A_803 : vector<16xi32> to vector<1x1x16xi32>
          tpu.vector_store %arg5[%swap3A_853, %swap3A_854, %swap3A_855], %swap3A_858 {strides = array<i32>} : memref<5x2x128xi32, #tpu.memory_space<vmem>>, vector<1x1x16xi32>,
          %swap3A_859 = arith.constant 3 : i32
          %swap3A_860 = arith.constant 1 : i32
          %swap3A_861 = arith.index_cast %swap3A_859 : i32 to index
          %swap3A_862 = arith.index_cast %swap3A_860 : i32 to index
          %swap3A_863 = arith.constant 48 : index
          %swap3A_864 = tpu.vector_load %arg5[%swap3A_861, %swap3A_862, %swap3A_863] {strides = array<i32>} : memref<5x2x128xi32, #tpu.memory_space<vmem>>, vector<1x1x16xi32>,
          %swap3A_865 = vector.shape_cast %swap3A_864 : vector<1x1x16xi32> to vector<16xi32>
          %swap3A_866 = vector.shape_cast %broadcast_in_dim3A_801 : vector<16xi32> to vector<1x1x16xi32>
          tpu.vector_store %arg5[%swap3A_861, %swap3A_862, %swap3A_863], %swap3A_866 {strides = array<i32>} : memref<5x2x128xi32, #tpu.memory_space<vmem>>, vector<1x1x16xi32>,
          %swap3A_867 = arith.constant 3 : i32
          %swap3A_868 = arith.constant 0 : i32
          %swap3A_869 = arith.index_cast %swap3A_867 : i32 to index
          %swap3A_870 = arith.index_cast %swap3A_868 : i32 to index
          %swap3A_871 = arith.constant 64 : index
          %swap3A_872 = tpu.vector_load %arg5[%swap3A_869, %swap3A_870, %swap3A_871] {strides = array<i32>} : memref<5x2x128xi32, #tpu.memory_space<vmem>>, vector<1x1x16xi32>,
          %swap3A_873 = vector.shape_cast %swap3A_872 : vector<1x1x16xi32> to vector<16xi32>
          %swap3A_874 = vector.shape_cast %broadcast_in_dim3A_803 : vector<16xi32> to vector<1x1x16xi32>
          tpu.vector_store %arg5[%swap3A_869, %swap3A_870, %swap3A_871], %swap3A_874 {strides = array<i32>} : memref<5x2x128xi32, #tpu.memory_space<vmem>>, vector<1x1x16xi32>,
          %swap3A_875 = arith.constant 3 : i32
          %swap3A_876 = arith.constant 1 : i32
          %swap3A_877 = arith.index_cast %swap3A_875 : i32 to index
          %swap3A_878 = arith.index_cast %swap3A_876 : i32 to index
          %swap3A_879 = arith.constant 64 : index
          %swap3A_880 = tpu.vector_load %arg5[%swap3A_877, %swap3A_878, %swap3A_879] {strides = array<i32>} : memref<5x2x128xi32, #tpu.memory_space<vmem>>, vector<1x1x16xi32>,
          %swap3A_881 = vector.shape_cast %swap3A_880 : vector<1x1x16xi32> to vector<16xi32>
          %swap3A_882 = vector.shape_cast %broadcast_in_dim3A_801 : vector<16xi32> to vector<1x1x16xi32>
          tpu.vector_store %arg5[%swap3A_877, %swap3A_878, %swap3A_879], %swap3A_882 {strides = array<i32>} : memref<5x2x128xi32, #tpu.memory_space<vmem>>, vector<1x1x16xi32>,
          %swap3A_883 = arith.constant 3 : i32
          %swap3A_884 = arith.constant 0 : i32
          %swap3A_885 = arith.index_cast %swap3A_883 : i32 to index
          %swap3A_886 = arith.index_cast %swap3A_884 : i32 to index
          %swap3A_887 = arith.constant 80 : index
          %swap3A_888 = tpu.vector_load %arg5[%swap3A_885, %swap3A_886, %swap3A_887] {strides = array<i32>} : memref<5x2x128xi32, #tpu.memory_space<vmem>>, vector<1x1x16xi32>,
          %swap3A_889 = vector.shape_cast %swap3A_888 : vector<1x1x16xi32> to vector<16xi32>
          %swap3A_890 = vector.shape_cast %broadcast_in_dim3A_803 : vector<16xi32> to vector<1x1x16xi32>
          tpu.vector_store %arg5[%swap3A_885, %swap3A_886, %swap3A_887], %swap3A_890 {strides = array<i32>} : memref<5x2x128xi32, #tpu.memory_space<vmem>>, vector<1x1x16xi32>,
          %swap3A_891 = arith.constant 3 : i32
          %swap3A_892 = arith.constant 1 : i32
          %swap3A_893 = arith.index_cast %swap3A_891 : i32 to index
          %swap3A_894 = arith.index_cast %swap3A_892 : i32 to index
          %swap3A_895 = arith.constant 80 : index
          %swap3A_896 = tpu.vector_load %arg5[%swap3A_893, %swap3A_894, %swap3A_895] {strides = array<i32>} : memref<5x2x128xi32, #tpu.memory_space<vmem>>, vector<1x1x16xi32>,
          %swap3A_897 = vector.shape_cast %swap3A_896 : vector<1x1x16xi32> to vector<16xi32>
          %swap3A_898 = vector.shape_cast %broadcast_in_dim3A_801 : vector<16xi32> to vector<1x1x16xi32>
          tpu.vector_store %arg5[%swap3A_893, %swap3A_894, %swap3A_895], %swap3A_898 {strides = array<i32>} : memref<5x2x128xi32, #tpu.memory_space<vmem>>, vector<1x1x16xi32>,
        } else {
        }
        %dma_start3A_784 = arith.constant 3 : i32
        %dma_start3A_785 = arith.constant 0 : i32
        %dma_start3A_786 = arith.constant 3 : i32
        %dma_start3A_787 = arith.constant 3 : i32
        %dma_start3A_788 = arith.constant 0 : i32
        %dma_start3A_789 = arith.constant 0 : i32
        %dma_start3A_790 = tpu.memref_slice %arg6[%dma_start3A_786, %dma_start3A_788, %dma_start3A_789] : memref<5x128x64xf32, #tpu.memory_space<vmem>> -> memref<1x128x64xf32, #tpu.memory_space<vmem>>
        %dma_start3A_791 = tpu.memref_squeeze %dma_start3A_790 : memref<1x128x64xf32, #tpu.memory_space<vmem>> -> memref<128x64xf32, #tpu.memory_space<vmem>>
        %dma_start3A_792 = arith.constant 0 : i32
        %dma_start3A_793 = tpu.memref_slice %arg5[%dma_start3A_784, %dma_start3A_785, %dma_start3A_792] : memref<5x2x128xi32, #tpu.memory_space<vmem>> -> memref<1x1x128xi32, #tpu.memory_space<vmem>>
        %dma_start3A_794 = tpu.memref_squeeze %dma_start3A_793 : memref<1x1x128xi32, #tpu.memory_space<vmem>> -> memref<128xi32, #tpu.memory_space<vmem>>
        %dma_start3A_795 = arith.constant 0 : i32
        %dma_start3A_796 = arith.constant 0 : i32
        %dma_start3A_797 = tpu.memref_slice %arg7[%dma_start3A_795, %dma_start3A_796] : memref<10240x64xf32, #tpu.memory_space<vmem_shared>> -> memref<10240x64xf32, #tpu.memory_space<vmem_shared>>
        %dma_start3A_798 = tpu.memref_slice %arg10[%dma_start3A_787] : memref<5x!tpu.dma_semaphore, #tpu.memory_space<semaphore_mem>> -> memref<1x!tpu.dma_semaphore, #tpu.memory_space<semaphore_mem>>
        %dma_start3A_799 = tpu.memref_squeeze %dma_start3A_798 : memref<1x!tpu.dma_semaphore, #tpu.memory_space<semaphore_mem>> -> memref<!tpu.dma_semaphore, #tpu.memory_space<semaphore_mem>>
        tpu.enqueue_indirect_dma source(%dma_start3A_797 : memref<10240x64xf32, #tpu.memory_space<vmem_shared>>) target(%dma_start3A_791 : memref<128x64xf32, #tpu.memory_space<vmem>>) offsets(%dma_start3A_794 : memref<128xi32, #tpu.memory_space<vmem>>) semaphore(%dma_start3A_799 : memref<!tpu.dma_semaphore, #tpu.memory_space<semaphore_mem>>)
      } else {
      }
      %mul3A_587 = arith.constant 5 : i32
      %mul3A_588 = arith.muli %scan3A_488, %mul3A_587 : i32
      %add3A_589 = arith.constant 2 : i32
      %add3A_590 = arith.addi %mul3A_588, %add3A_589 : i32
      %dma_wait3A_591 = arith.constant 2 : i32
      %dma_wait3A_592 = arith.constant 0 : i32
      %dma_wait3A_593 = arith.constant 2 : i32
      %dma_wait3A_594 = arith.constant 2 : i32
      %dma_wait3A_595 = arith.constant 0 : i32
      %dma_wait3A_596 = arith.constant 0 : i32
      %dma_wait3A_597 = tpu.memref_slice %arg6[%dma_wait3A_593, %dma_wait3A_595, %dma_wait3A_596] : memref<5x128x64xf32, #tpu.memory_space<vmem>> -> memref<1x128x64xf32, #tpu.memory_space<vmem>>
      %dma_wait3A_598 = tpu.memref_squeeze %dma_wait3A_597 : memref<1x128x64xf32, #tpu.memory_space<vmem>> -> memref<128x64xf32, #tpu.memory_space<vmem>>
      %dma_wait3A_599 = arith.constant 0 : i32
      %dma_wait3A_600 = tpu.memref_slice %arg5[%dma_wait3A_591, %dma_wait3A_592, %dma_wait3A_599] : memref<5x2x128xi32, #tpu.memory_space<vmem>> -> memref<1x1x128xi32, #tpu.memory_space<vmem>>
      %dma_wait3A_601 = tpu.memref_squeeze %dma_wait3A_600 : memref<1x1x128xi32, #tpu.memory_space<vmem>> -> memref<128xi32, #tpu.memory_space<vmem>>
      %dma_wait3A_602 = arith.constant 0 : i32
      %dma_wait3A_603 = arith.constant 0 : i32
      %dma_wait3A_604 = tpu.memref_slice %arg7[%dma_wait3A_602, %dma_wait3A_603] : memref<10240x64xf32, #tpu.memory_space<vmem_shared>> -> memref<10240x64xf32, #tpu.memory_space<vmem_shared>>
      %dma_wait3A_605 = tpu.memref_slice %arg10[%dma_wait3A_594] : memref<5x!tpu.dma_semaphore, #tpu.memory_space<semaphore_mem>> -> memref<1x!tpu.dma_semaphore, #tpu.memory_space<semaphore_mem>>
      %dma_wait3A_606 = tpu.memref_squeeze %dma_wait3A_605 : memref<1x!tpu.dma_semaphore, #tpu.memory_space<semaphore_mem>> -> memref<!tpu.dma_semaphore, #tpu.memory_space<semaphore_mem>>
      tpu.wait_indirect_dma semaphore(%dma_wait3A_606 : memref<!tpu.dma_semaphore, #tpu.memory_space<semaphore_mem>>) src(%dma_wait3A_604 : memref<10240x64xf32, #tpu.memory_space<vmem_shared>>) dst(%dma_wait3A_598 : memref<128x64xf32, #tpu.memory_space<vmem>>)
      %dma_start3A_607 = arith.constant 2 : i32
      %dma_start3A_608 = arith.constant 2 : i32
      %dma_start3A_609 = arith.constant 1 : i32
      %dma_start3A_610 = arith.constant 2 : i32
      %dma_start3A_611 = arith.constant 0 : i32
      %dma_start3A_612 = arith.constant 0 : i32
      %dma_start3A_613 = tpu.memref_slice %arg6[%dma_start3A_607, %dma_start3A_611, %dma_start3A_612] : memref<5x128x64xf32, #tpu.memory_space<vmem>> -> memref<1x128x64xf32, #tpu.memory_space<vmem>>
      %dma_start3A_614 = tpu.memref_squeeze %dma_start3A_613 : memref<1x128x64xf32, #tpu.memory_space<vmem>> -> memref<128x64xf32, #tpu.memory_space<vmem>>
      %dma_start3A_615 = arith.constant 0 : i32
      %dma_start3A_616 = tpu.memref_slice %arg5[%dma_start3A_608, %dma_start3A_609, %dma_start3A_615] : memref<5x2x128xi32, #tpu.memory_space<vmem>> -> memref<1x1x128xi32, #tpu.memory_space<vmem>>
      %dma_start3A_617 = tpu.memref_squeeze %dma_start3A_616 : memref<1x1x128xi32, #tpu.memory_space<vmem>> -> memref<128xi32, #tpu.memory_space<vmem>>
      %dma_start3A_618 = arith.constant 0 : i32
      %dma_start3A_619 = arith.constant 0 : i32
      %dma_start3A_620 = tpu.memref_slice %arg8[%dma_start3A_618, %dma_start3A_619] : memref<10240x64xf32, #tpu.memory_space<vmem_shared>> -> memref<10240x64xf32, #tpu.memory_space<vmem_shared>>
      %dma_start3A_621 = tpu.memref_slice %arg11[%dma_start3A_610] : memref<5x!tpu.dma_semaphore, #tpu.memory_space<semaphore_mem>> -> memref<1x!tpu.dma_semaphore, #tpu.memory_space<semaphore_mem>>
      %dma_start3A_622 = tpu.memref_squeeze %dma_start3A_621 : memref<1x!tpu.dma_semaphore, #tpu.memory_space<semaphore_mem>> -> memref<!tpu.dma_semaphore, #tpu.memory_space<semaphore_mem>>
      tpu.enqueue_indirect_dma source(%dma_start3A_614 : memref<128x64xf32, #tpu.memory_space<vmem>>) target(%dma_start3A_620 : memref<10240x64xf32, #tpu.memory_space<vmem_shared>>) offsets(%dma_start3A_617 : memref<128xi32, #tpu.memory_space<vmem>>) semaphore(%dma_start3A_622 : memref<!tpu.dma_semaphore, #tpu.memory_space<semaphore_mem>>) {add = true}
      %sub3A_623 = arith.constant 2 : i32
      %sub3A_624 = arith.subi %add3A_590, %sub3A_623 : i32
      %ge3A_625 = arith.constant 0 : i32
      %ge3A_626 = arith.cmpi sge, %sub3A_624, %ge3A_625 : i32
      %convert_element_type3A_627 = arith.extui %ge3A_626 : i1 to i32
      %cond3A_628 = arith.constant 0 : i32
      %cond3A_629 = arith.cmpi ne, %convert_element_type3A_627, %cond3A_628 : i32
      scf.if %cond3A_629 {
        %dma_wait3A_737 = arith.constant 0 : i32
        %dma_wait3A_738 = arith.constant 0 : i32
        %dma_wait3A_739 = arith.constant 1 : i32
        %dma_wait3A_740 = arith.constant 0 : i32
        %dma_wait3A_741 = arith.constant 0 : i32
        %dma_wait3A_742 = arith.constant 0 : i32
        %dma_wait3A_743 = tpu.memref_slice %arg6[%dma_wait3A_737, %dma_wait3A_741, %dma_wait3A_742] : memref<5x128x64xf32, #tpu.memory_space<vmem>> -> memref<1x128x64xf32, #tpu.memory_space<vmem>>
        %dma_wait3A_744 = tpu.memref_squeeze %dma_wait3A_743 : memref<1x128x64xf32, #tpu.memory_space<vmem>> -> memref<128x64xf32, #tpu.memory_space<vmem>>
        %dma_wait3A_745 = arith.constant 0 : i32
        %dma_wait3A_746 = tpu.memref_slice %arg5[%dma_wait3A_738, %dma_wait3A_739, %dma_wait3A_745] : memref<5x2x128xi32, #tpu.memory_space<vmem>> -> memref<1x1x128xi32, #tpu.memory_space<vmem>>
        %dma_wait3A_747 = tpu.memref_squeeze %dma_wait3A_746 : memref<1x1x128xi32, #tpu.memory_space<vmem>> -> memref<128xi32, #tpu.memory_space<vmem>>
        %dma_wait3A_748 = arith.constant 0 : i32
        %dma_wait3A_749 = arith.constant 0 : i32
        %dma_wait3A_750 = tpu.memref_slice %arg8[%dma_wait3A_748, %dma_wait3A_749] : memref<10240x64xf32, #tpu.memory_space<vmem_shared>> -> memref<10240x64xf32, #tpu.memory_space<vmem_shared>>
        %dma_wait3A_751 = tpu.memref_slice %arg11[%dma_wait3A_740] : memref<5x!tpu.dma_semaphore, #tpu.memory_space<semaphore_mem>> -> memref<1x!tpu.dma_semaphore, #tpu.memory_space<semaphore_mem>>
        %dma_wait3A_752 = tpu.memref_squeeze %dma_wait3A_751 : memref<1x!tpu.dma_semaphore, #tpu.memory_space<semaphore_mem>> -> memref<!tpu.dma_semaphore, #tpu.memory_space<semaphore_mem>>
        tpu.wait_indirect_dma semaphore(%dma_wait3A_752 : memref<!tpu.dma_semaphore, #tpu.memory_space<semaphore_mem>>) src(%dma_wait3A_744 : memref<128x64xf32, #tpu.memory_space<vmem>>) dst(%dma_wait3A_750 : memref<10240x64xf32, #tpu.memory_space<vmem_shared>>)
        %add3A_753 = arith.constant 5 : i32
        %add3A_754 = arith.addi %sub3A_624, %add3A_753 : i32
        %lt3A_755 = arith.constant 157 : i32
        %lt3A_756 = arith.cmpi slt, %add3A_754, %lt3A_755 : i32
        %convert_element_type3A_757 = arith.extui %lt3A_756 : i1 to i32
        %cond3A_758 = arith.constant 0 : i32
        %cond3A_759 = arith.cmpi ne, %convert_element_type3A_757, %cond3A_758 : i32
        scf.if %cond3A_759 {
          %mul3A_760 = arith.constant 128 : i32
          %mul3A_761 = arith.muli %add3A_754, %mul3A_760 : i32
          %min3A_762 = arith.constant 19872 : i32
          %min3A_763 = arith.minsi %mul3A_761, %min3A_762 : i32
          %add3A_764 = arith.addi %mul3A_35, %min3A_763 : i32
          %dma_start3A_765 = arith.constant 0 : i32
          %dma_start3A_766 = arith.constant 0 : i32
          %dma_start3A_767 = arith.constant 0 : i32
          %dma_start3A_768 = arith.constant 0 : i32
          %dma_start3A_769 = arith.constant 0 : i32
          %dma_start3A_770 = tpu.memref_slice %arg5[%dma_start3A_766, %dma_start3A_767, %dma_start3A_769] : memref<5x2x128xi32, #tpu.memory_space<vmem>> -> memref<1x1x128xi32, #tpu.memory_space<vmem>>
          %dma_start3A_771 = tpu.memref_squeeze %dma_start3A_770 : memref<1x1x128xi32, #tpu.memory_space<vmem>> -> memref<128xi32, #tpu.memory_space<vmem>>
          %dma_start3A_772 = tpu.memref_slice %arg3[%dma_start3A_765, %add3A_764] : memref<2x320000xi32, #tpu.memory_space<hbm>> -> memref<1x128xi32, #tpu.memory_space<hbm>>
          %dma_start3A_773 = tpu.memref_squeeze %dma_start3A_772 : memref<1x128xi32, #tpu.memory_space<hbm>> -> memref<128xi32, #tpu.memory_space<hbm>>
          %dma_start3A_774 = tpu.memref_slice %arg9[%dma_start3A_768] : memref<5x!tpu.dma_semaphore, #tpu.memory_space<semaphore_mem>> -> memref<1x!tpu.dma_semaphore, #tpu.memory_space<semaphore_mem>>
          %dma_start3A_775 = tpu.memref_squeeze %dma_start3A_774 : memref<1x!tpu.dma_semaphore, #tpu.memory_space<semaphore_mem>> -> memref<!tpu.dma_semaphore, #tpu.memory_space<semaphore_mem>>
          %dma_start3A_776 = arith.constant 0 : i32
          %dma_start3A_777 = tpu.memref_slice %arg5[%dma_start3A_766, %dma_start3A_767, %dma_start3A_776] : memref<5x2x128xi32, #tpu.memory_space<vmem>> -> memref<1x1x128xi32, #tpu.memory_space<vmem>>
          %dma_start3A_778 = tpu.memref_squeeze %dma_start3A_777 : memref<1x1x128xi32, #tpu.memory_space<vmem>> -> memref<128xi32, #tpu.memory_space<vmem>>
          %dma_start3A_779 = tpu.memref_slice %arg3[%dma_start3A_765, %add3A_764] : memref<2x320000xi32, #tpu.memory_space<hbm>> -> memref<1x128xi32, #tpu.memory_space<hbm>>
          %dma_start3A_780 = tpu.memref_squeeze %dma_start3A_779 : memref<1x128xi32, #tpu.memory_space<hbm>> -> memref<128xi32, #tpu.memory_space<hbm>>
          tpu.enqueue_dma source(%dma_start3A_780 : memref<128xi32, #tpu.memory_space<hbm>>) target(%dma_start3A_778 : memref<128xi32, #tpu.memory_space<vmem>>) target_semaphore(%dma_start3A_775 : memref<!tpu.dma_semaphore, #tpu.memory_space<semaphore_mem>>)
          %mul3A_781 = arith.constant 128 : i32
          %mul3A_782 = arith.muli %add3A_754, %mul3A_781 : i32
          %min3A_783 = arith.constant 19872 : i32
          %min3A_784 = arith.minsi %mul3A_782, %min3A_783 : i32
          %add3A_785 = arith.addi %mul3A_35, %min3A_784 : i32
          %dma_start3A_786 = arith.constant 1 : i32
          %dma_start3A_787 = arith.constant 0 : i32
          %dma_start3A_788 = arith.constant 1 : i32
          %dma_start3A_789 = arith.constant 0 : i32
          %dma_start3A_790 = arith.constant 0 : i32
          %dma_start3A_791 = tpu.memref_slice %arg5[%dma_start3A_787, %dma_start3A_788, %dma_start3A_790] : memref<5x2x128xi32, #tpu.memory_space<vmem>> -> memref<1x1x128xi32, #tpu.memory_space<vmem>>
          %dma_start3A_792 = tpu.memref_squeeze %dma_start3A_791 : memref<1x1x128xi32, #tpu.memory_space<vmem>> -> memref<128xi32, #tpu.memory_space<vmem>>
          %dma_start3A_793 = tpu.memref_slice %arg3[%dma_start3A_786, %add3A_785] : memref<2x320000xi32, #tpu.memory_space<hbm>> -> memref<1x128xi32, #tpu.memory_space<hbm>>
          %dma_start3A_794 = tpu.memref_squeeze %dma_start3A_793 : memref<1x128xi32, #tpu.memory_space<hbm>> -> memref<128xi32, #tpu.memory_space<hbm>>
          %dma_start3A_795 = tpu.memref_slice %arg9[%dma_start3A_789] : memref<5x!tpu.dma_semaphore, #tpu.memory_space<semaphore_mem>> -> memref<1x!tpu.dma_semaphore, #tpu.memory_space<semaphore_mem>>
          %dma_start3A_796 = tpu.memref_squeeze %dma_start3A_795 : memref<1x!tpu.dma_semaphore, #tpu.memory_space<semaphore_mem>> -> memref<!tpu.dma_semaphore, #tpu.memory_space<semaphore_mem>>
          %dma_start3A_797 = arith.constant 0 : i32
          %dma_start3A_798 = tpu.memref_slice %arg5[%dma_start3A_787, %dma_start3A_788, %dma_start3A_797] : memref<5x2x128xi32, #tpu.memory_space<vmem>> -> memref<1x1x128xi32, #tpu.memory_space<vmem>>
          %dma_start3A_799 = tpu.memref_squeeze %dma_start3A_798 : memref<1x1x128xi32, #tpu.memory_space<vmem>> -> memref<128xi32, #tpu.memory_space<vmem>>
          %dma_start3A_800 = tpu.memref_slice %arg3[%dma_start3A_786, %add3A_785] : memref<2x320000xi32, #tpu.memory_space<hbm>> -> memref<1x128xi32, #tpu.memory_space<hbm>>
          %dma_start3A_801 = tpu.memref_squeeze %dma_start3A_800 : memref<1x128xi32, #tpu.memory_space<hbm>> -> memref<128xi32, #tpu.memory_space<hbm>>
          tpu.enqueue_dma source(%dma_start3A_801 : memref<128xi32, #tpu.memory_space<hbm>>) target(%dma_start3A_799 : memref<128xi32, #tpu.memory_space<vmem>>) target_semaphore(%dma_start3A_796 : memref<!tpu.dma_semaphore, #tpu.memory_space<semaphore_mem>>)
        } else {
        }
      } else {
      }
      %add3A_630 = arith.constant 2 : i32
      %add3A_631 = arith.addi %add3A_590, %add3A_630 : i32
      %lt3A_632 = arith.constant 157 : i32
      %lt3A_633 = arith.cmpi slt, %add3A_631, %lt3A_632 : i32
      %convert_element_type3A_634 = arith.extui %lt3A_633 : i1 to i32
      %cond3A_635 = arith.constant 0 : i32
      %cond3A_636 = arith.cmpi ne, %convert_element_type3A_634, %cond3A_635 : i32
      scf.if %cond3A_636 {
        %mul3A_737 = arith.constant 128 : i32
        %mul3A_738 = arith.muli %add3A_631, %mul3A_737 : i32
        %min3A_739 = arith.constant 19872 : i32
        %min3A_740 = arith.minsi %mul3A_738, %min3A_739 : i32
        %add3A_741 = arith.addi %mul3A_35, %min3A_740 : i32
        %dma_wait3A_742 = arith.constant 0 : i32
        %dma_wait3A_743 = arith.constant 4 : i32
        %dma_wait3A_744 = arith.constant 0 : i32
        %dma_wait3A_745 = arith.constant 4 : i32
        %dma_wait3A_746 = arith.constant 0 : i32
        %dma_wait3A_747 = tpu.memref_slice %arg5[%dma_wait3A_743, %dma_wait3A_744, %dma_wait3A_746] : memref<5x2x128xi32, #tpu.memory_space<vmem>> -> memref<1x1x128xi32, #tpu.memory_space<vmem>>
        %dma_wait3A_748 = tpu.memref_squeeze %dma_wait3A_747 : memref<1x1x128xi32, #tpu.memory_space<vmem>> -> memref<128xi32, #tpu.memory_space<vmem>>
        %dma_wait3A_749 = tpu.memref_slice %arg3[%dma_wait3A_742, %add3A_741] : memref<2x320000xi32, #tpu.memory_space<hbm>> -> memref<1x128xi32, #tpu.memory_space<hbm>>
        %dma_wait3A_750 = tpu.memref_squeeze %dma_wait3A_749 : memref<1x128xi32, #tpu.memory_space<hbm>> -> memref<128xi32, #tpu.memory_space<hbm>>
        %dma_wait3A_751 = tpu.memref_slice %arg9[%dma_wait3A_745] : memref<5x!tpu.dma_semaphore, #tpu.memory_space<semaphore_mem>> -> memref<1x!tpu.dma_semaphore, #tpu.memory_space<semaphore_mem>>
        %dma_wait3A_752 = tpu.memref_squeeze %dma_wait3A_751 : memref<1x!tpu.dma_semaphore, #tpu.memory_space<semaphore_mem>> -> memref<!tpu.dma_semaphore, #tpu.memory_space<semaphore_mem>>
        %dma_wait3A_753 = arith.constant 0 : i32
        %dma_wait3A_754 = tpu.memref_slice %arg5[%dma_wait3A_743, %dma_wait3A_744, %dma_wait3A_753] : memref<5x2x128xi32, #tpu.memory_space<vmem>> -> memref<1x1x128xi32, #tpu.memory_space<vmem>>
        %dma_wait3A_755 = tpu.memref_squeeze %dma_wait3A_754 : memref<1x1x128xi32, #tpu.memory_space<vmem>> -> memref<128xi32, #tpu.memory_space<vmem>>
        %dma_wait3A_756 = tpu.memref_slice %arg3[%dma_wait3A_742, %add3A_741] : memref<2x320000xi32, #tpu.memory_space<hbm>> -> memref<1x128xi32, #tpu.memory_space<hbm>>
        %dma_wait3A_757 = tpu.memref_squeeze %dma_wait3A_756 : memref<1x128xi32, #tpu.memory_space<hbm>> -> memref<128xi32, #tpu.memory_space<hbm>>
        tpu.wait_dma2 semaphore(%dma_wait3A_752 : memref<!tpu.dma_semaphore, #tpu.memory_space<semaphore_mem>>) src(%dma_wait3A_757 : memref<128xi32, #tpu.memory_space<hbm>>) dst(%dma_wait3A_755 : memref<128xi32, #tpu.memory_space<vmem>>)
        %mul3A_758 = arith.constant 128 : i32
        %mul3A_759 = arith.muli %add3A_631, %mul3A_758 : i32
        %min3A_760 = arith.constant 19872 : i32
        %min3A_761 = arith.minsi %mul3A_759, %min3A_760 : i32
        %add3A_762 = arith.addi %mul3A_35, %min3A_761 : i32
        %dma_wait3A_763 = arith.constant 1 : i32
        %dma_wait3A_764 = arith.constant 4 : i32
        %dma_wait3A_765 = arith.constant 1 : i32
        %dma_wait3A_766 = arith.constant 4 : i32
        %dma_wait3A_767 = arith.constant 0 : i32
        %dma_wait3A_768 = tpu.memref_slice %arg5[%dma_wait3A_764, %dma_wait3A_765, %dma_wait3A_767] : memref<5x2x128xi32, #tpu.memory_space<vmem>> -> memref<1x1x128xi32, #tpu.memory_space<vmem>>
        %dma_wait3A_769 = tpu.memref_squeeze %dma_wait3A_768 : memref<1x1x128xi32, #tpu.memory_space<vmem>> -> memref<128xi32, #tpu.memory_space<vmem>>
        %dma_wait3A_770 = tpu.memref_slice %arg3[%dma_wait3A_763, %add3A_762] : memref<2x320000xi32, #tpu.memory_space<hbm>> -> memref<1x128xi32, #tpu.memory_space<hbm>>
        %dma_wait3A_771 = tpu.memref_squeeze %dma_wait3A_770 : memref<1x128xi32, #tpu.memory_space<hbm>> -> memref<128xi32, #tpu.memory_space<hbm>>
        %dma_wait3A_772 = tpu.memref_slice %arg9[%dma_wait3A_766] : memref<5x!tpu.dma_semaphore, #tpu.memory_space<semaphore_mem>> -> memref<1x!tpu.dma_semaphore, #tpu.memory_space<semaphore_mem>>
        %dma_wait3A_773 = tpu.memref_squeeze %dma_wait3A_772 : memref<1x!tpu.dma_semaphore, #tpu.memory_space<semaphore_mem>> -> memref<!tpu.dma_semaphore, #tpu.memory_space<semaphore_mem>>
        %dma_wait3A_774 = arith.constant 0 : i32
        %dma_wait3A_775 = tpu.memref_slice %arg5[%dma_wait3A_764, %dma_wait3A_765, %dma_wait3A_774] : memref<5x2x128xi32, #tpu.memory_space<vmem>> -> memref<1x1x128xi32, #tpu.memory_space<vmem>>
        %dma_wait3A_776 = tpu.memref_squeeze %dma_wait3A_775 : memref<1x1x128xi32, #tpu.memory_space<vmem>> -> memref<128xi32, #tpu.memory_space<vmem>>
        %dma_wait3A_777 = tpu.memref_slice %arg3[%dma_wait3A_763, %add3A_762] : memref<2x320000xi32, #tpu.memory_space<hbm>> -> memref<1x128xi32, #tpu.memory_space<hbm>>
        %dma_wait3A_778 = tpu.memref_squeeze %dma_wait3A_777 : memref<1x128xi32, #tpu.memory_space<hbm>> -> memref<128xi32, #tpu.memory_space<hbm>>
        tpu.wait_dma2 semaphore(%dma_wait3A_773 : memref<!tpu.dma_semaphore, #tpu.memory_space<semaphore_mem>>) src(%dma_wait3A_778 : memref<128xi32, #tpu.memory_space<hbm>>) dst(%dma_wait3A_776 : memref<128xi32, #tpu.memory_space<vmem>>)
        %eq3A_779 = arith.constant 156 : i32
        %eq3A_780 = arith.cmpi eq, %add3A_631, %eq3A_779 : i32
        %convert_element_type3A_781 = arith.extui %eq3A_780 : i1 to i32
        %cond3A_782 = arith.constant 0 : i32
        %cond3A_783 = arith.cmpi ne, %convert_element_type3A_781, %cond3A_782 : i32
        scf.if %cond3A_783 {
          %broadcast_in_dim3A_800 = arith.constant 10000 : i32
          %broadcast_in_dim3A_801 = vector.broadcast %broadcast_in_dim3A_800 : i32 to vector<16xi32>
          %broadcast_in_dim3A_802 = arith.constant 0 : i32
          %broadcast_in_dim3A_803 = vector.broadcast %broadcast_in_dim3A_802 : i32 to vector<16xi32>
          %swap3A = arith.constant 4 : i32
          %swap3A_804 = arith.constant 0 : i32
          %swap3A_805 = arith.index_cast %swap3A : i32 to index
          %swap3A_806 = arith.index_cast %swap3A_804 : i32 to index
          %swap3A_807 = arith.constant 0 : index
          %swap3A_808 = tpu.vector_load %arg5[%swap3A_805, %swap3A_806, %swap3A_807] {strides = array<i32>} : memref<5x2x128xi32, #tpu.memory_space<vmem>>, vector<1x1x16xi32>,
          %swap3A_809 = vector.shape_cast %swap3A_808 : vector<1x1x16xi32> to vector<16xi32>
          %swap3A_810 = vector.shape_cast %broadcast_in_dim3A_803 : vector<16xi32> to vector<1x1x16xi32>
          tpu.vector_store %arg5[%swap3A_805, %swap3A_806, %swap3A_807], %swap3A_810 {strides = array<i32>} : memref<5x2x128xi32, #tpu.memory_space<vmem>>, vector<1x1x16xi32>,
          %swap3A_811 = arith.constant 4 : i32
          %swap3A_812 = arith.constant 1 : i32
          %swap3A_813 = arith.index_cast %swap3A_811 : i32 to index
          %swap3A_814 = arith.index_cast %swap3A_812 : i32 to index
          %swap3A_815 = arith.constant 0 : index
          %swap3A_816 = tpu.vector_load %arg5[%swap3A_813, %swap3A_814, %swap3A_815] {strides = array<i32>} : memref<5x2x128xi32, #tpu.memory_space<vmem>>, vector<1x1x16xi32>,
          %swap3A_817 = vector.shape_cast %swap3A_816 : vector<1x1x16xi32> to vector<16xi32>
          %swap3A_818 = vector.shape_cast %broadcast_in_dim3A_801 : vector<16xi32> to vector<1x1x16xi32>
          tpu.vector_store %arg5[%swap3A_813, %swap3A_814, %swap3A_815], %swap3A_818 {strides = array<i32>} : memref<5x2x128xi32, #tpu.memory_space<vmem>>, vector<1x1x16xi32>,
          %swap3A_819 = arith.constant 4 : i32
          %swap3A_820 = arith.constant 0 : i32
          %swap3A_821 = arith.index_cast %swap3A_819 : i32 to index
          %swap3A_822 = arith.index_cast %swap3A_820 : i32 to index
          %swap3A_823 = arith.constant 16 : index
          %swap3A_824 = tpu.vector_load %arg5[%swap3A_821, %swap3A_822, %swap3A_823] {strides = array<i32>} : memref<5x2x128xi32, #tpu.memory_space<vmem>>, vector<1x1x16xi32>,
          %swap3A_825 = vector.shape_cast %swap3A_824 : vector<1x1x16xi32> to vector<16xi32>
          %swap3A_826 = vector.shape_cast %broadcast_in_dim3A_803 : vector<16xi32> to vector<1x1x16xi32>
          tpu.vector_store %arg5[%swap3A_821, %swap3A_822, %swap3A_823], %swap3A_826 {strides = array<i32>} : memref<5x2x128xi32, #tpu.memory_space<vmem>>, vector<1x1x16xi32>,
          %swap3A_827 = arith.constant 4 : i32
          %swap3A_828 = arith.constant 1 : i32
          %swap3A_829 = arith.index_cast %swap3A_827 : i32 to index
          %swap3A_830 = arith.index_cast %swap3A_828 : i32 to index
          %swap3A_831 = arith.constant 16 : index
          %swap3A_832 = tpu.vector_load %arg5[%swap3A_829, %swap3A_830, %swap3A_831] {strides = array<i32>} : memref<5x2x128xi32, #tpu.memory_space<vmem>>, vector<1x1x16xi32>,
          %swap3A_833 = vector.shape_cast %swap3A_832 : vector<1x1x16xi32> to vector<16xi32>
          %swap3A_834 = vector.shape_cast %broadcast_in_dim3A_801 : vector<16xi32> to vector<1x1x16xi32>
          tpu.vector_store %arg5[%swap3A_829, %swap3A_830, %swap3A_831], %swap3A_834 {strides = array<i32>} : memref<5x2x128xi32, #tpu.memory_space<vmem>>, vector<1x1x16xi32>,
          %swap3A_835 = arith.constant 4 : i32
          %swap3A_836 = arith.constant 0 : i32
          %swap3A_837 = arith.index_cast %swap3A_835 : i32 to index
          %swap3A_838 = arith.index_cast %swap3A_836 : i32 to index
          %swap3A_839 = arith.constant 32 : index
          %swap3A_840 = tpu.vector_load %arg5[%swap3A_837, %swap3A_838, %swap3A_839] {strides = array<i32>} : memref<5x2x128xi32, #tpu.memory_space<vmem>>, vector<1x1x16xi32>,
          %swap3A_841 = vector.shape_cast %swap3A_840 : vector<1x1x16xi32> to vector<16xi32>
          %swap3A_842 = vector.shape_cast %broadcast_in_dim3A_803 : vector<16xi32> to vector<1x1x16xi32>
          tpu.vector_store %arg5[%swap3A_837, %swap3A_838, %swap3A_839], %swap3A_842 {strides = array<i32>} : memref<5x2x128xi32, #tpu.memory_space<vmem>>, vector<1x1x16xi32>,
          %swap3A_843 = arith.constant 4 : i32
          %swap3A_844 = arith.constant 1 : i32
          %swap3A_845 = arith.index_cast %swap3A_843 : i32 to index
          %swap3A_846 = arith.index_cast %swap3A_844 : i32 to index
          %swap3A_847 = arith.constant 32 : index
          %swap3A_848 = tpu.vector_load %arg5[%swap3A_845, %swap3A_846, %swap3A_847] {strides = array<i32>} : memref<5x2x128xi32, #tpu.memory_space<vmem>>, vector<1x1x16xi32>,
          %swap3A_849 = vector.shape_cast %swap3A_848 : vector<1x1x16xi32> to vector<16xi32>
          %swap3A_850 = vector.shape_cast %broadcast_in_dim3A_801 : vector<16xi32> to vector<1x1x16xi32>
          tpu.vector_store %arg5[%swap3A_845, %swap3A_846, %swap3A_847], %swap3A_850 {strides = array<i32>} : memref<5x2x128xi32, #tpu.memory_space<vmem>>, vector<1x1x16xi32>,
          %swap3A_851 = arith.constant 4 : i32
          %swap3A_852 = arith.constant 0 : i32
          %swap3A_853 = arith.index_cast %swap3A_851 : i32 to index
          %swap3A_854 = arith.index_cast %swap3A_852 : i32 to index
          %swap3A_855 = arith.constant 48 : index
          %swap3A_856 = tpu.vector_load %arg5[%swap3A_853, %swap3A_854, %swap3A_855] {strides = array<i32>} : memref<5x2x128xi32, #tpu.memory_space<vmem>>, vector<1x1x16xi32>,
          %swap3A_857 = vector.shape_cast %swap3A_856 : vector<1x1x16xi32> to vector<16xi32>
          %swap3A_858 = vector.shape_cast %broadcast_in_dim3A_803 : vector<16xi32> to vector<1x1x16xi32>
          tpu.vector_store %arg5[%swap3A_853, %swap3A_854, %swap3A_855], %swap3A_858 {strides = array<i32>} : memref<5x2x128xi32, #tpu.memory_space<vmem>>, vector<1x1x16xi32>,
          %swap3A_859 = arith.constant 4 : i32
          %swap3A_860 = arith.constant 1 : i32
          %swap3A_861 = arith.index_cast %swap3A_859 : i32 to index
          %swap3A_862 = arith.index_cast %swap3A_860 : i32 to index
          %swap3A_863 = arith.constant 48 : index
          %swap3A_864 = tpu.vector_load %arg5[%swap3A_861, %swap3A_862, %swap3A_863] {strides = array<i32>} : memref<5x2x128xi32, #tpu.memory_space<vmem>>, vector<1x1x16xi32>,
          %swap3A_865 = vector.shape_cast %swap3A_864 : vector<1x1x16xi32> to vector<16xi32>
          %swap3A_866 = vector.shape_cast %broadcast_in_dim3A_801 : vector<16xi32> to vector<1x1x16xi32>
          tpu.vector_store %arg5[%swap3A_861, %swap3A_862, %swap3A_863], %swap3A_866 {strides = array<i32>} : memref<5x2x128xi32, #tpu.memory_space<vmem>>, vector<1x1x16xi32>,
          %swap3A_867 = arith.constant 4 : i32
          %swap3A_868 = arith.constant 0 : i32
          %swap3A_869 = arith.index_cast %swap3A_867 : i32 to index
          %swap3A_870 = arith.index_cast %swap3A_868 : i32 to index
          %swap3A_871 = arith.constant 64 : index
          %swap3A_872 = tpu.vector_load %arg5[%swap3A_869, %swap3A_870, %swap3A_871] {strides = array<i32>} : memref<5x2x128xi32, #tpu.memory_space<vmem>>, vector<1x1x16xi32>,
          %swap3A_873 = vector.shape_cast %swap3A_872 : vector<1x1x16xi32> to vector<16xi32>
          %swap3A_874 = vector.shape_cast %broadcast_in_dim3A_803 : vector<16xi32> to vector<1x1x16xi32>
          tpu.vector_store %arg5[%swap3A_869, %swap3A_870, %swap3A_871], %swap3A_874 {strides = array<i32>} : memref<5x2x128xi32, #tpu.memory_space<vmem>>, vector<1x1x16xi32>,
          %swap3A_875 = arith.constant 4 : i32
          %swap3A_876 = arith.constant 1 : i32
          %swap3A_877 = arith.index_cast %swap3A_875 : i32 to index
          %swap3A_878 = arith.index_cast %swap3A_876 : i32 to index
          %swap3A_879 = arith.constant 64 : index
          %swap3A_880 = tpu.vector_load %arg5[%swap3A_877, %swap3A_878, %swap3A_879] {strides = array<i32>} : memref<5x2x128xi32, #tpu.memory_space<vmem>>, vector<1x1x16xi32>,
          %swap3A_881 = vector.shape_cast %swap3A_880 : vector<1x1x16xi32> to vector<16xi32>
          %swap3A_882 = vector.shape_cast %broadcast_in_dim3A_801 : vector<16xi32> to vector<1x1x16xi32>
          tpu.vector_store %arg5[%swap3A_877, %swap3A_878, %swap3A_879], %swap3A_882 {strides = array<i32>} : memref<5x2x128xi32, #tpu.memory_space<vmem>>, vector<1x1x16xi32>,
          %swap3A_883 = arith.constant 4 : i32
          %swap3A_884 = arith.constant 0 : i32
          %swap3A_885 = arith.index_cast %swap3A_883 : i32 to index
          %swap3A_886 = arith.index_cast %swap3A_884 : i32 to index
          %swap3A_887 = arith.constant 80 : index
          %swap3A_888 = tpu.vector_load %arg5[%swap3A_885, %swap3A_886, %swap3A_887] {strides = array<i32>} : memref<5x2x128xi32, #tpu.memory_space<vmem>>, vector<1x1x16xi32>,
          %swap3A_889 = vector.shape_cast %swap3A_888 : vector<1x1x16xi32> to vector<16xi32>
          %swap3A_890 = vector.shape_cast %broadcast_in_dim3A_803 : vector<16xi32> to vector<1x1x16xi32>
          tpu.vector_store %arg5[%swap3A_885, %swap3A_886, %swap3A_887], %swap3A_890 {strides = array<i32>} : memref<5x2x128xi32, #tpu.memory_space<vmem>>, vector<1x1x16xi32>,
          %swap3A_891 = arith.constant 4 : i32
          %swap3A_892 = arith.constant 1 : i32
          %swap3A_893 = arith.index_cast %swap3A_891 : i32 to index
          %swap3A_894 = arith.index_cast %swap3A_892 : i32 to index
          %swap3A_895 = arith.constant 80 : index
          %swap3A_896 = tpu.vector_load %arg5[%swap3A_893, %swap3A_894, %swap3A_895] {strides = array<i32>} : memref<5x2x128xi32, #tpu.memory_space<vmem>>, vector<1x1x16xi32>,
          %swap3A_897 = vector.shape_cast %swap3A_896 : vector<1x1x16xi32> to vector<16xi32>
          %swap3A_898 = vector.shape_cast %broadcast_in_dim3A_801 : vector<16xi32> to vector<1x1x16xi32>
          tpu.vector_store %arg5[%swap3A_893, %swap3A_894, %swap3A_895], %swap3A_898 {strides = array<i32>} : memref<5x2x128xi32, #tpu.memory_space<vmem>>, vector<1x1x16xi32>,
        } else {
        }
        %dma_start3A_784 = arith.constant 4 : i32
        %dma_start3A_785 = arith.constant 0 : i32
        %dma_start3A_786 = arith.constant 4 : i32
        %dma_start3A_787 = arith.constant 4 : i32
        %dma_start3A_788 = arith.constant 0 : i32
        %dma_start3A_789 = arith.constant 0 : i32
        %dma_start3A_790 = tpu.memref_slice %arg6[%dma_start3A_786, %dma_start3A_788, %dma_start3A_789] : memref<5x128x64xf32, #tpu.memory_space<vmem>> -> memref<1x128x64xf32, #tpu.memory_space<vmem>>
        %dma_start3A_791 = tpu.memref_squeeze %dma_start3A_790 : memref<1x128x64xf32, #tpu.memory_space<vmem>> -> memref<128x64xf32, #tpu.memory_space<vmem>>
        %dma_start3A_792 = arith.constant 0 : i32
        %dma_start3A_793 = tpu.memref_slice %arg5[%dma_start3A_784, %dma_start3A_785, %dma_start3A_792] : memref<5x2x128xi32, #tpu.memory_space<vmem>> -> memref<1x1x128xi32, #tpu.memory_space<vmem>>
        %dma_start3A_794 = tpu.memref_squeeze %dma_start3A_793 : memref<1x1x128xi32, #tpu.memory_space<vmem>> -> memref<128xi32, #tpu.memory_space<vmem>>
        %dma_start3A_795 = arith.constant 0 : i32
        %dma_start3A_796 = arith.constant 0 : i32
        %dma_start3A_797 = tpu.memref_slice %arg7[%dma_start3A_795, %dma_start3A_796] : memref<10240x64xf32, #tpu.memory_space<vmem_shared>> -> memref<10240x64xf32, #tpu.memory_space<vmem_shared>>
        %dma_start3A_798 = tpu.memref_slice %arg10[%dma_start3A_787] : memref<5x!tpu.dma_semaphore, #tpu.memory_space<semaphore_mem>> -> memref<1x!tpu.dma_semaphore, #tpu.memory_space<semaphore_mem>>
        %dma_start3A_799 = tpu.memref_squeeze %dma_start3A_798 : memref<1x!tpu.dma_semaphore, #tpu.memory_space<semaphore_mem>> -> memref<!tpu.dma_semaphore, #tpu.memory_space<semaphore_mem>>
        tpu.enqueue_indirect_dma source(%dma_start3A_797 : memref<10240x64xf32, #tpu.memory_space<vmem_shared>>) target(%dma_start3A_791 : memref<128x64xf32, #tpu.memory_space<vmem>>) offsets(%dma_start3A_794 : memref<128xi32, #tpu.memory_space<vmem>>) semaphore(%dma_start3A_799 : memref<!tpu.dma_semaphore, #tpu.memory_space<semaphore_mem>>)
      } else {
      }
      %mul3A_637 = arith.constant 5 : i32
      %mul3A_638 = arith.muli %scan3A_488, %mul3A_637 : i32
      %add3A_639 = arith.constant 3 : i32
      %add3A_640 = arith.addi %mul3A_638, %add3A_639 : i32
      %dma_wait3A_641 = arith.constant 3 : i32
      %dma_wait3A_642 = arith.constant 0 : i32
      %dma_wait3A_643 = arith.constant 3 : i32
      %dma_wait3A_644 = arith.constant 3 : i32
      %dma_wait3A_645 = arith.constant 0 : i32
      %dma_wait3A_646 = arith.constant 0 : i32
      %dma_wait3A_647 = tpu.memref_slice %arg6[%dma_wait3A_643, %dma_wait3A_645, %dma_wait3A_646] : memref<5x128x64xf32, #tpu.memory_space<vmem>> -> memref<1x128x64xf32, #tpu.memory_space<vmem>>
      %dma_wait3A_648 = tpu.memref_squeeze %dma_wait3A_647 : memref<1x128x64xf32, #tpu.memory_space<vmem>> -> memref<128x64xf32, #tpu.memory_space<vmem>>
      %dma_wait3A_649 = arith.constant 0 : i32
      %dma_wait3A_650 = tpu.memref_slice %arg5[%dma_wait3A_641, %dma_wait3A_642, %dma_wait3A_649] : memref<5x2x128xi32, #tpu.memory_space<vmem>> -> memref<1x1x128xi32, #tpu.memory_space<vmem>>
      %dma_wait3A_651 = tpu.memref_squeeze %dma_wait3A_650 : memref<1x1x128xi32, #tpu.memory_space<vmem>> -> memref<128xi32, #tpu.memory_space<vmem>>
      %dma_wait3A_652 = arith.constant 0 : i32
      %dma_wait3A_653 = arith.constant 0 : i32
      %dma_wait3A_654 = tpu.memref_slice %arg7[%dma_wait3A_652, %dma_wait3A_653] : memref<10240x64xf32, #tpu.memory_space<vmem_shared>> -> memref<10240x64xf32, #tpu.memory_space<vmem_shared>>
      %dma_wait3A_655 = tpu.memref_slice %arg10[%dma_wait3A_644] : memref<5x!tpu.dma_semaphore, #tpu.memory_space<semaphore_mem>> -> memref<1x!tpu.dma_semaphore, #tpu.memory_space<semaphore_mem>>
      %dma_wait3A_656 = tpu.memref_squeeze %dma_wait3A_655 : memref<1x!tpu.dma_semaphore, #tpu.memory_space<semaphore_mem>> -> memref<!tpu.dma_semaphore, #tpu.memory_space<semaphore_mem>>
      tpu.wait_indirect_dma semaphore(%dma_wait3A_656 : memref<!tpu.dma_semaphore, #tpu.memory_space<semaphore_mem>>) src(%dma_wait3A_654 : memref<10240x64xf32, #tpu.memory_space<vmem_shared>>) dst(%dma_wait3A_648 : memref<128x64xf32, #tpu.memory_space<vmem>>)
      %dma_start3A_657 = arith.constant 3 : i32
      %dma_start3A_658 = arith.constant 3 : i32
      %dma_start3A_659 = arith.constant 1 : i32
      %dma_start3A_660 = arith.constant 3 : i32
      %dma_start3A_661 = arith.constant 0 : i32
      %dma_start3A_662 = arith.constant 0 : i32
      %dma_start3A_663 = tpu.memref_slice %arg6[%dma_start3A_657, %dma_start3A_661, %dma_start3A_662] : memref<5x128x64xf32, #tpu.memory_space<vmem>> -> memref<1x128x64xf32, #tpu.memory_space<vmem>>
      %dma_start3A_664 = tpu.memref_squeeze %dma_start3A_663 : memref<1x128x64xf32, #tpu.memory_space<vmem>> -> memref<128x64xf32, #tpu.memory_space<vmem>>
      %dma_start3A_665 = arith.constant 0 : i32
      %dma_start3A_666 = tpu.memref_slice %arg5[%dma_start3A_658, %dma_start3A_659, %dma_start3A_665] : memref<5x2x128xi32, #tpu.memory_space<vmem>> -> memref<1x1x128xi32, #tpu.memory_space<vmem>>
      %dma_start3A_667 = tpu.memref_squeeze %dma_start3A_666 : memref<1x1x128xi32, #tpu.memory_space<vmem>> -> memref<128xi32, #tpu.memory_space<vmem>>
      %dma_start3A_668 = arith.constant 0 : i32
      %dma_start3A_669 = arith.constant 0 : i32
      %dma_start3A_670 = tpu.memref_slice %arg8[%dma_start3A_668, %dma_start3A_669] : memref<10240x64xf32, #tpu.memory_space<vmem_shared>> -> memref<10240x64xf32, #tpu.memory_space<vmem_shared>>
      %dma_start3A_671 = tpu.memref_slice %arg11[%dma_start3A_660] : memref<5x!tpu.dma_semaphore, #tpu.memory_space<semaphore_mem>> -> memref<1x!tpu.dma_semaphore, #tpu.memory_space<semaphore_mem>>
      %dma_start3A_672 = tpu.memref_squeeze %dma_start3A_671 : memref<1x!tpu.dma_semaphore, #tpu.memory_space<semaphore_mem>> -> memref<!tpu.dma_semaphore, #tpu.memory_space<semaphore_mem>>
      tpu.enqueue_indirect_dma source(%dma_start3A_664 : memref<128x64xf32, #tpu.memory_space<vmem>>) target(%dma_start3A_670 : memref<10240x64xf32, #tpu.memory_space<vmem_shared>>) offsets(%dma_start3A_667 : memref<128xi32, #tpu.memory_space<vmem>>) semaphore(%dma_start3A_672 : memref<!tpu.dma_semaphore, #tpu.memory_space<semaphore_mem>>) {add = true}
      %sub3A_673 = arith.constant 2 : i32
      %sub3A_674 = arith.subi %add3A_640, %sub3A_673 : i32
      %ge3A_675 = arith.constant 0 : i32
      %ge3A_676 = arith.cmpi sge, %sub3A_674, %ge3A_675 : i32
      %convert_element_type3A_677 = arith.extui %ge3A_676 : i1 to i32
      %cond3A_678 = arith.constant 0 : i32
      %cond3A_679 = arith.cmpi ne, %convert_element_type3A_677, %cond3A_678 : i32
      scf.if %cond3A_679 {
        %dma_wait3A_737 = arith.constant 1 : i32
        %dma_wait3A_738 = arith.constant 1 : i32
        %dma_wait3A_739 = arith.constant 1 : i32
        %dma_wait3A_740 = arith.constant 1 : i32
        %dma_wait3A_741 = arith.constant 0 : i32
        %dma_wait3A_742 = arith.constant 0 : i32
        %dma_wait3A_743 = tpu.memref_slice %arg6[%dma_wait3A_737, %dma_wait3A_741, %dma_wait3A_742] : memref<5x128x64xf32, #tpu.memory_space<vmem>> -> memref<1x128x64xf32, #tpu.memory_space<vmem>>
        %dma_wait3A_744 = tpu.memref_squeeze %dma_wait3A_743 : memref<1x128x64xf32, #tpu.memory_space<vmem>> -> memref<128x64xf32, #tpu.memory_space<vmem>>
        %dma_wait3A_745 = arith.constant 0 : i32
        %dma_wait3A_746 = tpu.memref_slice %arg5[%dma_wait3A_738, %dma_wait3A_739, %dma_wait3A_745] : memref<5x2x128xi32, #tpu.memory_space<vmem>> -> memref<1x1x128xi32, #tpu.memory_space<vmem>>
        %dma_wait3A_747 = tpu.memref_squeeze %dma_wait3A_746 : memref<1x1x128xi32, #tpu.memory_space<vmem>> -> memref<128xi32, #tpu.memory_space<vmem>>
        %dma_wait3A_748 = arith.constant 0 : i32
        %dma_wait3A_749 = arith.constant 0 : i32
        %dma_wait3A_750 = tpu.memref_slice %arg8[%dma_wait3A_748, %dma_wait3A_749] : memref<10240x64xf32, #tpu.memory_space<vmem_shared>> -> memref<10240x64xf32, #tpu.memory_space<vmem_shared>>
        %dma_wait3A_751 = tpu.memref_slice %arg11[%dma_wait3A_740] : memref<5x!tpu.dma_semaphore, #tpu.memory_space<semaphore_mem>> -> memref<1x!tpu.dma_semaphore, #tpu.memory_space<semaphore_mem>>
        %dma_wait3A_752 = tpu.memref_squeeze %dma_wait3A_751 : memref<1x!tpu.dma_semaphore, #tpu.memory_space<semaphore_mem>> -> memref<!tpu.dma_semaphore, #tpu.memory_space<semaphore_mem>>
        tpu.wait_indirect_dma semaphore(%dma_wait3A_752 : memref<!tpu.dma_semaphore, #tpu.memory_space<semaphore_mem>>) src(%dma_wait3A_744 : memref<128x64xf32, #tpu.memory_space<vmem>>) dst(%dma_wait3A_750 : memref<10240x64xf32, #tpu.memory_space<vmem_shared>>)
        %add3A_753 = arith.constant 5 : i32
        %add3A_754 = arith.addi %sub3A_674, %add3A_753 : i32
        %lt3A_755 = arith.constant 157 : i32
        %lt3A_756 = arith.cmpi slt, %add3A_754, %lt3A_755 : i32
        %convert_element_type3A_757 = arith.extui %lt3A_756 : i1 to i32
        %cond3A_758 = arith.constant 0 : i32
        %cond3A_759 = arith.cmpi ne, %convert_element_type3A_757, %cond3A_758 : i32
        scf.if %cond3A_759 {
          %mul3A_760 = arith.constant 128 : i32
          %mul3A_761 = arith.muli %add3A_754, %mul3A_760 : i32
          %min3A_762 = arith.constant 19872 : i32
          %min3A_763 = arith.minsi %mul3A_761, %min3A_762 : i32
          %add3A_764 = arith.addi %mul3A_35, %min3A_763 : i32
          %dma_start3A_765 = arith.constant 0 : i32
          %dma_start3A_766 = arith.constant 1 : i32
          %dma_start3A_767 = arith.constant 0 : i32
          %dma_start3A_768 = arith.constant 1 : i32
          %dma_start3A_769 = arith.constant 0 : i32
          %dma_start3A_770 = tpu.memref_slice %arg5[%dma_start3A_766, %dma_start3A_767, %dma_start3A_769] : memref<5x2x128xi32, #tpu.memory_space<vmem>> -> memref<1x1x128xi32, #tpu.memory_space<vmem>>
          %dma_start3A_771 = tpu.memref_squeeze %dma_start3A_770 : memref<1x1x128xi32, #tpu.memory_space<vmem>> -> memref<128xi32, #tpu.memory_space<vmem>>
          %dma_start3A_772 = tpu.memref_slice %arg3[%dma_start3A_765, %add3A_764] : memref<2x320000xi32, #tpu.memory_space<hbm>> -> memref<1x128xi32, #tpu.memory_space<hbm>>
          %dma_start3A_773 = tpu.memref_squeeze %dma_start3A_772 : memref<1x128xi32, #tpu.memory_space<hbm>> -> memref<128xi32, #tpu.memory_space<hbm>>
          %dma_start3A_774 = tpu.memref_slice %arg9[%dma_start3A_768] : memref<5x!tpu.dma_semaphore, #tpu.memory_space<semaphore_mem>> -> memref<1x!tpu.dma_semaphore, #tpu.memory_space<semaphore_mem>>
          %dma_start3A_775 = tpu.memref_squeeze %dma_start3A_774 : memref<1x!tpu.dma_semaphore, #tpu.memory_space<semaphore_mem>> -> memref<!tpu.dma_semaphore, #tpu.memory_space<semaphore_mem>>
          %dma_start3A_776 = arith.constant 0 : i32
          %dma_start3A_777 = tpu.memref_slice %arg5[%dma_start3A_766, %dma_start3A_767, %dma_start3A_776] : memref<5x2x128xi32, #tpu.memory_space<vmem>> -> memref<1x1x128xi32, #tpu.memory_space<vmem>>
          %dma_start3A_778 = tpu.memref_squeeze %dma_start3A_777 : memref<1x1x128xi32, #tpu.memory_space<vmem>> -> memref<128xi32, #tpu.memory_space<vmem>>
          %dma_start3A_779 = tpu.memref_slice %arg3[%dma_start3A_765, %add3A_764] : memref<2x320000xi32, #tpu.memory_space<hbm>> -> memref<1x128xi32, #tpu.memory_space<hbm>>
          %dma_start3A_780 = tpu.memref_squeeze %dma_start3A_779 : memref<1x128xi32, #tpu.memory_space<hbm>> -> memref<128xi32, #tpu.memory_space<hbm>>
          tpu.enqueue_dma source(%dma_start3A_780 : memref<128xi32, #tpu.memory_space<hbm>>) target(%dma_start3A_778 : memref<128xi32, #tpu.memory_space<vmem>>) target_semaphore(%dma_start3A_775 : memref<!tpu.dma_semaphore, #tpu.memory_space<semaphore_mem>>)
          %mul3A_781 = arith.constant 128 : i32
          %mul3A_782 = arith.muli %add3A_754, %mul3A_781 : i32
          %min3A_783 = arith.constant 19872 : i32
          %min3A_784 = arith.minsi %mul3A_782, %min3A_783 : i32
          %add3A_785 = arith.addi %mul3A_35, %min3A_784 : i32
          %dma_start3A_786 = arith.constant 1 : i32
          %dma_start3A_787 = arith.constant 1 : i32
          %dma_start3A_788 = arith.constant 1 : i32
          %dma_start3A_789 = arith.constant 1 : i32
          %dma_start3A_790 = arith.constant 0 : i32
          %dma_start3A_791 = tpu.memref_slice %arg5[%dma_start3A_787, %dma_start3A_788, %dma_start3A_790] : memref<5x2x128xi32, #tpu.memory_space<vmem>> -> memref<1x1x128xi32, #tpu.memory_space<vmem>>
          %dma_start3A_792 = tpu.memref_squeeze %dma_start3A_791 : memref<1x1x128xi32, #tpu.memory_space<vmem>> -> memref<128xi32, #tpu.memory_space<vmem>>
          %dma_start3A_793 = tpu.memref_slice %arg3[%dma_start3A_786, %add3A_785] : memref<2x320000xi32, #tpu.memory_space<hbm>> -> memref<1x128xi32, #tpu.memory_space<hbm>>
          %dma_start3A_794 = tpu.memref_squeeze %dma_start3A_793 : memref<1x128xi32, #tpu.memory_space<hbm>> -> memref<128xi32, #tpu.memory_space<hbm>>
          %dma_start3A_795 = tpu.memref_slice %arg9[%dma_start3A_789] : memref<5x!tpu.dma_semaphore, #tpu.memory_space<semaphore_mem>> -> memref<1x!tpu.dma_semaphore, #tpu.memory_space<semaphore_mem>>
          %dma_start3A_796 = tpu.memref_squeeze %dma_start3A_795 : memref<1x!tpu.dma_semaphore, #tpu.memory_space<semaphore_mem>> -> memref<!tpu.dma_semaphore, #tpu.memory_space<semaphore_mem>>
          %dma_start3A_797 = arith.constant 0 : i32
          %dma_start3A_798 = tpu.memref_slice %arg5[%dma_start3A_787, %dma_start3A_788, %dma_start3A_797] : memref<5x2x128xi32, #tpu.memory_space<vmem>> -> memref<1x1x128xi32, #tpu.memory_space<vmem>>
          %dma_start3A_799 = tpu.memref_squeeze %dma_start3A_798 : memref<1x1x128xi32, #tpu.memory_space<vmem>> -> memref<128xi32, #tpu.memory_space<vmem>>
          %dma_start3A_800 = tpu.memref_slice %arg3[%dma_start3A_786, %add3A_785] : memref<2x320000xi32, #tpu.memory_space<hbm>> -> memref<1x128xi32, #tpu.memory_space<hbm>>
          %dma_start3A_801 = tpu.memref_squeeze %dma_start3A_800 : memref<1x128xi32, #tpu.memory_space<hbm>> -> memref<128xi32, #tpu.memory_space<hbm>>
          tpu.enqueue_dma source(%dma_start3A_801 : memref<128xi32, #tpu.memory_space<hbm>>) target(%dma_start3A_799 : memref<128xi32, #tpu.memory_space<vmem>>) target_semaphore(%dma_start3A_796 : memref<!tpu.dma_semaphore, #tpu.memory_space<semaphore_mem>>)
        } else {
        }
      } else {
      }
      %add3A_680 = arith.constant 2 : i32
      %add3A_681 = arith.addi %add3A_640, %add3A_680 : i32
      %lt3A_682 = arith.constant 157 : i32
      %lt3A_683 = arith.cmpi slt, %add3A_681, %lt3A_682 : i32
      %convert_element_type3A_684 = arith.extui %lt3A_683 : i1 to i32
      %cond3A_685 = arith.constant 0 : i32
      %cond3A_686 = arith.cmpi ne, %convert_element_type3A_684, %cond3A_685 : i32
      scf.if %cond3A_686 {
        %mul3A_737 = arith.constant 128 : i32
        %mul3A_738 = arith.muli %add3A_681, %mul3A_737 : i32
        %min3A_739 = arith.constant 19872 : i32
        %min3A_740 = arith.minsi %mul3A_738, %min3A_739 : i32
        %add3A_741 = arith.addi %mul3A_35, %min3A_740 : i32
        %dma_wait3A_742 = arith.constant 0 : i32
        %dma_wait3A_743 = arith.constant 0 : i32
        %dma_wait3A_744 = arith.constant 0 : i32
        %dma_wait3A_745 = arith.constant 0 : i32
        %dma_wait3A_746 = arith.constant 0 : i32
        %dma_wait3A_747 = tpu.memref_slice %arg5[%dma_wait3A_743, %dma_wait3A_744, %dma_wait3A_746] : memref<5x2x128xi32, #tpu.memory_space<vmem>> -> memref<1x1x128xi32, #tpu.memory_space<vmem>>
        %dma_wait3A_748 = tpu.memref_squeeze %dma_wait3A_747 : memref<1x1x128xi32, #tpu.memory_space<vmem>> -> memref<128xi32, #tpu.memory_space<vmem>>
        %dma_wait3A_749 = tpu.memref_slice %arg3[%dma_wait3A_742, %add3A_741] : memref<2x320000xi32, #tpu.memory_space<hbm>> -> memref<1x128xi32, #tpu.memory_space<hbm>>
        %dma_wait3A_750 = tpu.memref_squeeze %dma_wait3A_749 : memref<1x128xi32, #tpu.memory_space<hbm>> -> memref<128xi32, #tpu.memory_space<hbm>>
        %dma_wait3A_751 = tpu.memref_slice %arg9[%dma_wait3A_745] : memref<5x!tpu.dma_semaphore, #tpu.memory_space<semaphore_mem>> -> memref<1x!tpu.dma_semaphore, #tpu.memory_space<semaphore_mem>>
        %dma_wait3A_752 = tpu.memref_squeeze %dma_wait3A_751 : memref<1x!tpu.dma_semaphore, #tpu.memory_space<semaphore_mem>> -> memref<!tpu.dma_semaphore, #tpu.memory_space<semaphore_mem>>
        %dma_wait3A_753 = arith.constant 0 : i32
        %dma_wait3A_754 = tpu.memref_slice %arg5[%dma_wait3A_743, %dma_wait3A_744, %dma_wait3A_753] : memref<5x2x128xi32, #tpu.memory_space<vmem>> -> memref<1x1x128xi32, #tpu.memory_space<vmem>>
        %dma_wait3A_755 = tpu.memref_squeeze %dma_wait3A_754 : memref<1x1x128xi32, #tpu.memory_space<vmem>> -> memref<128xi32, #tpu.memory_space<vmem>>
        %dma_wait3A_756 = tpu.memref_slice %arg3[%dma_wait3A_742, %add3A_741] : memref<2x320000xi32, #tpu.memory_space<hbm>> -> memref<1x128xi32, #tpu.memory_space<hbm>>
        %dma_wait3A_757 = tpu.memref_squeeze %dma_wait3A_756 : memref<1x128xi32, #tpu.memory_space<hbm>> -> memref<128xi32, #tpu.memory_space<hbm>>
        tpu.wait_dma2 semaphore(%dma_wait3A_752 : memref<!tpu.dma_semaphore, #tpu.memory_space<semaphore_mem>>) src(%dma_wait3A_757 : memref<128xi32, #tpu.memory_space<hbm>>) dst(%dma_wait3A_755 : memref<128xi32, #tpu.memory_space<vmem>>)
        %mul3A_758 = arith.constant 128 : i32
        %mul3A_759 = arith.muli %add3A_681, %mul3A_758 : i32
        %min3A_760 = arith.constant 19872 : i32
        %min3A_761 = arith.minsi %mul3A_759, %min3A_760 : i32
        %add3A_762 = arith.addi %mul3A_35, %min3A_761 : i32
        %dma_wait3A_763 = arith.constant 1 : i32
        %dma_wait3A_764 = arith.constant 0 : i32
        %dma_wait3A_765 = arith.constant 1 : i32
        %dma_wait3A_766 = arith.constant 0 : i32
        %dma_wait3A_767 = arith.constant 0 : i32
        %dma_wait3A_768 = tpu.memref_slice %arg5[%dma_wait3A_764, %dma_wait3A_765, %dma_wait3A_767] : memref<5x2x128xi32, #tpu.memory_space<vmem>> -> memref<1x1x128xi32, #tpu.memory_space<vmem>>
        %dma_wait3A_769 = tpu.memref_squeeze %dma_wait3A_768 : memref<1x1x128xi32, #tpu.memory_space<vmem>> -> memref<128xi32, #tpu.memory_space<vmem>>
        %dma_wait3A_770 = tpu.memref_slice %arg3[%dma_wait3A_763, %add3A_762] : memref<2x320000xi32, #tpu.memory_space<hbm>> -> memref<1x128xi32, #tpu.memory_space<hbm>>
        %dma_wait3A_771 = tpu.memref_squeeze %dma_wait3A_770 : memref<1x128xi32, #tpu.memory_space<hbm>> -> memref<128xi32, #tpu.memory_space<hbm>>
        %dma_wait3A_772 = tpu.memref_slice %arg9[%dma_wait3A_766] : memref<5x!tpu.dma_semaphore, #tpu.memory_space<semaphore_mem>> -> memref<1x!tpu.dma_semaphore, #tpu.memory_space<semaphore_mem>>
        %dma_wait3A_773 = tpu.memref_squeeze %dma_wait3A_772 : memref<1x!tpu.dma_semaphore, #tpu.memory_space<semaphore_mem>> -> memref<!tpu.dma_semaphore, #tpu.memory_space<semaphore_mem>>
        %dma_wait3A_774 = arith.constant 0 : i32
        %dma_wait3A_775 = tpu.memref_slice %arg5[%dma_wait3A_764, %dma_wait3A_765, %dma_wait3A_774] : memref<5x2x128xi32, #tpu.memory_space<vmem>> -> memref<1x1x128xi32, #tpu.memory_space<vmem>>
        %dma_wait3A_776 = tpu.memref_squeeze %dma_wait3A_775 : memref<1x1x128xi32, #tpu.memory_space<vmem>> -> memref<128xi32, #tpu.memory_space<vmem>>
        %dma_wait3A_777 = tpu.memref_slice %arg3[%dma_wait3A_763, %add3A_762] : memref<2x320000xi32, #tpu.memory_space<hbm>> -> memref<1x128xi32, #tpu.memory_space<hbm>>
        %dma_wait3A_778 = tpu.memref_squeeze %dma_wait3A_777 : memref<1x128xi32, #tpu.memory_space<hbm>> -> memref<128xi32, #tpu.memory_space<hbm>>
        tpu.wait_dma2 semaphore(%dma_wait3A_773 : memref<!tpu.dma_semaphore, #tpu.memory_space<semaphore_mem>>) src(%dma_wait3A_778 : memref<128xi32, #tpu.memory_space<hbm>>) dst(%dma_wait3A_776 : memref<128xi32, #tpu.memory_space<vmem>>)
        %eq3A_779 = arith.constant 156 : i32
        %eq3A_780 = arith.cmpi eq, %add3A_681, %eq3A_779 : i32
        %convert_element_type3A_781 = arith.extui %eq3A_780 : i1 to i32
        %cond3A_782 = arith.constant 0 : i32
        %cond3A_783 = arith.cmpi ne, %convert_element_type3A_781, %cond3A_782 : i32
        scf.if %cond3A_783 {
          %broadcast_in_dim3A_800 = arith.constant 10000 : i32
          %broadcast_in_dim3A_801 = vector.broadcast %broadcast_in_dim3A_800 : i32 to vector<16xi32>
          %broadcast_in_dim3A_802 = arith.constant 0 : i32
          %broadcast_in_dim3A_803 = vector.broadcast %broadcast_in_dim3A_802 : i32 to vector<16xi32>
          %swap3A = arith.constant 0 : i32
          %swap3A_804 = arith.constant 0 : i32
          %swap3A_805 = arith.index_cast %swap3A : i32 to index
          %swap3A_806 = arith.index_cast %swap3A_804 : i32 to index
          %swap3A_807 = arith.constant 0 : index
          %swap3A_808 = tpu.vector_load %arg5[%swap3A_805, %swap3A_806, %swap3A_807] {strides = array<i32>} : memref<5x2x128xi32, #tpu.memory_space<vmem>>, vector<1x1x16xi32>,
          %swap3A_809 = vector.shape_cast %swap3A_808 : vector<1x1x16xi32> to vector<16xi32>
          %swap3A_810 = vector.shape_cast %broadcast_in_dim3A_803 : vector<16xi32> to vector<1x1x16xi32>
          tpu.vector_store %arg5[%swap3A_805, %swap3A_806, %swap3A_807], %swap3A_810 {strides = array<i32>} : memref<5x2x128xi32, #tpu.memory_space<vmem>>, vector<1x1x16xi32>,
          %swap3A_811 = arith.constant 0 : i32
          %swap3A_812 = arith.constant 1 : i32
          %swap3A_813 = arith.index_cast %swap3A_811 : i32 to index
          %swap3A_814 = arith.index_cast %swap3A_812 : i32 to index
          %swap3A_815 = arith.constant 0 : index
          %swap3A_816 = tpu.vector_load %arg5[%swap3A_813, %swap3A_814, %swap3A_815] {strides = array<i32>} : memref<5x2x128xi32, #tpu.memory_space<vmem>>, vector<1x1x16xi32>,
          %swap3A_817 = vector.shape_cast %swap3A_816 : vector<1x1x16xi32> to vector<16xi32>
          %swap3A_818 = vector.shape_cast %broadcast_in_dim3A_801 : vector<16xi32> to vector<1x1x16xi32>
          tpu.vector_store %arg5[%swap3A_813, %swap3A_814, %swap3A_815], %swap3A_818 {strides = array<i32>} : memref<5x2x128xi32, #tpu.memory_space<vmem>>, vector<1x1x16xi32>,
          %swap3A_819 = arith.constant 0 : i32
          %swap3A_820 = arith.constant 0 : i32
          %swap3A_821 = arith.index_cast %swap3A_819 : i32 to index
          %swap3A_822 = arith.index_cast %swap3A_820 : i32 to index
          %swap3A_823 = arith.constant 16 : index
          %swap3A_824 = tpu.vector_load %arg5[%swap3A_821, %swap3A_822, %swap3A_823] {strides = array<i32>} : memref<5x2x128xi32, #tpu.memory_space<vmem>>, vector<1x1x16xi32>,
          %swap3A_825 = vector.shape_cast %swap3A_824 : vector<1x1x16xi32> to vector<16xi32>
          %swap3A_826 = vector.shape_cast %broadcast_in_dim3A_803 : vector<16xi32> to vector<1x1x16xi32>
          tpu.vector_store %arg5[%swap3A_821, %swap3A_822, %swap3A_823], %swap3A_826 {strides = array<i32>} : memref<5x2x128xi32, #tpu.memory_space<vmem>>, vector<1x1x16xi32>,
          %swap3A_827 = arith.constant 0 : i32
          %swap3A_828 = arith.constant 1 : i32
          %swap3A_829 = arith.index_cast %swap3A_827 : i32 to index
          %swap3A_830 = arith.index_cast %swap3A_828 : i32 to index
          %swap3A_831 = arith.constant 16 : index
          %swap3A_832 = tpu.vector_load %arg5[%swap3A_829, %swap3A_830, %swap3A_831] {strides = array<i32>} : memref<5x2x128xi32, #tpu.memory_space<vmem>>, vector<1x1x16xi32>,
          %swap3A_833 = vector.shape_cast %swap3A_832 : vector<1x1x16xi32> to vector<16xi32>
          %swap3A_834 = vector.shape_cast %broadcast_in_dim3A_801 : vector<16xi32> to vector<1x1x16xi32>
          tpu.vector_store %arg5[%swap3A_829, %swap3A_830, %swap3A_831], %swap3A_834 {strides = array<i32>} : memref<5x2x128xi32, #tpu.memory_space<vmem>>, vector<1x1x16xi32>,
          %swap3A_835 = arith.constant 0 : i32
          %swap3A_836 = arith.constant 0 : i32
          %swap3A_837 = arith.index_cast %swap3A_835 : i32 to index
          %swap3A_838 = arith.index_cast %swap3A_836 : i32 to index
          %swap3A_839 = arith.constant 32 : index
          %swap3A_840 = tpu.vector_load %arg5[%swap3A_837, %swap3A_838, %swap3A_839] {strides = array<i32>} : memref<5x2x128xi32, #tpu.memory_space<vmem>>, vector<1x1x16xi32>,
          %swap3A_841 = vector.shape_cast %swap3A_840 : vector<1x1x16xi32> to vector<16xi32>
          %swap3A_842 = vector.shape_cast %broadcast_in_dim3A_803 : vector<16xi32> to vector<1x1x16xi32>
          tpu.vector_store %arg5[%swap3A_837, %swap3A_838, %swap3A_839], %swap3A_842 {strides = array<i32>} : memref<5x2x128xi32, #tpu.memory_space<vmem>>, vector<1x1x16xi32>,
          %swap3A_843 = arith.constant 0 : i32
          %swap3A_844 = arith.constant 1 : i32
          %swap3A_845 = arith.index_cast %swap3A_843 : i32 to index
          %swap3A_846 = arith.index_cast %swap3A_844 : i32 to index
          %swap3A_847 = arith.constant 32 : index
          %swap3A_848 = tpu.vector_load %arg5[%swap3A_845, %swap3A_846, %swap3A_847] {strides = array<i32>} : memref<5x2x128xi32, #tpu.memory_space<vmem>>, vector<1x1x16xi32>,
          %swap3A_849 = vector.shape_cast %swap3A_848 : vector<1x1x16xi32> to vector<16xi32>
          %swap3A_850 = vector.shape_cast %broadcast_in_dim3A_801 : vector<16xi32> to vector<1x1x16xi32>
          tpu.vector_store %arg5[%swap3A_845, %swap3A_846, %swap3A_847], %swap3A_850 {strides = array<i32>} : memref<5x2x128xi32, #tpu.memory_space<vmem>>, vector<1x1x16xi32>,
          %swap3A_851 = arith.constant 0 : i32
          %swap3A_852 = arith.constant 0 : i32
          %swap3A_853 = arith.index_cast %swap3A_851 : i32 to index
          %swap3A_854 = arith.index_cast %swap3A_852 : i32 to index
          %swap3A_855 = arith.constant 48 : index
          %swap3A_856 = tpu.vector_load %arg5[%swap3A_853, %swap3A_854, %swap3A_855] {strides = array<i32>} : memref<5x2x128xi32, #tpu.memory_space<vmem>>, vector<1x1x16xi32>,
          %swap3A_857 = vector.shape_cast %swap3A_856 : vector<1x1x16xi32> to vector<16xi32>
          %swap3A_858 = vector.shape_cast %broadcast_in_dim3A_803 : vector<16xi32> to vector<1x1x16xi32>
          tpu.vector_store %arg5[%swap3A_853, %swap3A_854, %swap3A_855], %swap3A_858 {strides = array<i32>} : memref<5x2x128xi32, #tpu.memory_space<vmem>>, vector<1x1x16xi32>,
          %swap3A_859 = arith.constant 0 : i32
          %swap3A_860 = arith.constant 1 : i32
          %swap3A_861 = arith.index_cast %swap3A_859 : i32 to index
          %swap3A_862 = arith.index_cast %swap3A_860 : i32 to index
          %swap3A_863 = arith.constant 48 : index
          %swap3A_864 = tpu.vector_load %arg5[%swap3A_861, %swap3A_862, %swap3A_863] {strides = array<i32>} : memref<5x2x128xi32, #tpu.memory_space<vmem>>, vector<1x1x16xi32>,
          %swap3A_865 = vector.shape_cast %swap3A_864 : vector<1x1x16xi32> to vector<16xi32>
          %swap3A_866 = vector.shape_cast %broadcast_in_dim3A_801 : vector<16xi32> to vector<1x1x16xi32>
          tpu.vector_store %arg5[%swap3A_861, %swap3A_862, %swap3A_863], %swap3A_866 {strides = array<i32>} : memref<5x2x128xi32, #tpu.memory_space<vmem>>, vector<1x1x16xi32>,
          %swap3A_867 = arith.constant 0 : i32
          %swap3A_868 = arith.constant 0 : i32
          %swap3A_869 = arith.index_cast %swap3A_867 : i32 to index
          %swap3A_870 = arith.index_cast %swap3A_868 : i32 to index
          %swap3A_871 = arith.constant 64 : index
          %swap3A_872 = tpu.vector_load %arg5[%swap3A_869, %swap3A_870, %swap3A_871] {strides = array<i32>} : memref<5x2x128xi32, #tpu.memory_space<vmem>>, vector<1x1x16xi32>,
          %swap3A_873 = vector.shape_cast %swap3A_872 : vector<1x1x16xi32> to vector<16xi32>
          %swap3A_874 = vector.shape_cast %broadcast_in_dim3A_803 : vector<16xi32> to vector<1x1x16xi32>
          tpu.vector_store %arg5[%swap3A_869, %swap3A_870, %swap3A_871], %swap3A_874 {strides = array<i32>} : memref<5x2x128xi32, #tpu.memory_space<vmem>>, vector<1x1x16xi32>,
          %swap3A_875 = arith.constant 0 : i32
          %swap3A_876 = arith.constant 1 : i32
          %swap3A_877 = arith.index_cast %swap3A_875 : i32 to index
          %swap3A_878 = arith.index_cast %swap3A_876 : i32 to index
          %swap3A_879 = arith.constant 64 : index
          %swap3A_880 = tpu.vector_load %arg5[%swap3A_877, %swap3A_878, %swap3A_879] {strides = array<i32>} : memref<5x2x128xi32, #tpu.memory_space<vmem>>, vector<1x1x16xi32>,
          %swap3A_881 = vector.shape_cast %swap3A_880 : vector<1x1x16xi32> to vector<16xi32>
          %swap3A_882 = vector.shape_cast %broadcast_in_dim3A_801 : vector<16xi32> to vector<1x1x16xi32>
          tpu.vector_store %arg5[%swap3A_877, %swap3A_878, %swap3A_879], %swap3A_882 {strides = array<i32>} : memref<5x2x128xi32, #tpu.memory_space<vmem>>, vector<1x1x16xi32>,
          %swap3A_883 = arith.constant 0 : i32
          %swap3A_884 = arith.constant 0 : i32
          %swap3A_885 = arith.index_cast %swap3A_883 : i32 to index
          %swap3A_886 = arith.index_cast %swap3A_884 : i32 to index
          %swap3A_887 = arith.constant 80 : index
          %swap3A_888 = tpu.vector_load %arg5[%swap3A_885, %swap3A_886, %swap3A_887] {strides = array<i32>} : memref<5x2x128xi32, #tpu.memory_space<vmem>>, vector<1x1x16xi32>,
          %swap3A_889 = vector.shape_cast %swap3A_888 : vector<1x1x16xi32> to vector<16xi32>
          %swap3A_890 = vector.shape_cast %broadcast_in_dim3A_803 : vector<16xi32> to vector<1x1x16xi32>
          tpu.vector_store %arg5[%swap3A_885, %swap3A_886, %swap3A_887], %swap3A_890 {strides = array<i32>} : memref<5x2x128xi32, #tpu.memory_space<vmem>>, vector<1x1x16xi32>,
          %swap3A_891 = arith.constant 0 : i32
          %swap3A_892 = arith.constant 1 : i32
          %swap3A_893 = arith.index_cast %swap3A_891 : i32 to index
          %swap3A_894 = arith.index_cast %swap3A_892 : i32 to index
          %swap3A_895 = arith.constant 80 : index
          %swap3A_896 = tpu.vector_load %arg5[%swap3A_893, %swap3A_894, %swap3A_895] {strides = array<i32>} : memref<5x2x128xi32, #tpu.memory_space<vmem>>, vector<1x1x16xi32>,
          %swap3A_897 = vector.shape_cast %swap3A_896 : vector<1x1x16xi32> to vector<16xi32>
          %swap3A_898 = vector.shape_cast %broadcast_in_dim3A_801 : vector<16xi32> to vector<1x1x16xi32>
          tpu.vector_store %arg5[%swap3A_893, %swap3A_894, %swap3A_895], %swap3A_898 {strides = array<i32>} : memref<5x2x128xi32, #tpu.memory_space<vmem>>, vector<1x1x16xi32>,
        } else {
        }
        %dma_start3A_784 = arith.constant 0 : i32
        %dma_start3A_785 = arith.constant 0 : i32
        %dma_start3A_786 = arith.constant 0 : i32
        %dma_start3A_787 = arith.constant 0 : i32
        %dma_start3A_788 = arith.constant 0 : i32
        %dma_start3A_789 = arith.constant 0 : i32
        %dma_start3A_790 = tpu.memref_slice %arg6[%dma_start3A_786, %dma_start3A_788, %dma_start3A_789] : memref<5x128x64xf32, #tpu.memory_space<vmem>> -> memref<1x128x64xf32, #tpu.memory_space<vmem>>
        %dma_start3A_791 = tpu.memref_squeeze %dma_start3A_790 : memref<1x128x64xf32, #tpu.memory_space<vmem>> -> memref<128x64xf32, #tpu.memory_space<vmem>>
        %dma_start3A_792 = arith.constant 0 : i32
        %dma_start3A_793 = tpu.memref_slice %arg5[%dma_start3A_784, %dma_start3A_785, %dma_start3A_792] : memref<5x2x128xi32, #tpu.memory_space<vmem>> -> memref<1x1x128xi32, #tpu.memory_space<vmem>>
        %dma_start3A_794 = tpu.memref_squeeze %dma_start3A_793 : memref<1x1x128xi32, #tpu.memory_space<vmem>> -> memref<128xi32, #tpu.memory_space<vmem>>
        %dma_start3A_795 = arith.constant 0 : i32
        %dma_start3A_796 = arith.constant 0 : i32
        %dma_start3A_797 = tpu.memref_slice %arg7[%dma_start3A_795, %dma_start3A_796] : memref<10240x64xf32, #tpu.memory_space<vmem_shared>> -> memref<10240x64xf32, #tpu.memory_space<vmem_shared>>
        %dma_start3A_798 = tpu.memref_slice %arg10[%dma_start3A_787] : memref<5x!tpu.dma_semaphore, #tpu.memory_space<semaphore_mem>> -> memref<1x!tpu.dma_semaphore, #tpu.memory_space<semaphore_mem>>
        %dma_start3A_799 = tpu.memref_squeeze %dma_start3A_798 : memref<1x!tpu.dma_semaphore, #tpu.memory_space<semaphore_mem>> -> memref<!tpu.dma_semaphore, #tpu.memory_space<semaphore_mem>>
        tpu.enqueue_indirect_dma source(%dma_start3A_797 : memref<10240x64xf32, #tpu.memory_space<vmem_shared>>) target(%dma_start3A_791 : memref<128x64xf32, #tpu.memory_space<vmem>>) offsets(%dma_start3A_794 : memref<128xi32, #tpu.memory_space<vmem>>) semaphore(%dma_start3A_799 : memref<!tpu.dma_semaphore, #tpu.memory_space<semaphore_mem>>)
      } else {
      }
      %mul3A_687 = arith.constant 5 : i32
      %mul3A_688 = arith.muli %scan3A_488, %mul3A_687 : i32
      %add3A_689 = arith.constant 4 : i32
      %add3A_690 = arith.addi %mul3A_688, %add3A_689 : i32
      %dma_wait3A_691 = arith.constant 4 : i32
      %dma_wait3A_692 = arith.constant 0 : i32
      %dma_wait3A_693 = arith.constant 4 : i32
      %dma_wait3A_694 = arith.constant 4 : i32
      %dma_wait3A_695 = arith.constant 0 : i32
      %dma_wait3A_696 = arith.constant 0 : i32
      %dma_wait3A_697 = tpu.memref_slice %arg6[%dma_wait3A_693, %dma_wait3A_695, %dma_wait3A_696] : memref<5x128x64xf32, #tpu.memory_space<vmem>> -> memref<1x128x64xf32, #tpu.memory_space<vmem>>
      %dma_wait3A_698 = tpu.memref_squeeze %dma_wait3A_697 : memref<1x128x64xf32, #tpu.memory_space<vmem>> -> memref<128x64xf32, #tpu.memory_space<vmem>>
      %dma_wait3A_699 = arith.constant 0 : i32
      %dma_wait3A_700 = tpu.memref_slice %arg5[%dma_wait3A_691, %dma_wait3A_692, %dma_wait3A_699] : memref<5x2x128xi32, #tpu.memory_space<vmem>> -> memref<1x1x128xi32, #tpu.memory_space<vmem>>
      %dma_wait3A_701 = tpu.memref_squeeze %dma_wait3A_700 : memref<1x1x128xi32, #tpu.memory_space<vmem>> -> memref<128xi32, #tpu.memory_space<vmem>>
      %dma_wait3A_702 = arith.constant 0 : i32
      %dma_wait3A_703 = arith.constant 0 : i32
      %dma_wait3A_704 = tpu.memref_slice %arg7[%dma_wait3A_702, %dma_wait3A_703] : memref<10240x64xf32, #tpu.memory_space<vmem_shared>> -> memref<10240x64xf32, #tpu.memory_space<vmem_shared>>
      %dma_wait3A_705 = tpu.memref_slice %arg10[%dma_wait3A_694] : memref<5x!tpu.dma_semaphore, #tpu.memory_space<semaphore_mem>> -> memref<1x!tpu.dma_semaphore, #tpu.memory_space<semaphore_mem>>
      %dma_wait3A_706 = tpu.memref_squeeze %dma_wait3A_705 : memref<1x!tpu.dma_semaphore, #tpu.memory_space<semaphore_mem>> -> memref<!tpu.dma_semaphore, #tpu.memory_space<semaphore_mem>>
      tpu.wait_indirect_dma semaphore(%dma_wait3A_706 : memref<!tpu.dma_semaphore, #tpu.memory_space<semaphore_mem>>) src(%dma_wait3A_704 : memref<10240x64xf32, #tpu.memory_space<vmem_shared>>) dst(%dma_wait3A_698 : memref<128x64xf32, #tpu.memory_space<vmem>>)
      %dma_start3A_707 = arith.constant 4 : i32
      %dma_start3A_708 = arith.constant 4 : i32
      %dma_start3A_709 = arith.constant 1 : i32
      %dma_start3A_710 = arith.constant 4 : i32
      %dma_start3A_711 = arith.constant 0 : i32
      %dma_start3A_712 = arith.constant 0 : i32
      %dma_start3A_713 = tpu.memref_slice %arg6[%dma_start3A_707, %dma_start3A_711, %dma_start3A_712] : memref<5x128x64xf32, #tpu.memory_space<vmem>> -> memref<1x128x64xf32, #tpu.memory_space<vmem>>
      %dma_start3A_714 = tpu.memref_squeeze %dma_start3A_713 : memref<1x128x64xf32, #tpu.memory_space<vmem>> -> memref<128x64xf32, #tpu.memory_space<vmem>>
      %dma_start3A_715 = arith.constant 0 : i32
      %dma_start3A_716 = tpu.memref_slice %arg5[%dma_start3A_708, %dma_start3A_709, %dma_start3A_715] : memref<5x2x128xi32, #tpu.memory_space<vmem>> -> memref<1x1x128xi32, #tpu.memory_space<vmem>>
      %dma_start3A_717 = tpu.memref_squeeze %dma_start3A_716 : memref<1x1x128xi32, #tpu.memory_space<vmem>> -> memref<128xi32, #tpu.memory_space<vmem>>
      %dma_start3A_718 = arith.constant 0 : i32
      %dma_start3A_719 = arith.constant 0 : i32
      %dma_start3A_720 = tpu.memref_slice %arg8[%dma_start3A_718, %dma_start3A_719] : memref<10240x64xf32, #tpu.memory_space<vmem_shared>> -> memref<10240x64xf32, #tpu.memory_space<vmem_shared>>
      %dma_start3A_721 = tpu.memref_slice %arg11[%dma_start3A_710] : memref<5x!tpu.dma_semaphore, #tpu.memory_space<semaphore_mem>> -> memref<1x!tpu.dma_semaphore, #tpu.memory_space<semaphore_mem>>
      %dma_start3A_722 = tpu.memref_squeeze %dma_start3A_721 : memref<1x!tpu.dma_semaphore, #tpu.memory_space<semaphore_mem>> -> memref<!tpu.dma_semaphore, #tpu.memory_space<semaphore_mem>>
      tpu.enqueue_indirect_dma source(%dma_start3A_714 : memref<128x64xf32, #tpu.memory_space<vmem>>) target(%dma_start3A_720 : memref<10240x64xf32, #tpu.memory_space<vmem_shared>>) offsets(%dma_start3A_717 : memref<128xi32, #tpu.memory_space<vmem>>) semaphore(%dma_start3A_722 : memref<!tpu.dma_semaphore, #tpu.memory_space<semaphore_mem>>) {add = true}
      %sub3A_723 = arith.constant 2 : i32
      %sub3A_724 = arith.subi %add3A_690, %sub3A_723 : i32
      %ge3A_725 = arith.constant 0 : i32
      %ge3A_726 = arith.cmpi sge, %sub3A_724, %ge3A_725 : i32
      %convert_element_type3A_727 = arith.extui %ge3A_726 : i1 to i32
      %cond3A_728 = arith.constant 0 : i32
      %cond3A_729 = arith.cmpi ne, %convert_element_type3A_727, %cond3A_728 : i32
      scf.if %cond3A_729 {
        %dma_wait3A_737 = arith.constant 2 : i32
        %dma_wait3A_738 = arith.constant 2 : i32
        %dma_wait3A_739 = arith.constant 1 : i32
        %dma_wait3A_740 = arith.constant 2 : i32
        %dma_wait3A_741 = arith.constant 0 : i32
        %dma_wait3A_742 = arith.constant 0 : i32
        %dma_wait3A_743 = tpu.memref_slice %arg6[%dma_wait3A_737, %dma_wait3A_741, %dma_wait3A_742] : memref<5x128x64xf32, #tpu.memory_space<vmem>> -> memref<1x128x64xf32, #tpu.memory_space<vmem>>
        %dma_wait3A_744 = tpu.memref_squeeze %dma_wait3A_743 : memref<1x128x64xf32, #tpu.memory_space<vmem>> -> memref<128x64xf32, #tpu.memory_space<vmem>>
        %dma_wait3A_745 = arith.constant 0 : i32
        %dma_wait3A_746 = tpu.memref_slice %arg5[%dma_wait3A_738, %dma_wait3A_739, %dma_wait3A_745] : memref<5x2x128xi32, #tpu.memory_space<vmem>> -> memref<1x1x128xi32, #tpu.memory_space<vmem>>
        %dma_wait3A_747 = tpu.memref_squeeze %dma_wait3A_746 : memref<1x1x128xi32, #tpu.memory_space<vmem>> -> memref<128xi32, #tpu.memory_space<vmem>>
        %dma_wait3A_748 = arith.constant 0 : i32
        %dma_wait3A_749 = arith.constant 0 : i32
        %dma_wait3A_750 = tpu.memref_slice %arg8[%dma_wait3A_748, %dma_wait3A_749] : memref<10240x64xf32, #tpu.memory_space<vmem_shared>> -> memref<10240x64xf32, #tpu.memory_space<vmem_shared>>
        %dma_wait3A_751 = tpu.memref_slice %arg11[%dma_wait3A_740] : memref<5x!tpu.dma_semaphore, #tpu.memory_space<semaphore_mem>> -> memref<1x!tpu.dma_semaphore, #tpu.memory_space<semaphore_mem>>
        %dma_wait3A_752 = tpu.memref_squeeze %dma_wait3A_751 : memref<1x!tpu.dma_semaphore, #tpu.memory_space<semaphore_mem>> -> memref<!tpu.dma_semaphore, #tpu.memory_space<semaphore_mem>>
        tpu.wait_indirect_dma semaphore(%dma_wait3A_752 : memref<!tpu.dma_semaphore, #tpu.memory_space<semaphore_mem>>) src(%dma_wait3A_744 : memref<128x64xf32, #tpu.memory_space<vmem>>) dst(%dma_wait3A_750 : memref<10240x64xf32, #tpu.memory_space<vmem_shared>>)
        %add3A_753 = arith.constant 5 : i32
        %add3A_754 = arith.addi %sub3A_724, %add3A_753 : i32
        %lt3A_755 = arith.constant 157 : i32
        %lt3A_756 = arith.cmpi slt, %add3A_754, %lt3A_755 : i32
        %convert_element_type3A_757 = arith.extui %lt3A_756 : i1 to i32
        %cond3A_758 = arith.constant 0 : i32
        %cond3A_759 = arith.cmpi ne, %convert_element_type3A_757, %cond3A_758 : i32
        scf.if %cond3A_759 {
          %mul3A_760 = arith.constant 128 : i32
          %mul3A_761 = arith.muli %add3A_754, %mul3A_760 : i32
          %min3A_762 = arith.constant 19872 : i32
          %min3A_763 = arith.minsi %mul3A_761, %min3A_762 : i32
          %add3A_764 = arith.addi %mul3A_35, %min3A_763 : i32
          %dma_start3A_765 = arith.constant 0 : i32
          %dma_start3A_766 = arith.constant 2 : i32
          %dma_start3A_767 = arith.constant 0 : i32
          %dma_start3A_768 = arith.constant 2 : i32
          %dma_start3A_769 = arith.constant 0 : i32
          %dma_start3A_770 = tpu.memref_slice %arg5[%dma_start3A_766, %dma_start3A_767, %dma_start3A_769] : memref<5x2x128xi32, #tpu.memory_space<vmem>> -> memref<1x1x128xi32, #tpu.memory_space<vmem>>
          %dma_start3A_771 = tpu.memref_squeeze %dma_start3A_770 : memref<1x1x128xi32, #tpu.memory_space<vmem>> -> memref<128xi32, #tpu.memory_space<vmem>>
          %dma_start3A_772 = tpu.memref_slice %arg3[%dma_start3A_765, %add3A_764] : memref<2x320000xi32, #tpu.memory_space<hbm>> -> memref<1x128xi32, #tpu.memory_space<hbm>>
          %dma_start3A_773 = tpu.memref_squeeze %dma_start3A_772 : memref<1x128xi32, #tpu.memory_space<hbm>> -> memref<128xi32, #tpu.memory_space<hbm>>
          %dma_start3A_774 = tpu.memref_slice %arg9[%dma_start3A_768] : memref<5x!tpu.dma_semaphore, #tpu.memory_space<semaphore_mem>> -> memref<1x!tpu.dma_semaphore, #tpu.memory_space<semaphore_mem>>
          %dma_start3A_775 = tpu.memref_squeeze %dma_start3A_774 : memref<1x!tpu.dma_semaphore, #tpu.memory_space<semaphore_mem>> -> memref<!tpu.dma_semaphore, #tpu.memory_space<semaphore_mem>>
          %dma_start3A_776 = arith.constant 0 : i32
          %dma_start3A_777 = tpu.memref_slice %arg5[%dma_start3A_766, %dma_start3A_767, %dma_start3A_776] : memref<5x2x128xi32, #tpu.memory_space<vmem>> -> memref<1x1x128xi32, #tpu.memory_space<vmem>>
          %dma_start3A_778 = tpu.memref_squeeze %dma_start3A_777 : memref<1x1x128xi32, #tpu.memory_space<vmem>> -> memref<128xi32, #tpu.memory_space<vmem>>
          %dma_start3A_779 = tpu.memref_slice %arg3[%dma_start3A_765, %add3A_764] : memref<2x320000xi32, #tpu.memory_space<hbm>> -> memref<1x128xi32, #tpu.memory_space<hbm>>
          %dma_start3A_780 = tpu.memref_squeeze %dma_start3A_779 : memref<1x128xi32, #tpu.memory_space<hbm>> -> memref<128xi32, #tpu.memory_space<hbm>>
          tpu.enqueue_dma source(%dma_start3A_780 : memref<128xi32, #tpu.memory_space<hbm>>) target(%dma_start3A_778 : memref<128xi32, #tpu.memory_space<vmem>>) target_semaphore(%dma_start3A_775 : memref<!tpu.dma_semaphore, #tpu.memory_space<semaphore_mem>>)
          %mul3A_781 = arith.constant 128 : i32
          %mul3A_782 = arith.muli %add3A_754, %mul3A_781 : i32
          %min3A_783 = arith.constant 19872 : i32
          %min3A_784 = arith.minsi %mul3A_782, %min3A_783 : i32
          %add3A_785 = arith.addi %mul3A_35, %min3A_784 : i32
          %dma_start3A_786 = arith.constant 1 : i32
          %dma_start3A_787 = arith.constant 2 : i32
          %dma_start3A_788 = arith.constant 1 : i32
          %dma_start3A_789 = arith.constant 2 : i32
          %dma_start3A_790 = arith.constant 0 : i32
          %dma_start3A_791 = tpu.memref_slice %arg5[%dma_start3A_787, %dma_start3A_788, %dma_start3A_790] : memref<5x2x128xi32, #tpu.memory_space<vmem>> -> memref<1x1x128xi32, #tpu.memory_space<vmem>>
          %dma_start3A_792 = tpu.memref_squeeze %dma_start3A_791 : memref<1x1x128xi32, #tpu.memory_space<vmem>> -> memref<128xi32, #tpu.memory_space<vmem>>
          %dma_start3A_793 = tpu.memref_slice %arg3[%dma_start3A_786, %add3A_785] : memref<2x320000xi32, #tpu.memory_space<hbm>> -> memref<1x128xi32, #tpu.memory_space<hbm>>
          %dma_start3A_794 = tpu.memref_squeeze %dma_start3A_793 : memref<1x128xi32, #tpu.memory_space<hbm>> -> memref<128xi32, #tpu.memory_space<hbm>>
          %dma_start3A_795 = tpu.memref_slice %arg9[%dma_start3A_789] : memref<5x!tpu.dma_semaphore, #tpu.memory_space<semaphore_mem>> -> memref<1x!tpu.dma_semaphore, #tpu.memory_space<semaphore_mem>>
          %dma_start3A_796 = tpu.memref_squeeze %dma_start3A_795 : memref<1x!tpu.dma_semaphore, #tpu.memory_space<semaphore_mem>> -> memref<!tpu.dma_semaphore, #tpu.memory_space<semaphore_mem>>
          %dma_start3A_797 = arith.constant 0 : i32
          %dma_start3A_798 = tpu.memref_slice %arg5[%dma_start3A_787, %dma_start3A_788, %dma_start3A_797] : memref<5x2x128xi32, #tpu.memory_space<vmem>> -> memref<1x1x128xi32, #tpu.memory_space<vmem>>
          %dma_start3A_799 = tpu.memref_squeeze %dma_start3A_798 : memref<1x1x128xi32, #tpu.memory_space<vmem>> -> memref<128xi32, #tpu.memory_space<vmem>>
          %dma_start3A_800 = tpu.memref_slice %arg3[%dma_start3A_786, %add3A_785] : memref<2x320000xi32, #tpu.memory_space<hbm>> -> memref<1x128xi32, #tpu.memory_space<hbm>>
          %dma_start3A_801 = tpu.memref_squeeze %dma_start3A_800 : memref<1x128xi32, #tpu.memory_space<hbm>> -> memref<128xi32, #tpu.memory_space<hbm>>
          tpu.enqueue_dma source(%dma_start3A_801 : memref<128xi32, #tpu.memory_space<hbm>>) target(%dma_start3A_799 : memref<128xi32, #tpu.memory_space<vmem>>) target_semaphore(%dma_start3A_796 : memref<!tpu.dma_semaphore, #tpu.memory_space<semaphore_mem>>)
        } else {
        }
      } else {
      }
      %add3A_730 = arith.constant 2 : i32
      %add3A_731 = arith.addi %add3A_690, %add3A_730 : i32
      %lt3A_732 = arith.constant 157 : i32
      %lt3A_733 = arith.cmpi slt, %add3A_731, %lt3A_732 : i32
      %convert_element_type3A_734 = arith.extui %lt3A_733 : i1 to i32
      %cond3A_735 = arith.constant 0 : i32
      %cond3A_736 = arith.cmpi ne, %convert_element_type3A_734, %cond3A_735 : i32
      scf.if %cond3A_736 {
        %mul3A_737 = arith.constant 128 : i32
        %mul3A_738 = arith.muli %add3A_731, %mul3A_737 : i32
        %min3A_739 = arith.constant 19872 : i32
        %min3A_740 = arith.minsi %mul3A_738, %min3A_739 : i32
        %add3A_741 = arith.addi %mul3A_35, %min3A_740 : i32
        %dma_wait3A_742 = arith.constant 0 : i32
        %dma_wait3A_743 = arith.constant 1 : i32
        %dma_wait3A_744 = arith.constant 0 : i32
        %dma_wait3A_745 = arith.constant 1 : i32
        %dma_wait3A_746 = arith.constant 0 : i32
        %dma_wait3A_747 = tpu.memref_slice %arg5[%dma_wait3A_743, %dma_wait3A_744, %dma_wait3A_746] : memref<5x2x128xi32, #tpu.memory_space<vmem>> -> memref<1x1x128xi32, #tpu.memory_space<vmem>>
        %dma_wait3A_748 = tpu.memref_squeeze %dma_wait3A_747 : memref<1x1x128xi32, #tpu.memory_space<vmem>> -> memref<128xi32, #tpu.memory_space<vmem>>
        %dma_wait3A_749 = tpu.memref_slice %arg3[%dma_wait3A_742, %add3A_741] : memref<2x320000xi32, #tpu.memory_space<hbm>> -> memref<1x128xi32, #tpu.memory_space<hbm>>
        %dma_wait3A_750 = tpu.memref_squeeze %dma_wait3A_749 : memref<1x128xi32, #tpu.memory_space<hbm>> -> memref<128xi32, #tpu.memory_space<hbm>>
        %dma_wait3A_751 = tpu.memref_slice %arg9[%dma_wait3A_745] : memref<5x!tpu.dma_semaphore, #tpu.memory_space<semaphore_mem>> -> memref<1x!tpu.dma_semaphore, #tpu.memory_space<semaphore_mem>>
        %dma_wait3A_752 = tpu.memref_squeeze %dma_wait3A_751 : memref<1x!tpu.dma_semaphore, #tpu.memory_space<semaphore_mem>> -> memref<!tpu.dma_semaphore, #tpu.memory_space<semaphore_mem>>
        %dma_wait3A_753 = arith.constant 0 : i32
        %dma_wait3A_754 = tpu.memref_slice %arg5[%dma_wait3A_743, %dma_wait3A_744, %dma_wait3A_753] : memref<5x2x128xi32, #tpu.memory_space<vmem>> -> memref<1x1x128xi32, #tpu.memory_space<vmem>>
        %dma_wait3A_755 = tpu.memref_squeeze %dma_wait3A_754 : memref<1x1x128xi32, #tpu.memory_space<vmem>> -> memref<128xi32, #tpu.memory_space<vmem>>
        %dma_wait3A_756 = tpu.memref_slice %arg3[%dma_wait3A_742, %add3A_741] : memref<2x320000xi32, #tpu.memory_space<hbm>> -> memref<1x128xi32, #tpu.memory_space<hbm>>
        %dma_wait3A_757 = tpu.memref_squeeze %dma_wait3A_756 : memref<1x128xi32, #tpu.memory_space<hbm>> -> memref<128xi32, #tpu.memory_space<hbm>>
        tpu.wait_dma2 semaphore(%dma_wait3A_752 : memref<!tpu.dma_semaphore, #tpu.memory_space<semaphore_mem>>) src(%dma_wait3A_757 : memref<128xi32, #tpu.memory_space<hbm>>) dst(%dma_wait3A_755 : memref<128xi32, #tpu.memory_space<vmem>>)
        %mul3A_758 = arith.constant 128 : i32
        %mul3A_759 = arith.muli %add3A_731, %mul3A_758 : i32
        %min3A_760 = arith.constant 19872 : i32
        %min3A_761 = arith.minsi %mul3A_759, %min3A_760 : i32
        %add3A_762 = arith.addi %mul3A_35, %min3A_761 : i32
        %dma_wait3A_763 = arith.constant 1 : i32
        %dma_wait3A_764 = arith.constant 1 : i32
        %dma_wait3A_765 = arith.constant 1 : i32
        %dma_wait3A_766 = arith.constant 1 : i32
        %dma_wait3A_767 = arith.constant 0 : i32
        %dma_wait3A_768 = tpu.memref_slice %arg5[%dma_wait3A_764, %dma_wait3A_765, %dma_wait3A_767] : memref<5x2x128xi32, #tpu.memory_space<vmem>> -> memref<1x1x128xi32, #tpu.memory_space<vmem>>
        %dma_wait3A_769 = tpu.memref_squeeze %dma_wait3A_768 : memref<1x1x128xi32, #tpu.memory_space<vmem>> -> memref<128xi32, #tpu.memory_space<vmem>>
        %dma_wait3A_770 = tpu.memref_slice %arg3[%dma_wait3A_763, %add3A_762] : memref<2x320000xi32, #tpu.memory_space<hbm>> -> memref<1x128xi32, #tpu.memory_space<hbm>>
        %dma_wait3A_771 = tpu.memref_squeeze %dma_wait3A_770 : memref<1x128xi32, #tpu.memory_space<hbm>> -> memref<128xi32, #tpu.memory_space<hbm>>
        %dma_wait3A_772 = tpu.memref_slice %arg9[%dma_wait3A_766] : memref<5x!tpu.dma_semaphore, #tpu.memory_space<semaphore_mem>> -> memref<1x!tpu.dma_semaphore, #tpu.memory_space<semaphore_mem>>
        %dma_wait3A_773 = tpu.memref_squeeze %dma_wait3A_772 : memref<1x!tpu.dma_semaphore, #tpu.memory_space<semaphore_mem>> -> memref<!tpu.dma_semaphore, #tpu.memory_space<semaphore_mem>>
        %dma_wait3A_774 = arith.constant 0 : i32
        %dma_wait3A_775 = tpu.memref_slice %arg5[%dma_wait3A_764, %dma_wait3A_765, %dma_wait3A_774] : memref<5x2x128xi32, #tpu.memory_space<vmem>> -> memref<1x1x128xi32, #tpu.memory_space<vmem>>
        %dma_wait3A_776 = tpu.memref_squeeze %dma_wait3A_775 : memref<1x1x128xi32, #tpu.memory_space<vmem>> -> memref<128xi32, #tpu.memory_space<vmem>>
        %dma_wait3A_777 = tpu.memref_slice %arg3[%dma_wait3A_763, %add3A_762] : memref<2x320000xi32, #tpu.memory_space<hbm>> -> memref<1x128xi32, #tpu.memory_space<hbm>>
        %dma_wait3A_778 = tpu.memref_squeeze %dma_wait3A_777 : memref<1x128xi32, #tpu.memory_space<hbm>> -> memref<128xi32, #tpu.memory_space<hbm>>
        tpu.wait_dma2 semaphore(%dma_wait3A_773 : memref<!tpu.dma_semaphore, #tpu.memory_space<semaphore_mem>>) src(%dma_wait3A_778 : memref<128xi32, #tpu.memory_space<hbm>>) dst(%dma_wait3A_776 : memref<128xi32, #tpu.memory_space<vmem>>)
        %eq3A_779 = arith.constant 156 : i32
        %eq3A_780 = arith.cmpi eq, %add3A_731, %eq3A_779 : i32
        %convert_element_type3A_781 = arith.extui %eq3A_780 : i1 to i32
        %cond3A_782 = arith.constant 0 : i32
        %cond3A_783 = arith.cmpi ne, %convert_element_type3A_781, %cond3A_782 : i32
        scf.if %cond3A_783 {
          %broadcast_in_dim3A_800 = arith.constant 10000 : i32
          %broadcast_in_dim3A_801 = vector.broadcast %broadcast_in_dim3A_800 : i32 to vector<16xi32>
          %broadcast_in_dim3A_802 = arith.constant 0 : i32
          %broadcast_in_dim3A_803 = vector.broadcast %broadcast_in_dim3A_802 : i32 to vector<16xi32>
          %swap3A = arith.constant 1 : i32
          %swap3A_804 = arith.constant 0 : i32
          %swap3A_805 = arith.index_cast %swap3A : i32 to index
          %swap3A_806 = arith.index_cast %swap3A_804 : i32 to index
          %swap3A_807 = arith.constant 0 : index
          %swap3A_808 = tpu.vector_load %arg5[%swap3A_805, %swap3A_806, %swap3A_807] {strides = array<i32>} : memref<5x2x128xi32, #tpu.memory_space<vmem>>, vector<1x1x16xi32>,
          %swap3A_809 = vector.shape_cast %swap3A_808 : vector<1x1x16xi32> to vector<16xi32>
          %swap3A_810 = vector.shape_cast %broadcast_in_dim3A_803 : vector<16xi32> to vector<1x1x16xi32>
          tpu.vector_store %arg5[%swap3A_805, %swap3A_806, %swap3A_807], %swap3A_810 {strides = array<i32>} : memref<5x2x128xi32, #tpu.memory_space<vmem>>, vector<1x1x16xi32>,
          %swap3A_811 = arith.constant 1 : i32
          %swap3A_812 = arith.constant 1 : i32
          %swap3A_813 = arith.index_cast %swap3A_811 : i32 to index
          %swap3A_814 = arith.index_cast %swap3A_812 : i32 to index
          %swap3A_815 = arith.constant 0 : index
          %swap3A_816 = tpu.vector_load %arg5[%swap3A_813, %swap3A_814, %swap3A_815] {strides = array<i32>} : memref<5x2x128xi32, #tpu.memory_space<vmem>>, vector<1x1x16xi32>,
          %swap3A_817 = vector.shape_cast %swap3A_816 : vector<1x1x16xi32> to vector<16xi32>
          %swap3A_818 = vector.shape_cast %broadcast_in_dim3A_801 : vector<16xi32> to vector<1x1x16xi32>
          tpu.vector_store %arg5[%swap3A_813, %swap3A_814, %swap3A_815], %swap3A_818 {strides = array<i32>} : memref<5x2x128xi32, #tpu.memory_space<vmem>>, vector<1x1x16xi32>,
          %swap3A_819 = arith.constant 1 : i32
          %swap3A_820 = arith.constant 0 : i32
          %swap3A_821 = arith.index_cast %swap3A_819 : i32 to index
          %swap3A_822 = arith.index_cast %swap3A_820 : i32 to index
          %swap3A_823 = arith.constant 16 : index
          %swap3A_824 = tpu.vector_load %arg5[%swap3A_821, %swap3A_822, %swap3A_823] {strides = array<i32>} : memref<5x2x128xi32, #tpu.memory_space<vmem>>, vector<1x1x16xi32>,
          %swap3A_825 = vector.shape_cast %swap3A_824 : vector<1x1x16xi32> to vector<16xi32>
          %swap3A_826 = vector.shape_cast %broadcast_in_dim3A_803 : vector<16xi32> to vector<1x1x16xi32>
          tpu.vector_store %arg5[%swap3A_821, %swap3A_822, %swap3A_823], %swap3A_826 {strides = array<i32>} : memref<5x2x128xi32, #tpu.memory_space<vmem>>, vector<1x1x16xi32>,
          %swap3A_827 = arith.constant 1 : i32
          %swap3A_828 = arith.constant 1 : i32
          %swap3A_829 = arith.index_cast %swap3A_827 : i32 to index
          %swap3A_830 = arith.index_cast %swap3A_828 : i32 to index
          %swap3A_831 = arith.constant 16 : index
          %swap3A_832 = tpu.vector_load %arg5[%swap3A_829, %swap3A_830, %swap3A_831] {strides = array<i32>} : memref<5x2x128xi32, #tpu.memory_space<vmem>>, vector<1x1x16xi32>,
          %swap3A_833 = vector.shape_cast %swap3A_832 : vector<1x1x16xi32> to vector<16xi32>
          %swap3A_834 = vector.shape_cast %broadcast_in_dim3A_801 : vector<16xi32> to vector<1x1x16xi32>
          tpu.vector_store %arg5[%swap3A_829, %swap3A_830, %swap3A_831], %swap3A_834 {strides = array<i32>} : memref<5x2x128xi32, #tpu.memory_space<vmem>>, vector<1x1x16xi32>,
          %swap3A_835 = arith.constant 1 : i32
          %swap3A_836 = arith.constant 0 : i32
          %swap3A_837 = arith.index_cast %swap3A_835 : i32 to index
          %swap3A_838 = arith.index_cast %swap3A_836 : i32 to index
          %swap3A_839 = arith.constant 32 : index
          %swap3A_840 = tpu.vector_load %arg5[%swap3A_837, %swap3A_838, %swap3A_839] {strides = array<i32>} : memref<5x2x128xi32, #tpu.memory_space<vmem>>, vector<1x1x16xi32>,
          %swap3A_841 = vector.shape_cast %swap3A_840 : vector<1x1x16xi32> to vector<16xi32>
          %swap3A_842 = vector.shape_cast %broadcast_in_dim3A_803 : vector<16xi32> to vector<1x1x16xi32>
          tpu.vector_store %arg5[%swap3A_837, %swap3A_838, %swap3A_839], %swap3A_842 {strides = array<i32>} : memref<5x2x128xi32, #tpu.memory_space<vmem>>, vector<1x1x16xi32>,
          %swap3A_843 = arith.constant 1 : i32
          %swap3A_844 = arith.constant 1 : i32
          %swap3A_845 = arith.index_cast %swap3A_843 : i32 to index
          %swap3A_846 = arith.index_cast %swap3A_844 : i32 to index
          %swap3A_847 = arith.constant 32 : index
          %swap3A_848 = tpu.vector_load %arg5[%swap3A_845, %swap3A_846, %swap3A_847] {strides = array<i32>} : memref<5x2x128xi32, #tpu.memory_space<vmem>>, vector<1x1x16xi32>,
          %swap3A_849 = vector.shape_cast %swap3A_848 : vector<1x1x16xi32> to vector<16xi32>
          %swap3A_850 = vector.shape_cast %broadcast_in_dim3A_801 : vector<16xi32> to vector<1x1x16xi32>
          tpu.vector_store %arg5[%swap3A_845, %swap3A_846, %swap3A_847], %swap3A_850 {strides = array<i32>} : memref<5x2x128xi32, #tpu.memory_space<vmem>>, vector<1x1x16xi32>,
          %swap3A_851 = arith.constant 1 : i32
          %swap3A_852 = arith.constant 0 : i32
          %swap3A_853 = arith.index_cast %swap3A_851 : i32 to index
          %swap3A_854 = arith.index_cast %swap3A_852 : i32 to index
          %swap3A_855 = arith.constant 48 : index
          %swap3A_856 = tpu.vector_load %arg5[%swap3A_853, %swap3A_854, %swap3A_855] {strides = array<i32>} : memref<5x2x128xi32, #tpu.memory_space<vmem>>, vector<1x1x16xi32>,
          %swap3A_857 = vector.shape_cast %swap3A_856 : vector<1x1x16xi32> to vector<16xi32>
          %swap3A_858 = vector.shape_cast %broadcast_in_dim3A_803 : vector<16xi32> to vector<1x1x16xi32>
          tpu.vector_store %arg5[%swap3A_853, %swap3A_854, %swap3A_855], %swap3A_858 {strides = array<i32>} : memref<5x2x128xi32, #tpu.memory_space<vmem>>, vector<1x1x16xi32>,
          %swap3A_859 = arith.constant 1 : i32
          %swap3A_860 = arith.constant 1 : i32
          %swap3A_861 = arith.index_cast %swap3A_859 : i32 to index
          %swap3A_862 = arith.index_cast %swap3A_860 : i32 to index
          %swap3A_863 = arith.constant 48 : index
          %swap3A_864 = tpu.vector_load %arg5[%swap3A_861, %swap3A_862, %swap3A_863] {strides = array<i32>} : memref<5x2x128xi32, #tpu.memory_space<vmem>>, vector<1x1x16xi32>,
          %swap3A_865 = vector.shape_cast %swap3A_864 : vector<1x1x16xi32> to vector<16xi32>
          %swap3A_866 = vector.shape_cast %broadcast_in_dim3A_801 : vector<16xi32> to vector<1x1x16xi32>
          tpu.vector_store %arg5[%swap3A_861, %swap3A_862, %swap3A_863], %swap3A_866 {strides = array<i32>} : memref<5x2x128xi32, #tpu.memory_space<vmem>>, vector<1x1x16xi32>,
          %swap3A_867 = arith.constant 1 : i32
          %swap3A_868 = arith.constant 0 : i32
          %swap3A_869 = arith.index_cast %swap3A_867 : i32 to index
          %swap3A_870 = arith.index_cast %swap3A_868 : i32 to index
          %swap3A_871 = arith.constant 64 : index
          %swap3A_872 = tpu.vector_load %arg5[%swap3A_869, %swap3A_870, %swap3A_871] {strides = array<i32>} : memref<5x2x128xi32, #tpu.memory_space<vmem>>, vector<1x1x16xi32>,
          %swap3A_873 = vector.shape_cast %swap3A_872 : vector<1x1x16xi32> to vector<16xi32>
          %swap3A_874 = vector.shape_cast %broadcast_in_dim3A_803 : vector<16xi32> to vector<1x1x16xi32>
          tpu.vector_store %arg5[%swap3A_869, %swap3A_870, %swap3A_871], %swap3A_874 {strides = array<i32>} : memref<5x2x128xi32, #tpu.memory_space<vmem>>, vector<1x1x16xi32>,
          %swap3A_875 = arith.constant 1 : i32
          %swap3A_876 = arith.constant 1 : i32
          %swap3A_877 = arith.index_cast %swap3A_875 : i32 to index
          %swap3A_878 = arith.index_cast %swap3A_876 : i32 to index
          %swap3A_879 = arith.constant 64 : index
          %swap3A_880 = tpu.vector_load %arg5[%swap3A_877, %swap3A_878, %swap3A_879] {strides = array<i32>} : memref<5x2x128xi32, #tpu.memory_space<vmem>>, vector<1x1x16xi32>,
          %swap3A_881 = vector.shape_cast %swap3A_880 : vector<1x1x16xi32> to vector<16xi32>
          %swap3A_882 = vector.shape_cast %broadcast_in_dim3A_801 : vector<16xi32> to vector<1x1x16xi32>
          tpu.vector_store %arg5[%swap3A_877, %swap3A_878, %swap3A_879], %swap3A_882 {strides = array<i32>} : memref<5x2x128xi32, #tpu.memory_space<vmem>>, vector<1x1x16xi32>,
          %swap3A_883 = arith.constant 1 : i32
          %swap3A_884 = arith.constant 0 : i32
          %swap3A_885 = arith.index_cast %swap3A_883 : i32 to index
          %swap3A_886 = arith.index_cast %swap3A_884 : i32 to index
          %swap3A_887 = arith.constant 80 : index
          %swap3A_888 = tpu.vector_load %arg5[%swap3A_885, %swap3A_886, %swap3A_887] {strides = array<i32>} : memref<5x2x128xi32, #tpu.memory_space<vmem>>, vector<1x1x16xi32>,
          %swap3A_889 = vector.shape_cast %swap3A_888 : vector<1x1x16xi32> to vector<16xi32>
          %swap3A_890 = vector.shape_cast %broadcast_in_dim3A_803 : vector<16xi32> to vector<1x1x16xi32>
          tpu.vector_store %arg5[%swap3A_885, %swap3A_886, %swap3A_887], %swap3A_890 {strides = array<i32>} : memref<5x2x128xi32, #tpu.memory_space<vmem>>, vector<1x1x16xi32>,
          %swap3A_891 = arith.constant 1 : i32
          %swap3A_892 = arith.constant 1 : i32
          %swap3A_893 = arith.index_cast %swap3A_891 : i32 to index
          %swap3A_894 = arith.index_cast %swap3A_892 : i32 to index
          %swap3A_895 = arith.constant 80 : index
          %swap3A_896 = tpu.vector_load %arg5[%swap3A_893, %swap3A_894, %swap3A_895] {strides = array<i32>} : memref<5x2x128xi32, #tpu.memory_space<vmem>>, vector<1x1x16xi32>,
          %swap3A_897 = vector.shape_cast %swap3A_896 : vector<1x1x16xi32> to vector<16xi32>
          %swap3A_898 = vector.shape_cast %broadcast_in_dim3A_801 : vector<16xi32> to vector<1x1x16xi32>
          tpu.vector_store %arg5[%swap3A_893, %swap3A_894, %swap3A_895], %swap3A_898 {strides = array<i32>} : memref<5x2x128xi32, #tpu.memory_space<vmem>>, vector<1x1x16xi32>,
        } else {
        }
        %dma_start3A_784 = arith.constant 1 : i32
        %dma_start3A_785 = arith.constant 0 : i32
        %dma_start3A_786 = arith.constant 1 : i32
        %dma_start3A_787 = arith.constant 1 : i32
        %dma_start3A_788 = arith.constant 0 : i32
        %dma_start3A_789 = arith.constant 0 : i32
        %dma_start3A_790 = tpu.memref_slice %arg6[%dma_start3A_786, %dma_start3A_788, %dma_start3A_789] : memref<5x128x64xf32, #tpu.memory_space<vmem>> -> memref<1x128x64xf32, #tpu.memory_space<vmem>>
        %dma_start3A_791 = tpu.memref_squeeze %dma_start3A_790 : memref<1x128x64xf32, #tpu.memory_space<vmem>> -> memref<128x64xf32, #tpu.memory_space<vmem>>
        %dma_start3A_792 = arith.constant 0 : i32
        %dma_start3A_793 = tpu.memref_slice %arg5[%dma_start3A_784, %dma_start3A_785, %dma_start3A_792] : memref<5x2x128xi32, #tpu.memory_space<vmem>> -> memref<1x1x128xi32, #tpu.memory_space<vmem>>
        %dma_start3A_794 = tpu.memref_squeeze %dma_start3A_793 : memref<1x1x128xi32, #tpu.memory_space<vmem>> -> memref<128xi32, #tpu.memory_space<vmem>>
        %dma_start3A_795 = arith.constant 0 : i32
        %dma_start3A_796 = arith.constant 0 : i32
        %dma_start3A_797 = tpu.memref_slice %arg7[%dma_start3A_795, %dma_start3A_796] : memref<10240x64xf32, #tpu.memory_space<vmem_shared>> -> memref<10240x64xf32, #tpu.memory_space<vmem_shared>>
        %dma_start3A_798 = tpu.memref_slice %arg10[%dma_start3A_787] : memref<5x!tpu.dma_semaphore, #tpu.memory_space<semaphore_mem>> -> memref<1x!tpu.dma_semaphore, #tpu.memory_space<semaphore_mem>>
        %dma_start3A_799 = tpu.memref_squeeze %dma_start3A_798 : memref<1x!tpu.dma_semaphore, #tpu.memory_space<semaphore_mem>> -> memref<!tpu.dma_semaphore, #tpu.memory_space<semaphore_mem>>
        tpu.enqueue_indirect_dma source(%dma_start3A_797 : memref<10240x64xf32, #tpu.memory_space<vmem_shared>>) target(%dma_start3A_791 : memref<128x64xf32, #tpu.memory_space<vmem>>) offsets(%dma_start3A_794 : memref<128xi32, #tpu.memory_space<vmem>>) semaphore(%dma_start3A_799 : memref<!tpu.dma_semaphore, #tpu.memory_space<semaphore_mem>>)
      } else {
      }
    }
    %scan3A_352 = arith.constant 31 : i32
    %dma_wait3A_353 = arith.constant 0 : i32
    %dma_wait3A_354 = arith.constant 0 : i32
    %dma_wait3A_355 = arith.constant 0 : i32
    %dma_wait3A_356 = arith.constant 0 : i32
    %dma_wait3A_357 = arith.constant 0 : i32
    %dma_wait3A_358 = arith.constant 0 : i32
    %dma_wait3A_359 = tpu.memref_slice %arg6[%dma_wait3A_355, %dma_wait3A_357, %dma_wait3A_358] : memref<5x128x64xf32, #tpu.memory_space<vmem>> -> memref<1x128x64xf32, #tpu.memory_space<vmem>>
    %dma_wait3A_360 = tpu.memref_squeeze %dma_wait3A_359 : memref<1x128x64xf32, #tpu.memory_space<vmem>> -> memref<128x64xf32, #tpu.memory_space<vmem>>
    %dma_wait3A_361 = arith.constant 0 : i32
    %dma_wait3A_362 = tpu.memref_slice %arg5[%dma_wait3A_353, %dma_wait3A_354, %dma_wait3A_361] : memref<5x2x128xi32, #tpu.memory_space<vmem>> -> memref<1x1x128xi32, #tpu.memory_space<vmem>>
    %dma_wait3A_363 = tpu.memref_squeeze %dma_wait3A_362 : memref<1x1x128xi32, #tpu.memory_space<vmem>> -> memref<128xi32, #tpu.memory_space<vmem>>
    %dma_wait3A_364 = arith.constant 0 : i32
    %dma_wait3A_365 = arith.constant 0 : i32
    %dma_wait3A_366 = tpu.memref_slice %arg7[%dma_wait3A_364, %dma_wait3A_365] : memref<10240x64xf32, #tpu.memory_space<vmem_shared>> -> memref<10240x64xf32, #tpu.memory_space<vmem_shared>>
    %dma_wait3A_367 = tpu.memref_slice %arg10[%dma_wait3A_356] : memref<5x!tpu.dma_semaphore, #tpu.memory_space<semaphore_mem>> -> memref<1x!tpu.dma_semaphore, #tpu.memory_space<semaphore_mem>>
    %dma_wait3A_368 = tpu.memref_squeeze %dma_wait3A_367 : memref<1x!tpu.dma_semaphore, #tpu.memory_space<semaphore_mem>> -> memref<!tpu.dma_semaphore, #tpu.memory_space<semaphore_mem>>
    tpu.wait_indirect_dma semaphore(%dma_wait3A_368 : memref<!tpu.dma_semaphore, #tpu.memory_space<semaphore_mem>>) src(%dma_wait3A_366 : memref<10240x64xf32, #tpu.memory_space<vmem_shared>>) dst(%dma_wait3A_360 : memref<128x64xf32, #tpu.memory_space<vmem>>)
    %dma_start3A_369 = arith.constant 0 : i32
    %dma_start3A_370 = arith.constant 0 : i32
    %dma_start3A_371 = arith.constant 1 : i32
    %dma_start3A_372 = arith.constant 0 : i32
    %dma_start3A_373 = arith.constant 0 : i32
    %dma_start3A_374 = arith.constant 0 : i32
    %dma_start3A_375 = tpu.memref_slice %arg6[%dma_start3A_369, %dma_start3A_373, %dma_start3A_374] : memref<5x128x64xf32, #tpu.memory_space<vmem>> -> memref<1x128x64xf32, #tpu.memory_space<vmem>>
    %dma_start3A_376 = tpu.memref_squeeze %dma_start3A_375 : memref<1x128x64xf32, #tpu.memory_space<vmem>> -> memref<128x64xf32, #tpu.memory_space<vmem>>
    %dma_start3A_377 = arith.constant 0 : i32
    %dma_start3A_378 = tpu.memref_slice %arg5[%dma_start3A_370, %dma_start3A_371, %dma_start3A_377] : memref<5x2x128xi32, #tpu.memory_space<vmem>> -> memref<1x1x128xi32, #tpu.memory_space<vmem>>
    %dma_start3A_379 = tpu.memref_squeeze %dma_start3A_378 : memref<1x1x128xi32, #tpu.memory_space<vmem>> -> memref<128xi32, #tpu.memory_space<vmem>>
    %dma_start3A_380 = arith.constant 0 : i32
    %dma_start3A_381 = arith.constant 0 : i32
    %dma_start3A_382 = tpu.memref_slice %arg8[%dma_start3A_380, %dma_start3A_381] : memref<10240x64xf32, #tpu.memory_space<vmem_shared>> -> memref<10240x64xf32, #tpu.memory_space<vmem_shared>>
    %dma_start3A_383 = tpu.memref_slice %arg11[%dma_start3A_372] : memref<5x!tpu.dma_semaphore, #tpu.memory_space<semaphore_mem>> -> memref<1x!tpu.dma_semaphore, #tpu.memory_space<semaphore_mem>>
    %dma_start3A_384 = tpu.memref_squeeze %dma_start3A_383 : memref<1x!tpu.dma_semaphore, #tpu.memory_space<semaphore_mem>> -> memref<!tpu.dma_semaphore, #tpu.memory_space<semaphore_mem>>
    tpu.enqueue_indirect_dma source(%dma_start3A_376 : memref<128x64xf32, #tpu.memory_space<vmem>>) target(%dma_start3A_382 : memref<10240x64xf32, #tpu.memory_space<vmem_shared>>) offsets(%dma_start3A_379 : memref<128xi32, #tpu.memory_space<vmem>>) semaphore(%dma_start3A_384 : memref<!tpu.dma_semaphore, #tpu.memory_space<semaphore_mem>>) {add = true}
    %dma_wait3A_385 = arith.constant 1 : i32
    %dma_wait3A_386 = arith.constant 0 : i32
    %dma_wait3A_387 = arith.constant 1 : i32
    %dma_wait3A_388 = arith.constant 1 : i32
    %dma_wait3A_389 = arith.constant 0 : i32
    %dma_wait3A_390 = arith.constant 0 : i32
    %dma_wait3A_391 = tpu.memref_slice %arg6[%dma_wait3A_387, %dma_wait3A_389, %dma_wait3A_390] : memref<5x128x64xf32, #tpu.memory_space<vmem>> -> memref<1x128x64xf32, #tpu.memory_space<vmem>>
    %dma_wait3A_392 = tpu.memref_squeeze %dma_wait3A_391 : memref<1x128x64xf32, #tpu.memory_space<vmem>> -> memref<128x64xf32, #tpu.memory_space<vmem>>
    %dma_wait3A_393 = arith.constant 0 : i32
    %dma_wait3A_394 = tpu.memref_slice %arg5[%dma_wait3A_385, %dma_wait3A_386, %dma_wait3A_393] : memref<5x2x128xi32, #tpu.memory_space<vmem>> -> memref<1x1x128xi32, #tpu.memory_space<vmem>>
    %dma_wait3A_395 = tpu.memref_squeeze %dma_wait3A_394 : memref<1x1x128xi32, #tpu.memory_space<vmem>> -> memref<128xi32, #tpu.memory_space<vmem>>
    %dma_wait3A_396 = arith.constant 0 : i32
    %dma_wait3A_397 = arith.constant 0 : i32
    %dma_wait3A_398 = tpu.memref_slice %arg7[%dma_wait3A_396, %dma_wait3A_397] : memref<10240x64xf32, #tpu.memory_space<vmem_shared>> -> memref<10240x64xf32, #tpu.memory_space<vmem_shared>>
    %dma_wait3A_399 = tpu.memref_slice %arg10[%dma_wait3A_388] : memref<5x!tpu.dma_semaphore, #tpu.memory_space<semaphore_mem>> -> memref<1x!tpu.dma_semaphore, #tpu.memory_space<semaphore_mem>>
    %dma_wait3A_400 = tpu.memref_squeeze %dma_wait3A_399 : memref<1x!tpu.dma_semaphore, #tpu.memory_space<semaphore_mem>> -> memref<!tpu.dma_semaphore, #tpu.memory_space<semaphore_mem>>
    tpu.wait_indirect_dma semaphore(%dma_wait3A_400 : memref<!tpu.dma_semaphore, #tpu.memory_space<semaphore_mem>>) src(%dma_wait3A_398 : memref<10240x64xf32, #tpu.memory_space<vmem_shared>>) dst(%dma_wait3A_392 : memref<128x64xf32, #tpu.memory_space<vmem>>)
    %dma_start3A_401 = arith.constant 1 : i32
    %dma_start3A_402 = arith.constant 1 : i32
    %dma_start3A_403 = arith.constant 1 : i32
    %dma_start3A_404 = arith.constant 1 : i32
    %dma_start3A_405 = arith.constant 0 : i32
    %dma_start3A_406 = arith.constant 0 : i32
    %dma_start3A_407 = tpu.memref_slice %arg6[%dma_start3A_401, %dma_start3A_405, %dma_start3A_406] : memref<5x128x64xf32, #tpu.memory_space<vmem>> -> memref<1x128x64xf32, #tpu.memory_space<vmem>>
    %dma_start3A_408 = tpu.memref_squeeze %dma_start3A_407 : memref<1x128x64xf32, #tpu.memory_space<vmem>> -> memref<128x64xf32, #tpu.memory_space<vmem>>
    %dma_start3A_409 = arith.constant 0 : i32
    %dma_start3A_410 = tpu.memref_slice %arg5[%dma_start3A_402, %dma_start3A_403, %dma_start3A_409] : memref<5x2x128xi32, #tpu.memory_space<vmem>> -> memref<1x1x128xi32, #tpu.memory_space<vmem>>
    %dma_start3A_411 = tpu.memref_squeeze %dma_start3A_410 : memref<1x1x128xi32, #tpu.memory_space<vmem>> -> memref<128xi32, #tpu.memory_space<vmem>>
    %dma_start3A_412 = arith.constant 0 : i32
    %dma_start3A_413 = arith.constant 0 : i32
    %dma_start3A_414 = tpu.memref_slice %arg8[%dma_start3A_412, %dma_start3A_413] : memref<10240x64xf32, #tpu.memory_space<vmem_shared>> -> memref<10240x64xf32, #tpu.memory_space<vmem_shared>>
    %dma_start3A_415 = tpu.memref_slice %arg11[%dma_start3A_404] : memref<5x!tpu.dma_semaphore, #tpu.memory_space<semaphore_mem>> -> memref<1x!tpu.dma_semaphore, #tpu.memory_space<semaphore_mem>>
    %dma_start3A_416 = tpu.memref_squeeze %dma_start3A_415 : memref<1x!tpu.dma_semaphore, #tpu.memory_space<semaphore_mem>> -> memref<!tpu.dma_semaphore, #tpu.memory_space<semaphore_mem>>
    tpu.enqueue_indirect_dma source(%dma_start3A_408 : memref<128x64xf32, #tpu.memory_space<vmem>>) target(%dma_start3A_414 : memref<10240x64xf32, #tpu.memory_space<vmem_shared>>) offsets(%dma_start3A_411 : memref<128xi32, #tpu.memory_space<vmem>>) semaphore(%dma_start3A_416 : memref<!tpu.dma_semaphore, #tpu.memory_space<semaphore_mem>>) {add = true}
    %dma_wait3A_417 = arith.constant 3 : i32
    %dma_wait3A_418 = arith.constant 3 : i32
    %dma_wait3A_419 = arith.constant 1 : i32
    %dma_wait3A_420 = arith.constant 3 : i32
    %dma_wait3A_421 = arith.constant 0 : i32
    %dma_wait3A_422 = arith.constant 0 : i32
    %dma_wait3A_423 = tpu.memref_slice %arg6[%dma_wait3A_417, %dma_wait3A_421, %dma_wait3A_422] : memref<5x128x64xf32, #tpu.memory_space<vmem>> -> memref<1x128x64xf32, #tpu.memory_space<vmem>>
    %dma_wait3A_424 = tpu.memref_squeeze %dma_wait3A_423 : memref<1x128x64xf32, #tpu.memory_space<vmem>> -> memref<128x64xf32, #tpu.memory_space<vmem>>
    %dma_wait3A_425 = arith.constant 0 : i32
    %dma_wait3A_426 = tpu.memref_slice %arg5[%dma_wait3A_418, %dma_wait3A_419, %dma_wait3A_425] : memref<5x2x128xi32, #tpu.memory_space<vmem>> -> memref<1x1x128xi32, #tpu.memory_space<vmem>>
    %dma_wait3A_427 = tpu.memref_squeeze %dma_wait3A_426 : memref<1x1x128xi32, #tpu.memory_space<vmem>> -> memref<128xi32, #tpu.memory_space<vmem>>
    %dma_wait3A_428 = arith.constant 0 : i32
    %dma_wait3A_429 = arith.constant 0 : i32
    %dma_wait3A_430 = tpu.memref_slice %arg8[%dma_wait3A_428, %dma_wait3A_429] : memref<10240x64xf32, #tpu.memory_space<vmem_shared>> -> memref<10240x64xf32, #tpu.memory_space<vmem_shared>>
    %dma_wait3A_431 = tpu.memref_slice %arg11[%dma_wait3A_420] : memref<5x!tpu.dma_semaphore, #tpu.memory_space<semaphore_mem>> -> memref<1x!tpu.dma_semaphore, #tpu.memory_space<semaphore_mem>>
    %dma_wait3A_432 = tpu.memref_squeeze %dma_wait3A_431 : memref<1x!tpu.dma_semaphore, #tpu.memory_space<semaphore_mem>> -> memref<!tpu.dma_semaphore, #tpu.memory_space<semaphore_mem>>
    tpu.wait_indirect_dma semaphore(%dma_wait3A_432 : memref<!tpu.dma_semaphore, #tpu.memory_space<semaphore_mem>>) src(%dma_wait3A_424 : memref<128x64xf32, #tpu.memory_space<vmem>>) dst(%dma_wait3A_430 : memref<10240x64xf32, #tpu.memory_space<vmem_shared>>)
    %dma_wait3A_433 = arith.constant 4 : i32
    %dma_wait3A_434 = arith.constant 4 : i32
    %dma_wait3A_435 = arith.constant 1 : i32
    %dma_wait3A_436 = arith.constant 4 : i32
    %dma_wait3A_437 = arith.constant 0 : i32
    %dma_wait3A_438 = arith.constant 0 : i32
    %dma_wait3A_439 = tpu.memref_slice %arg6[%dma_wait3A_433, %dma_wait3A_437, %dma_wait3A_438] : memref<5x128x64xf32, #tpu.memory_space<vmem>> -> memref<1x128x64xf32, #tpu.memory_space<vmem>>
    %dma_wait3A_440 = tpu.memref_squeeze %dma_wait3A_439 : memref<1x128x64xf32, #tpu.memory_space<vmem>> -> memref<128x64xf32, #tpu.memory_space<vmem>>
    %dma_wait3A_441 = arith.constant 0 : i32
    %dma_wait3A_442 = tpu.memref_slice %arg5[%dma_wait3A_434, %dma_wait3A_435, %dma_wait3A_441] : memref<5x2x128xi32, #tpu.memory_space<vmem>> -> memref<1x1x128xi32, #tpu.memory_space<vmem>>
    %dma_wait3A_443 = tpu.memref_squeeze %dma_wait3A_442 : memref<1x1x128xi32, #tpu.memory_space<vmem>> -> memref<128xi32, #tpu.memory_space<vmem>>
    %dma_wait3A_444 = arith.constant 0 : i32
    %dma_wait3A_445 = arith.constant 0 : i32
    %dma_wait3A_446 = tpu.memref_slice %arg8[%dma_wait3A_444, %dma_wait3A_445] : memref<10240x64xf32, #tpu.memory_space<vmem_shared>> -> memref<10240x64xf32, #tpu.memory_space<vmem_shared>>
    %dma_wait3A_447 = tpu.memref_slice %arg11[%dma_wait3A_436] : memref<5x!tpu.dma_semaphore, #tpu.memory_space<semaphore_mem>> -> memref<1x!tpu.dma_semaphore, #tpu.memory_space<semaphore_mem>>
    %dma_wait3A_448 = tpu.memref_squeeze %dma_wait3A_447 : memref<1x!tpu.dma_semaphore, #tpu.memory_space<semaphore_mem>> -> memref<!tpu.dma_semaphore, #tpu.memory_space<semaphore_mem>>
    tpu.wait_indirect_dma semaphore(%dma_wait3A_448 : memref<!tpu.dma_semaphore, #tpu.memory_space<semaphore_mem>>) src(%dma_wait3A_440 : memref<128x64xf32, #tpu.memory_space<vmem>>) dst(%dma_wait3A_446 : memref<10240x64xf32, #tpu.memory_space<vmem_shared>>)
    %dma_wait3A_449 = arith.constant 0 : i32
    %dma_wait3A_450 = arith.constant 0 : i32
    %dma_wait3A_451 = arith.constant 1 : i32
    %dma_wait3A_452 = arith.constant 0 : i32
    %dma_wait3A_453 = arith.constant 0 : i32
    %dma_wait3A_454 = arith.constant 0 : i32
    %dma_wait3A_455 = tpu.memref_slice %arg6[%dma_wait3A_449, %dma_wait3A_453, %dma_wait3A_454] : memref<5x128x64xf32, #tpu.memory_space<vmem>> -> memref<1x128x64xf32, #tpu.memory_space<vmem>>
    %dma_wait3A_456 = tpu.memref_squeeze %dma_wait3A_455 : memref<1x128x64xf32, #tpu.memory_space<vmem>> -> memref<128x64xf32, #tpu.memory_space<vmem>>
    %dma_wait3A_457 = arith.constant 0 : i32
    %dma_wait3A_458 = tpu.memref_slice %arg5[%dma_wait3A_450, %dma_wait3A_451, %dma_wait3A_457] : memref<5x2x128xi32, #tpu.memory_space<vmem>> -> memref<1x1x128xi32, #tpu.memory_space<vmem>>
    %dma_wait3A_459 = tpu.memref_squeeze %dma_wait3A_458 : memref<1x1x128xi32, #tpu.memory_space<vmem>> -> memref<128xi32, #tpu.memory_space<vmem>>
    %dma_wait3A_460 = arith.constant 0 : i32
    %dma_wait3A_461 = arith.constant 0 : i32
    %dma_wait3A_462 = tpu.memref_slice %arg8[%dma_wait3A_460, %dma_wait3A_461] : memref<10240x64xf32, #tpu.memory_space<vmem_shared>> -> memref<10240x64xf32, #tpu.memory_space<vmem_shared>>
    %dma_wait3A_463 = tpu.memref_slice %arg11[%dma_wait3A_452] : memref<5x!tpu.dma_semaphore, #tpu.memory_space<semaphore_mem>> -> memref<1x!tpu.dma_semaphore, #tpu.memory_space<semaphore_mem>>
    %dma_wait3A_464 = tpu.memref_squeeze %dma_wait3A_463 : memref<1x!tpu.dma_semaphore, #tpu.memory_space<semaphore_mem>> -> memref<!tpu.dma_semaphore, #tpu.memory_space<semaphore_mem>>
    tpu.wait_indirect_dma semaphore(%dma_wait3A_464 : memref<!tpu.dma_semaphore, #tpu.memory_space<semaphore_mem>>) src(%dma_wait3A_456 : memref<128x64xf32, #tpu.memory_space<vmem>>) dst(%dma_wait3A_462 : memref<10240x64xf32, #tpu.memory_space<vmem_shared>>)
    %dma_wait3A_465 = arith.constant 1 : i32
    %dma_wait3A_466 = arith.constant 1 : i32
    %dma_wait3A_467 = arith.constant 1 : i32
    %dma_wait3A_468 = arith.constant 1 : i32
    %dma_wait3A_469 = arith.constant 0 : i32
    %dma_wait3A_470 = arith.constant 0 : i32
    %dma_wait3A_471 = tpu.memref_slice %arg6[%dma_wait3A_465, %dma_wait3A_469, %dma_wait3A_470] : memref<5x128x64xf32, #tpu.memory_space<vmem>> -> memref<1x128x64xf32, #tpu.memory_space<vmem>>
    %dma_wait3A_472 = tpu.memref_squeeze %dma_wait3A_471 : memref<1x128x64xf32, #tpu.memory_space<vmem>> -> memref<128x64xf32, #tpu.memory_space<vmem>>
    %dma_wait3A_473 = arith.constant 0 : i32
    %dma_wait3A_474 = tpu.memref_slice %arg5[%dma_wait3A_466, %dma_wait3A_467, %dma_wait3A_473] : memref<5x2x128xi32, #tpu.memory_space<vmem>> -> memref<1x1x128xi32, #tpu.memory_space<vmem>>
    %dma_wait3A_475 = tpu.memref_squeeze %dma_wait3A_474 : memref<1x1x128xi32, #tpu.memory_space<vmem>> -> memref<128xi32, #tpu.memory_space<vmem>>
    %dma_wait3A_476 = arith.constant 0 : i32
    %dma_wait3A_477 = arith.constant 0 : i32
    %dma_wait3A_478 = tpu.memref_slice %arg8[%dma_wait3A_476, %dma_wait3A_477] : memref<10240x64xf32, #tpu.memory_space<vmem_shared>> -> memref<10240x64xf32, #tpu.memory_space<vmem_shared>>
    %dma_wait3A_479 = tpu.memref_slice %arg11[%dma_wait3A_468] : memref<5x!tpu.dma_semaphore, #tpu.memory_space<semaphore_mem>> -> memref<1x!tpu.dma_semaphore, #tpu.memory_space<semaphore_mem>>
    %dma_wait3A_480 = tpu.memref_squeeze %dma_wait3A_479 : memref<1x!tpu.dma_semaphore, #tpu.memory_space<semaphore_mem>> -> memref<!tpu.dma_semaphore, #tpu.memory_space<semaphore_mem>>
    tpu.wait_indirect_dma semaphore(%dma_wait3A_480 : memref<!tpu.dma_semaphore, #tpu.memory_space<semaphore_mem>>) src(%dma_wait3A_472 : memref<128x64xf32, #tpu.memory_space<vmem>>) dst(%dma_wait3A_478 : memref<10240x64xf32, #tpu.memory_space<vmem_shared>>)
    %barrier3A_481 = arith.constant 0 : index
    tpu.barrier barrier_id(%barrier3A_481)
    %lt3A = arith.constant 15 : i32
    %lt3A_482 = arith.cmpi slt, %arg1, %lt3A : i32
    %convert_element_type3A = arith.extui %lt3A_482 : i1 to i32
    %cond3A = arith.constant 0 : i32
    %cond3A_483 = arith.cmpi ne, %convert_element_type3A, %cond3A : i32
    scf.if %cond3A_483 {
      %mul3A_488 = arith.constant 64 : i32
      %mul3A_489 = arith.muli %arg0, %mul3A_488 : i32
      "tpu.region"() ({
        %run_scoped3A_490 = tpu.sem_alloc : memref<!tpu.dma_semaphore, #tpu.memory_space<semaphore_mem>>
        %dma_start3A_491 = tpu.memref_slice %arg4[%mul3A_15, %mul3A_489] : memref<10000x128xf32, #tpu.memory_space<hbm>> -> memref<640x64xf32, #tpu.memory_space<hbm>>
        %dma_start3A_492 = arith.constant 0 : i32
        %dma_start3A_493 = tpu.memref_slice %arg8[%mul3A_15, %dma_start3A_492] : memref<10240x64xf32, #tpu.memory_space<vmem_shared>> -> memref<640x64xf32, #tpu.memory_space<vmem_shared>>
        tpu.enqueue_dma source(%dma_start3A_493 : memref<640x64xf32, #tpu.memory_space<vmem_shared>>) target(%dma_start3A_491 : memref<640x64xf32, #tpu.memory_space<hbm>>) target_semaphore(%run_scoped3A_490 : memref<!tpu.dma_semaphore, #tpu.memory_space<semaphore_mem>>)
        %dma_wait3A_494 = tpu.memref_slice %arg4[%mul3A_15, %mul3A_489] : memref<10000x128xf32, #tpu.memory_space<hbm>> -> memref<640x64xf32, #tpu.memory_space<hbm>>
        %dma_wait3A_495 = arith.constant 0 : i32
        %dma_wait3A_496 = tpu.memref_slice %arg8[%mul3A_15, %dma_wait3A_495] : memref<10240x64xf32, #tpu.memory_space<vmem_shared>> -> memref<640x64xf32, #tpu.memory_space<vmem_shared>>
        tpu.wait_dma2 semaphore(%run_scoped3A_490 : memref<!tpu.dma_semaphore, #tpu.memory_space<semaphore_mem>>) src(%dma_wait3A_496 : memref<640x64xf32, #tpu.memory_space<vmem_shared>>) dst(%dma_wait3A_494 : memref<640x64xf32, #tpu.memory_space<hbm>>)
        tpu.yield
      }) : () -> ()
    } else {
    }
    %eq3A = arith.constant 15 : i32
    %eq3A_484 = arith.cmpi eq, %arg1, %eq3A : i32
    %convert_element_type3A_485 = arith.extui %eq3A_484 : i1 to i32
    %cond3A_486 = arith.constant 0 : i32
    %cond3A_487 = arith.cmpi ne, %convert_element_type3A_485, %cond3A_486 : i32
    scf.if %cond3A_487 {
      %mul3A_488 = arith.constant 64 : i32
      %mul3A_489 = arith.muli %arg0, %mul3A_488 : i32
      "tpu.region"() ({
        %run_scoped3A_490 = tpu.sem_alloc : memref<!tpu.dma_semaphore, #tpu.memory_space<semaphore_mem>>
        %dma_start3A_491 = arith.constant 9600 : i32
        %dma_start3A_492 = tpu.memref_slice %arg4[%dma_start3A_491, %mul3A_489] : memref<10000x128xf32, #tpu.memory_space<hbm>> -> memref<400x64xf32, #tpu.memory_space<hbm>>
        %dma_start3A_493 = arith.constant 9600 : i32
        %dma_start3A_494 = arith.constant 0 : i32
        %dma_start3A_495 = tpu.memref_slice %arg8[%dma_start3A_493, %dma_start3A_494] : memref<10240x64xf32, #tpu.memory_space<vmem_shared>> -> memref<400x64xf32, #tpu.memory_space<vmem_shared>>
        tpu.enqueue_dma source(%dma_start3A_495 : memref<400x64xf32, #tpu.memory_space<vmem_shared>>) target(%dma_start3A_492 : memref<400x64xf32, #tpu.memory_space<hbm>>) target_semaphore(%run_scoped3A_490 : memref<!tpu.dma_semaphore, #tpu.memory_space<semaphore_mem>>)
        %dma_wait3A_496 = arith.constant 9600 : i32
        %dma_wait3A_497 = tpu.memref_slice %arg4[%dma_wait3A_496, %mul3A_489] : memref<10000x128xf32, #tpu.memory_space<hbm>> -> memref<400x64xf32, #tpu.memory_space<hbm>>
        %dma_wait3A_498 = arith.constant 9600 : i32
        %dma_wait3A_499 = arith.constant 0 : i32
        %dma_wait3A_500 = tpu.memref_slice %arg8[%dma_wait3A_498, %dma_wait3A_499] : memref<10240x64xf32, #tpu.memory_space<vmem_shared>> -> memref<400x64xf32, #tpu.memory_space<vmem_shared>>
        tpu.wait_dma2 semaphore(%run_scoped3A_490 : memref<!tpu.dma_semaphore, #tpu.memory_space<semaphore_mem>>) src(%dma_wait3A_500 : memref<400x64xf32, #tpu.memory_space<vmem_shared>>) dst(%dma_wait3A_497 : memref<400x64xf32, #tpu.memory_space<hbm>>)
        tpu.yield
      }) : () -> ()
    } else {
    }
    return
  }
}

</mosaic_0001>

<sc_bundles>
// kernel: kernel.3.cloned.1.call-start
scs
__scs_entry_jumppad:
0x0: {  	(pc) =	sbr.rel $0x88, $3  }
0x1: {  	(tag) =	ssettag $0x0;
	lr =	simm.s32 $0x1  }
0x2: {  	[smem:$0x3F9F] =	sst lr;
	_ =	strace $0xD0000000  }
0x3: {  	_ = 	snop  }
0x4: {  	_ = 	snop  }
0x5: {  	_ = 	snop  }
0x6: {  	_ = 	snop  }
0x7: {  	_ = 	snop  }
__scs_overlays_trampoline_lowered:
0x8: {  	[smem:$0x3FAE] =	sst s0  }
0x9: {  	[smem:$0x3FAF] =	sst s1  }
0xa: {  	[smem:$0x3FB0] =	sst s2  }
0xb: {  	[smem:$0x3FB1] =	sst s3  }
0xc: {  	[smem:$0x3FB2] =	sst s4  }
0xd: {  	[smem:$0x3FB3] =	sst s5  }
0xe: {  	[smem:$0x3FB4] =	sst s6  }
0xf: {  	[smem:$0x3FB5] =	sst s7  }
0x10: {  	[smem:$0x3FB6] =	sst s8  }
0x11: {  	[smem:$0x3FB7] =	sst s9;
	s0 =	simm.s32 @!p0 $0x0  }
0x12: {  	s1 =	sld [smem:$0x3F9D];
	s0 =	simm.s32 @p0 $0x1  }
0x13: {  	[smem:$0x3FB8] =	sst s0;
	s0 =	simm.s32 @!p1 $0x0  }
0x14: {  	s2 =	sld [smem:$0x3F9C];
	s0 =	simm.s32 @p1 $0x1  }
0x15: {  	[smem:$0x3FB9] =	sst s0;
	s0 =	simm.s32 @!p2 $0x0  }
0x16: {  	s3 =	sld [smem:$0x3FDB];
	s0 =	simm.s32 @p2 $0x1  }
0x17: {  	s4 =	simm.s32 $0x1BF5;
	[smem:$0x3FBB] =	sst s0  }
0x18: {  	s0 =	sld [smem:$0x3F9E];
	_ =	swait.ge [sflag:s4], $0x0  }
0x19: {  	s7 =	sld [smem:$0x3F9F]  }
0x1a: {  	s8 =	sadd.s32 $0xFFFFE003, lr  }
0x1b: {  	s9 =	sadd.s32 $0xFFFFFEF7, lr;
	s5 =	simm.s32 $0xFFFFFFFF;
	p2 =	slt.u32 s8, $0xFFFFF086  }
0x1c: {  	p1 =	slt.u32 s9, $0xF7A;
	s5 =	simm.s32 @!p2 $0x0  }
0x1d: {  	s5 =	simm.s32 @p1 $0x1;
	p0 =	seq.s32 s7, s2  }
0x1e: {  	s7 =	smul.u32 @!p0 $0xF7A, s2;
	p2 =	seq.s32 @!p0 s5, $0x0  }
0x1f: {  	s9 =	smul.u32 $0xF7A, s1;
	s8 =	simm.s32 @!p0 $0x1BF5;
	p2 =	por !p2, p0  }
0x20: {  	[sflag:s8] =	ssyncset.s32 @!p0 $0xFFFFF086;
	s6 =	sadd.s32 @!p0 s3, s7;
	s7 =	simm.s32 @!p0 $0x108  }
0x21: {  	s3 =	sadd.s32 s3, s9;
	s6 =	sadd.s32 @!p0 $0x88, s6;
	s7 =	simm.s32 @p2 $0x1082  }
0x22: {  	[simem:s7], [sflag:s8] =	dma.local @!p0 [hbm:s6], $0xF7A  }
0x23: {  	s9 =	sor.u32 $0xD0000000, s2;
	s6 =	simm.s32 $0x108;
	_ =	swait.ge @!p0 [sflag:s8], $0x0  }
0x24: {  	s3 =	sadd.s32 $0x88, s3;
	s6 =	simm.s32 @!p1 $0x1082;
	[sflag:s4] =	ssyncset.s32 $0xFFFFF086  }
0x25: {  	[simem:s6], [sflag:s4] =	dma.local [hbm:s3], $0xF7A  }
0x26: {  	[smem:$0x3F9F] =	sst s1;
	(tag) =	ssettag s2;
	_ =	strace s9  }
0x27: {  	s1 =	sld [smem:$0x3FAF]  }
0x28: {  	s2 =	sld [smem:$0x3FB0]  }
0x29: {  	s4 =	sld [smem:$0x3FB2]  }
0x2a: {  	p0 =	seq.s32 s5, $0x0;
	s5 =	sld [smem:$0x3FB3]  }
0x2b: {  	s6 =	sld [smem:$0x3FB4]  }
0x2c: {  	s7 =	sld [smem:$0x3FB5]  }
0x2d: {  	s3 =	simm.s32 $0x108;
	s8 =	sld [smem:$0x3FB6]  }
0x2e: {  	s3 =	simm.s32 @!p0 $0x1082;
	s9 =	sld [smem:$0x3FB7]  }
0x2f: {  	lr =	sadd.s32 s0, s3;
	s0 =	sld [smem:$0x3FAE]  }
0x30: {  	s3 =	sld [smem:$0x3FB1]  }
0x31: {  	[smem:$0x3FBA] =	sst s10  }
0x32: {  	s10 =	sld [smem:$0x3FB8];
	_ =	sdelay $0x3  }
0x33: {  	p0 =	seq.s32 s10, $0x1;
	s10 =	sld [smem:$0x3FBA];
	_ =	sdelay $0x3  }
0x34: {  	[smem:$0x3FBA] =	sst s10  }
0x35: {  	s10 =	sld [smem:$0x3FB9];
	_ =	sdelay $0x3  }
0x36: {  	p1 =	seq.s32 s10, $0x1;
	s10 =	sld [smem:$0x3FBA];
	_ =	sdelay $0x3  }
0x37: {  	[smem:$0x3FBA] =	sst s10  }
0x38: {  	s10 =	sld [smem:$0x3FBB]  }
0x39: {  	_ = 	snop;
	(pc) =	sbr.ind lr, $3  }
0x3a: {  	_ = 	snop  }
0x3b: {  	_ = 	snop  }
0x3c: {  	p2 =	seq.s32 s10, $0x1;
	s10 =	sld [smem:$0x3FBA]  }
0x3d: {  	_ =	shalt  }
0x3e: {  	_ =	shalt  }
0x3f: {  	_ =	shalt  }
0x40: {  	_ =	shalt  }
0x41: {  	_ =	shalt  }
0x42: {  	_ =	shalt  }
0x43: {  	_ =	shalt  }
0x44: {  	_ =	shalt  }
0x45: {  	_ =	shalt  }
0x46: {  	_ =	shalt  }
0x47: {  	_ =	shalt  }
0x48: {  	_ =	shalt  }
0x49: {  	_ =	shalt  }
0x4a: {  	_ =	shalt  }
0x4b: {  	_ =	shalt  }
0x4c: {  	_ =	shalt  }
0x4d: {  	_ =	shalt  }
0x4e: {  	_ =	shalt  }
0x4f: {  	_ =	shalt  }
0x50: {  	_ =	shalt  }
0x51: {  	_ =	shalt  }
0x52: {  	_ =	shalt  }
0x53: {  	_ =	shalt  }
0x54: {  	_ =	shalt  }
0x55: {  	_ =	shalt  }
0x56: {  	_ =	shalt  }
0x57: {  	_ =	shalt  }
0x58: {  	_ =	shalt  }
0x59: {  	_ =	shalt  }
0x5a: {  	_ =	shalt  }
0x5b: {  	_ =	shalt  }
0x5c: {  	_ =	shalt  }
0x5d: {  	_ =	shalt  }
0x5e: {  	_ =	shalt  }
0x5f: {  	_ =	shalt  }
0x60: {  	_ =	shalt  }
0x61: {  	_ =	shalt  }
0x62: {  	_ =	shalt  }
0x63: {  	_ =	shalt  }
0x64: {  	_ =	shalt  }
0x65: {  	_ =	shalt  }
0x66: {  	_ =	shalt  }
0x67: {  	_ =	shalt  }
0x68: {  	_ =	shalt  }
0x69: {  	_ =	shalt  }
0x6a: {  	_ =	shalt  }
0x6b: {  	_ =	shalt  }
0x6c: {  	_ =	shalt  }
0x6d: {  	_ =	shalt  }
0x6e: {  	_ =	shalt  }
0x6f: {  	_ =	shalt  }
0x70: {  	_ =	shalt  }
0x71: {  	_ =	shalt  }
0x72: {  	_ =	shalt  }
0x73: {  	_ =	shalt  }
0x74: {  	_ =	shalt  }
0x75: {  	_ =	shalt  }
0x76: {  	_ =	shalt  }
0x77: {  	_ =	shalt  }
0x78: {  	_ =	shalt  }
0x79: {  	_ =	shalt  }
0x7a: {  	_ =	shalt  }
0x7b: {  	_ =	shalt  }
0x7c: {  	_ =	shalt  }
0x7d: {  	_ =	shalt  }
0x7e: {  	_ =	shalt  }
0x7f: {  	_ =	shalt  }
0x80: {  	_ =	shalt  }
0x81: {  	_ =	shalt  }
0x82: {  	_ =	shalt  }
0x83: {  	_ =	shalt  }
0x84: {  	_ =	shalt  }
0x85: {  	_ =	shalt  }
0x86: {  	_ =	shalt  }
0x87: {  	_ =	shalt  }
.Lfunc_end0:
.L_simem_size_0:
called_computation_lowered:
.L_overlay_start_0:
0x88: {  	s2 =	sld [smem:$0x3FD9]  }
0x89: {  	s3 =	sld [smem:$0x3FFE];
	_ =	sdelay $0x1  }
0x8a: {  	s1 =	srdreg.scid  }
0x8b: {  	s0 =	sand.u32 $0x1, s1  }
0x8c: {  	s17 =	sshll.u32 s0, $0xA;
	s2 =	sadd.s32 s3, s2  }
0x8d: {  	s2 =	sadd.s32 s2, s17  }
0x8e: {  	[smem:$0x3FC6] =	sst s2  }
0x8f: {  	_ = 	snop  }
0x90: {  	s2 =	sld [smem:$0x3FC9]  }
0x91: {  	s18 =	sld [smem:$0x3FD0];
	(tm) =	ssettm $0x1  }
0x92: {  	s4 =	sld [smem:$0x3FFB];
	_ =	sdelay $0x3  }
0x93: {  	_ =	strace s4  }
0x94: {  	s4 =	sld [smem:$0x3FFC];
	_ =	sdelay $0x3  }
0x95: {  	_ =	strace s4  }
0x96: {  	s4 =	sld [smem:$0x3FFD];
	_ =	sdelay $0x3  }
0x97: {  	_ =	strace s4  }
0x98: {  	_ =	strace $0x8FFFFFFF  }
0x99: {  	s19 =	sld [smem:$0x3FDB];
	_ =	sdelay $0x1  }
0x9a: {  	s5 =	simm.s32 $_scs_section_size  }
0x9b: {  	s6 =	simm.s32 $_size__tile_overlayer_lowered;
	s7 =	simm.s32 $_tile_overlayer_lowered  }
0x9c: {  	s22 =	simm.s32 $0x1BFF;
	s21 =	sshll.u32 s7, $0x1;
	s4 =	sadd.s32 s5, s19  }
0x9d: {  	s8 =	simm.s32 $0x0;
	s20 =	sshll.u32 s6, $0x1;
	s6 =	sadd.s32 s21, s4  }
0x9e: {  	[timem:s8], [sflag:s22] =	dma.local [hbm:s6], s20  }
0x9f: {  	_ =	swait.ge [sflag:s22], s20  }
0xa0: {  	s5 =	ssub.s32 $0x0, s20;
	[sflag:s22] =	ssyncset.done $0x0  }
0xa1: {  	[sflag:s22] =	ssyncadd.s32 s5;
	_ =	sdelay $0x1  }
0xa2: {  	s23 =	simm.s32 $0x1B8B  }
0xa3: {  	_ =	swait.ge [sflag:s23], $0x1  }
0xa4: {  	[sflag:s23] =	ssyncset.done $0x0  }
0xa5: {  	s25 =	simm.s32 $0x1B8E;
	s24 =	sld [smem:$0x3FFE];
	[sflag:s23] =	ssyncadd.s32 $0xFFFFFFFF  }
0xa6: {  	s26 =	simm.s32 $execute0_lowered;
	[smem:$0x3FD2] =	sst s25  }
0xa7: {  	s6 =	sshll.u32 s26, $0x1;
	_ =	strace $0x80000046;
	[dreg:$0x1] =	wrdreg $0xFFFFFFFF  }
0xa8: {  	s28 =	simm.s32 $_size_execute0_lowered;
	s4 =	sadd.s32 s4, s6;
	[dreg:$0x0] =	wrdreg $0x0  }
0xa9: {  	s6 =	sshll.u32 s28, $0x1;
	[dreg:$0x2] =	wrdreg s4  }
0xaa: {  	[dreg:$0x3] =	wrdreg s6  }
0xab: {  	[dreg:$0x4] =	wrdreg $0xC0  }
0xac: {  	_ =	task [dreg:s8], $0x5FFFF  }
0xad: {  	[dreg:$0x1] =	wrdreg $0xFFFFFFFF  }
0xae: {  	[dreg:$0x0] =	wrdreg $0x60  }
0xaf: {  	[dreg:$0x2] =	wrdreg s2  }
0xb0: {  	[dreg:$0x3] =	wrdreg s24  }
0xb1: {  	[dreg:$0x4] =	wrdreg s18  }
0xb2: {  	[dreg:$0x5] =	wrdreg $0xA5000  }
0xb3: {  	[dreg:$0x6] =	wrdreg $0x145000  }
0xb4: {  	[dreg:$0x7] =	wrdreg $0x9  }
0xb5: {  	_ =	task.clear_ibuf [dreg:s8], $0x8FFFF;
	_ =	strace $0x90000046  }
0xb6: {  	s29 =	simm.s32 $0x9;
	_ =	strace $0x80000048  }
0xb7: {  	_ =	swait.ge [sflag:s29], $0x1  }
0xb8: {  	[sflag:s29] =	ssyncadd.s32 $0xFFFFFFFF  }
0xb9: {  	_ =	strace $0x90000048  }
0xba: {  	_ =	sfence  }
0xbb: {  	s30 =	sld [smem:$0x0];
	_ =	sdelay $0x2  }
0xbc: {  	s31 =	sshll.u32 s1, $0xD;
	s1 =	sshrl.u32 s1, $0x2  }
0xbd: {  	s3 =	sand.u32 $0x4000, s31;
	s1 =	sadd.s32 s1, s30  }
0xbe: {  	s0 =	sor.u32 s3, s0;
	s1 =	sshll.u32 s1, $0x11  }
0xbf: {  	s0 =	sor.u32 s1, s0  }
0xc0: {  	s0 =	sadd.s32 $0x8F2B, s0  }
0xc1: {  	[sflag:s0] =	ssyncadd.remote.s32 $0x1  }
0xc2: {  	_ =	sfence.sel $0xFFFF  }
0xc3: {  	[dreg:$0x0] =	wrdreg $0xFFFFFFFF;
	(pc) =	sbr.abs _section_cstart, $3  }
0xc4: {  	[dreg:$0x1] =	wrdreg $0xFFFFFFFF  }
0xc5: {  	_ =	task.clear_ibuf [dreg:s8], $0x2FFFF;
	_ =	strace $0x9FFFFFFF  }
0xc6: {  	(tm) =	ssettm $0x7FFFFFFF  }
0xc7: {  	_ =	shalt  }
tec
execute0_lowered:
.L_overlay_start_1:
0x0: {  	(tag) =	ssettag $0x1  }
0x1: {  	s0 =	rddreg [dreg:$0x0]  }
0x2: {  	s2 =	rddreg [dreg:$0x1]  }
0x3: {  	s6 =	rddreg [dreg:$0x2]  }
0x4: {  	s1 =	rddreg [dreg:$0x3]  }
0x5: {  	s3 =	rddreg [dreg:$0x4]  }
0x6: {  	s4 =	simm.s32 $0x0;
	s5 =	srdreg.scid;
	s14 =	stileid.u32  }
0x7: {  	s29 =	simm.s32 $0x180;
	s28 =	simm.s32 $0x3;
	s8 =	smul.u32 $0x13880, s14  }
0x8: {  	s30 =	simm.s32 $0x7;
	s31 =	simm.s32 $0x4;
	s10 =	smul.u32 $0x27100, s14  }
0x9: {  	[smem:$0x7FF] =	sst s4;
	s7 =	sand.u32 $0x1, s5;
	s12 =	smul.u32 $0x28000, s14  }
0xa: {  	s15 =	sshll.u32 s14, $0x6;
	_ =	strace $0x80000047;
	s11 =	sshll.u32 s7, $0x6  }
0xb: {  	s16 =	sor.u32 $0x1C06, s15;
	s8 =	sor.u32 s11, s8;
	s12 =	sshrl.u32 s12, $0x2  }
0xc: {  	[dreg:$0x7] =	wrdreg s16;
	s8 =	sshrl.u32 s8, $0x3;
	s23 =	sadd.s32 s12, s3  }
0xd: {  	s5 =	sadd.s32 $0x400, s2;
	s0 =	sadd.s32 s0, s8;
	[dreg:$0x8] =	wrdreg s23  }
0xe: {  	s9 =	ssub.s32 $0x2, s7;
	s17 =	sadd.s32 $0x2000, s23;
	[dreg:$0x6] =	wrdreg s0  }
0xf: {  	s13 =	sshrl.u32 s9, $0x1;
	s18 =	sadd.s32 $0x4000, s23;
	[dreg:$0x9] =	wrdreg s17  }
0x10: {  	s2 =	ssub.s32 s9, s13;
	s20 =	sadd.s32 $0x6000, s23;
	[dreg:$0xa] =	wrdreg s18  }
0x11: {  	s13 =	smul.u32 $0x4E20, s14;
	s21 =	sadd.s32 $0x8000, s23;
	[dreg:$0xb] =	wrdreg s20  }
0x12: {  	s7 =	sshll.u32 s7, $0x3;
	s2 =	smax.u32 s2, $0x1;
	[dreg:$0xc] =	wrdreg s21  }
0x13: {  	s10 =	sshrl.u32 s10, $0x2;
	s26 =	sadd.s32 $0x280, s13;
	[dreg:$0x16] =	wrdreg s2  }
0x14: {  	s7 =	sadd.s32 s7, s6;
	s12 =	sadd.s32 $0x300, s13;
	[dreg:$0x11] =	wrdreg s26  }
0x15: {  	s16 =	smul.u32 $0x9C4, s14;
	s15 =	sadd.s32 $0x380, s13;
	[dreg:$0x12] =	wrdreg s12  }
0x16: {  	s9 =	sadd.s32 s10, s1;
	s17 =	sadd.s32 $0x25800, s7;
	[dreg:$0x13] =	wrdreg s15  }
0x17: {  	s19 =	sshrl.u32 s13, $0x3;
	s18 =	sadd.s32 s16, s5;
	[dreg:$0x15] =	wrdreg s17  }
0x18: {  	s10 =	sadd.s32 s5, s19;
	[dreg:$0x17] =	wrdreg s18;
	s19 =	sshrl.u32 s9, $0x3  }
0x19: {  	s24 =	smul.u32 $0x14000, s14;
	p0 =	seq.s32 s14, $0xF;
	[dreg:$0x18] =	wrdreg s19  }
0x1a: {  	s8 =	simm.s32 $0x5;
	s0 =	sadd.s32 $0x9C40, s10;
	[dreg:$0xd] =	wrdreg s10  }
0x1b: {  	s2 =	simm.s32 $0x1;
	s22 =	sadd.s32 $0x10, s10;
	[dreg:$0xe] =	wrdreg s0  }
0x1c: {  	s13 =	simm.s32 $0xB;
	s25 =	sadd.s32 $0x9C50, s10;
	[dreg:$0xf] =	wrdreg s22  }
0x1d: {  	s9 =	simm.s32 $0x500;
	s20 =	sadd.s32 $0x20, s10;
	[dreg:$0x10] =	wrdreg s25  }
0x1e: {  	s12 =	simm.s32 $0x200;
	s21 =	sadd.s32 $0x9C60, s10;
	[dreg:$0x1a] =	wrdreg s20  }
0x1f: {  	s26 =	sadd.s32 $0x9C80, s10;
	s0 =	sor.u32 s11, s24;
	[dreg:$0x1b] =	wrdreg s21  }
0x20: {  	s22 =	sadd.s32 $0x30, s10;
	s24 =	sadd.s32 $0x9C70, s10;
	s25 =	sadd.s32 $0x40, s10  }
0x21: {  	[dreg:$0x1f] =	wrdreg s26;
	s10 =	simm.s32 $0x6;
	s11 =	simm.s32 $0x80  }
0x22: {  	s26 =	simm.s32 $0x2500;
	s20 =	simm.s32 $0x9;
	[dreg:$0x1c] =	wrdreg s22  }
.Ltmp0:
0x23: {  	s0 =	sshrl.u32 s0, $0x3;
	[dreg:$0x1d] =	wrdreg s24;
	(pc) =	sbr.rel .LBB2_1-.Ltmp0, $4  }
0x24: {  	s21 =	simm.s32 $0xC;
	[dreg:$0x1e] =	wrdreg s25;
	s0 =	sadd.s32 s6, s0  }
0x25: {  	s25 =	simm.s32 $0x2;
	[dreg:$0x14] =	wrdreg s0;
	s0 =	sadd.s32 $0x96000, s3  }
0x26: {  	s22 =	simm.s32 $0xA;
	s24 =	simm.s32 $0xD;
	s0 =	sshrl.u32 @p0 s0, $0x3  }
0x27: {  	v0 =	vimm.f32 $0.0e+00;
	v1 =	vimm.s32 $0x0;
	v2 =	vimm.s32 $0x2710;
	s6 =	simm.s32 $0x8;
	[dreg:$0x19] =	wrdreg s0;
	s0 =	simm.s32 $0x0  }
.LBB2_6:
0x28: {  	_ =	swait.ge [sflag:s25], $0x80  }
0x29: {  	[sflag:s25] =	ssyncset.done $0x0  }
0x2a: {  	[sflag:s25] =	ssyncadd.s32 $0xFFFFFF80  }
0x2b: {  	_ =	swait.ge [sflag:s25], $0x80  }
0x2c: {  	[sflag:s25] =	ssyncset.done $0x0  }
0x2d: {  	[sflag:s25] =	ssyncadd.s32 $0xFFFFFF80  }
0x2e: {  	[tilespmem:$0x100] =	vst v1  }
0x2f: {  	[tilespmem:$0x180] =	vst v2  }
0x30: {  	[tilespmem:$0x110] =	vst v1  }
0x31: {  	[tilespmem:$0x190] =	vst v2  }
0x32: {  	[tilespmem:$0x120] =	vst v1  }
0x33: {  	[tilespmem:$0x1A0] =	vst v2  }
0x34: {  	[tilespmem:$0x130] =	vst v1  }
0x35: {  	[tilespmem:$0x1B0] =	vst v2  }
0x36: {  	[tilespmem:$0x140] =	vst v1  }
0x37: {  	[tilespmem:$0x1C0] =	vst v2  }
0x38: {  	[tilespmem:$0x150] =	vst v1  }
0x39: {  	[tilespmem:$0x1D0] =	vst v2  }
0x3a: {  	[tilespmem:s26], [sflag:$0x7] =	stream.indirect.gather [spmem:s1], $0x40, s14, s11, $0xb8;
	[tilespmem:$0x1E500] =	vst v63  }
0x3b: {  	_ =	swait.ge [sflag:s10], $0x2000  }
0x3c: {  	[sflag:s10] =	ssyncset.done $0x0  }
0x3d: {  	[sflag:s10] =	ssyncadd.s32 $0xFFFFE000  }
0x3e: {  	[spmem:s3] =	stream.indirect.scatter.add.f32 [tilespmem:s9], [sflag:$0xB], $0x40, s11, s11, $0xb8;
	[tilespmem:$0x1E500] =	vst v63  }
0x3f: {  	_ =	swait.ge [sflag:s30], $0x2000  }
0x40: {  	[sflag:s30] =	ssyncset.done $0x0  }
0x41: {  	s0 =	simm.s32 $0xE;
	[sflag:s30] =	ssyncadd.s32 $0xFFFFE000  }
0x42: {  	[spmem:s3] =	stream.indirect.scatter.add.f32 [tilespmem:s26], [sflag:$0xC], $0x40, s29, s11, $0xb8;
	[tilespmem:$0x1E500] =	vst v63  }
0x43: {  	_ =	swait.ge [sflag:s0], $0x2000  }
0x44: {  	[sflag:s0] =	ssyncset.done $0x0  }
0x45: {  	s16 =	simm.s32 $0xF;
	[sflag:s0] =	ssyncadd.s32 $0xFFFFE000  }
0x46: {  	_ =	swait.ge [sflag:s16], $0x2000  }
0x47: {  	[sflag:s16] =	ssyncset.done $0x0  }
0x48: {  	[sflag:s16] =	ssyncadd.s32 $0xFFFFE000  }
0x49: {  	_ =	swait.ge [sflag:s13], $0x2000  }
0x4a: {  	[sflag:s13] =	ssyncset.done $0x0  }
0x4b: {  	[sflag:s13] =	ssyncadd.s32 $0xFFFFE000  }
0x4c: {  	_ =	swait.ge [sflag:s21], $0x2000  }
0x4d: {  	[sflag:s21] =	ssyncset.done $0x0  }
0x4e: {  	[sflag:s21] =	ssyncadd.s32 $0xFFFFE000  }
0x4f: {  	[bflag:$0x0] =	sbarrier.arrive $0xFFFF  }
0x50: {  	s15 =	simm.s32 @p0 $0x1;
	s17 =	simm.s32 @p0 $0x8;
	s19 =	rddreg [dreg:$0x15]  }
0x51: {  	s18 =	simm.s32 @p0 $0x1FD0;
	s16 =	simm.s32 @p0 $0x10;
	s23 =	rddreg [dreg:$0x19]  }
0x52: {  	[hbm:s19@s16], [sflag:s18] =	dma.strided @p0 [spmem:s23@s17], $0xC80, s15, $0x8   }
0x53: {  	s0 =	simm.s32 @!p0 $0x1;
	s15 =	stileid.u32;
	s18 =	simm.s32 @!p0 $0x10  }
0x54: {  	s19 =	simm.s32 @!p0 $0x8;
	_ =	swait.ge @p0 [sflag:s16], $0xC80;
	s15 =	sshll.u32 @!p0 s15, $0x6  }
0x55: {  	[sflag:s16] =	ssyncset.done @p0 $0x0;
	s15 =	sor.u32 @!p0 $0x1C10, s15;
	s23 =	rddreg [dreg:$0x8]  }
0x56: {  	s17 =	rddreg [dreg:$0x14];
	[sflag:s16] =	ssyncadd.s32 @p0 $0xFFFFF380;
	s16 =	sshrl.u32 @!p0 s23, $0x3  }
0x57: {  	[hbm:s17@s18], [sflag:s15] =	dma.strided @!p0 [spmem:s16@s19], $0x1400, s0, $0x8   }
0x58: {  	_ =	swait.ge @!p0 [sflag:s18], $0x1400  }
0x59: {  	s17 =	sld [smem:$0x7FD];
	_ =	sdelay $0x2  }
0x5a: {  	s19 =	rddreg [dreg:$0x16];
	s0 =	sadd.s32 $0x1, s17  }
0x5b: {  	p1 =	sne.s32 s0, s19  }
.Ltmp1:
0x5c: {  	_ = 	snop;
	(pc) =	sbr.rel @!p1 .LBB2_7-.Ltmp1, $3  }
0x5d: {  	_ =	sdelay $0x1  }
0x5e: {  	[sflag:s18] =	ssyncset.done @!p0 $0x0  }
0x5f: {  	[sflag:s18] =	ssyncadd.s32 @!p0 $0xFFFFEC00  }
.LBB2_1:
0x60: {  	[smem:$0x7FD] =	sst s0  }
0x61: {  	s15 =	rddreg [dreg:$0x6]  }
0x62: {  	s16 =	rddreg [dreg:$0x7]  }
0x63: {  	s17 =	rddreg [dreg:$0x18];
	s18 =	simm.s32 $0x10  }
0x64: {  	[spmem:s17@s6], [sflag:s16] =	dma.strided [hbm:s15@s18], $0x1388, s2, $0x8   }
0x65: {  	s18 =	simm.s32 $0x100;
	s17 =	simm.s32 $0x0  }
.LBB2_2:
0x66: {  	p1 =	sne.s32 s18, $0x7F00;
	[tilespmem:s17+$0x530] =	vst v0;
	s19 =	smov.u32 s18;
	s18 =	sadd.s32 $0x100, s18  }
.Ltmp2:
0x67: {  	[tilespmem:s17+$0x520] =	vst v0;
	(pc) =	sbr.rel @p1 .LBB2_2-.Ltmp2, $3  }
0x68: {  	[tilespmem:s17+$0x500] =	vst v0  }
0x69: {  	[tilespmem:s17+$0x510] =	vst v0;
	_ =	sdelay $0x1  }
0x6a: {  	s17 =	sshra.s32 s19, $0x2  }
0x6b: {  	[tilespmem:s17+$0x530] =	vst v0  }
0x6c: {  	[tilespmem:s17+$0x520] =	vst v0  }
0x6d: {  	[tilespmem:s17+$0x500] =	vst v0  }
0x6e: {  	[tilespmem:s17+$0x510] =	vst v0;
	s16 =	simm.s32 $0x10  }
0x6f: {  	[spmem:s23] =	stream.linear.scatter [tilespmem:s9], [sflag:$0x10], $0x2000, $0x38;
	[tilespmem:$0x1E500] =	vst v63  }
0x70: {  	_ =	swait.ge [sflag:s16], $0x2000  }
0x71: {  	[sflag:s16] =	ssyncset.done $0x0  }
0x72: {  	s15 =	rddreg [dreg:$0x9];
	[sflag:s16] =	ssyncadd.s32 $0xFFFFE000  }
0x73: {  	[spmem:s15] =	stream.linear.scatter [tilespmem:s9], [sflag:$0x10], $0x2000, $0x38;
	[tilespmem:$0x1E500] =	vst v63  }
0x74: {  	_ =	swait.ge [sflag:s16], $0x2000  }
0x75: {  	[sflag:s16] =	ssyncset.done $0x0  }
0x76: {  	s17 =	rddreg [dreg:$0xa];
	[sflag:s16] =	ssyncadd.s32 $0xFFFFE000  }
0x77: {  	[spmem:s17] =	stream.linear.scatter [tilespmem:s9], [sflag:$0x10], $0x2000, $0x38;
	[tilespmem:$0x1E500] =	vst v63  }
0x78: {  	_ =	swait.ge [sflag:s16], $0x2000  }
0x79: {  	[sflag:s16] =	ssyncset.done $0x0  }
0x7a: {  	s18 =	rddreg [dreg:$0xb];
	[sflag:s16] =	ssyncadd.s32 $0xFFFFE000  }
0x7b: {  	[spmem:s18] =	stream.linear.scatter [tilespmem:s9], [sflag:$0x10], $0x2000, $0x38;
	[tilespmem:$0x1E500] =	vst v63  }
0x7c: {  	_ =	swait.ge [sflag:s16], $0x2000  }
0x7d: {  	[sflag:s16] =	ssyncset.done $0x0  }
0x7e: {  	s19 =	rddreg [dreg:$0xc];
	[sflag:s16] =	ssyncadd.s32 $0xFFFFE000  }
0x7f: {  	[spmem:s19] =	stream.linear.scatter [tilespmem:s9], [sflag:$0x10], $0x2000, $0x38;
	[tilespmem:$0x1E500] =	vst v63  }
0x80: {  	_ =	swait.ge [sflag:s16], $0x2000  }
0x81: {  	[sflag:s16] =	ssyncset.done $0x0  }
0x82: {  	[sflag:s16] =	ssyncadd.s32 $0xFFFFE000  }
0x83: {  	_ =	swait.ge [sflag:s10], $0x1388  }
0x84: {  	[sflag:s10] =	ssyncset.done $0x0  }
0x85: {  	[sflag:s10] =	ssyncadd.s32 $0xFFFFEC78  }
0x86: {  	[bflag:$0x0] =	sbarrier.arrive $0xFFFF  }
0x87: {  	s18 =	simm.s32 $0x0;
	s23 =	rddreg [dreg:$0xd]  }
0x88: {  	[tilespmem:s18], [sflag:$0x1] =	stream.linear.gather [hbm4b:s23+s18], $0x80, $0x38;
	[tilespmem:$0x1E500] =	vst v63  }
0x89: {  	s0 =	rddreg [dreg:$0xe]  }
0x8a: {  	[tilespmem:s11], [sflag:$0x1] =	stream.linear.gather [hbm4b:s0+s18], $0x80, $0x38;
	[tilespmem:$0x1E500] =	vst v63  }
0x8b: {  	s14 =	simm.s32 $0x100;
	s7 =	rddreg [dreg:$0xf]  }
0x8c: {  	[tilespmem:s14], [sflag:$0x2] =	stream.linear.gather [hbm4b:s7+s18], $0x80, $0x38;
	[tilespmem:$0x1E500] =	vst v63  }
0x8d: {  	s16 =	rddreg [dreg:$0x10]  }
0x8e: {  	[tilespmem:s29], [sflag:$0x2] =	stream.linear.gather [hbm4b:s16+s18], $0x80, $0x38;
	[tilespmem:$0x1E500] =	vst v63  }
0x8f: {  	s17 =	rddreg [dreg:$0x1a]  }
0x90: {  	[tilespmem:s12], [sflag:$0x3] =	stream.linear.gather [hbm4b:s17+s18], $0x80, $0x38;
	[tilespmem:$0x1E500] =	vst v63  }
0x91: {  	s19 =	rddreg [dreg:$0x1b];
	s29 =	simm.s32 $0x280  }
0x92: {  	[tilespmem:s29], [sflag:$0x3] =	stream.linear.gather [hbm4b:s19+s18], $0x80, $0x38;
	[tilespmem:$0x1E500] =	vst v63  }
0x93: {  	s23 =	rddreg [dreg:$0x1c];
	s0 =	simm.s32 $0x300  }
0x94: {  	[tilespmem:s0], [sflag:$0x4] =	stream.linear.gather [hbm4b:s23+s18], $0x80, $0x38;
	[tilespmem:$0x1E500] =	vst v63  }
0x95: {  	s7 =	simm.s32 $0x380;
	s0 =	rddreg [dreg:$0x1d]  }
0x96: {  	[tilespmem:s7], [sflag:$0x4] =	stream.linear.gather [hbm4b:s0+s18], $0x80, $0x38;
	[tilespmem:$0x1E500] =	vst v63  }
0x97: {  	s16 =	rddreg [dreg:$0x1e];
	s17 =	simm.s32 $0x400  }
0x98: {  	[tilespmem:s17], [sflag:$0x5] =	stream.linear.gather [hbm4b:s16+s18], $0x80, $0x38;
	[tilespmem:$0x1E500] =	vst v63  }
0x99: {  	s19 =	rddreg [dreg:$0x1f];
	s23 =	simm.s32 $0x480  }
0x9a: {  	[tilespmem:s23], [sflag:$0x5] =	stream.linear.gather [hbm4b:s19+s18], $0x80, $0x38;
	[tilespmem:$0x1E500] =	vst v63  }
0x9b: {  	_ =	swait.ge [sflag:s2], $0x80  }
0x9c: {  	[sflag:s2] =	ssyncset.done $0x0  }
0x9d: {  	[sflag:s2] =	ssyncadd.s32 $0xFFFFFF80  }
0x9e: {  	_ =	swait.ge [sflag:s2], $0x80  }
0x9f: {  	[sflag:s2] =	ssyncset.done $0x0  }
0xa0: {  	[sflag:s2] =	ssyncadd.s32 $0xFFFFFF80  }
0xa1: {  	[tilespmem:s9], [sflag:$0x6] =	stream.indirect.gather [spmem:s1], $0x40, s18, s11, $0xb8;
	[tilespmem:$0x1E500] =	vst v63  }
0xa2: {  	_ =	swait.ge [sflag:s25], $0x80  }
0xa3: {  	[sflag:s25] =	ssyncset.done $0x0  }
0xa4: {  	[sflag:s25] =	ssyncadd.s32 $0xFFFFFF80  }
0xa5: {  	_ =	swait.ge [sflag:s25], $0x80  }
0xa6: {  	[sflag:s25] =	ssyncset.done $0x0  }
0xa7: {  	s17 =	simm.s32 $0x0;
	[sflag:s25] =	ssyncadd.s32 $0xFFFFFF80  }
0xa8: {  	[tilespmem:s26], [sflag:$0x7] =	stream.indirect.gather [spmem:s1], $0x40, s14, s11, $0xb8;
	[tilespmem:$0x1E500] =	vst v63  }
.LBB2_4:
0xa9: {  	_ =	swait.ge [sflag:s10], $0x2000  }
0xaa: {  	p1 =	seq.s32 s17, $0x0;
	[sflag:s10] =	ssyncset.done $0x0  }
0xab: {  	s19 =	simm.s32 @!p1 $0xE;
	[sflag:s10] =	ssyncadd.s32 $0xFFFFE000  }
0xac: {  	[spmem:s3] =	stream.indirect.scatter.add.f32 [tilespmem:s9], [sflag:$0xB], $0x40, s11, s11, $0xb8;
	[tilespmem:$0x1E500] =	vst v63  }
0xad: {  	_ =	swait.ge @!p1 [sflag:s19], $0x2000  }
0xae: {  	[sflag:s19] =	ssyncset.done @!p1 $0x0;
	s15 =	rddreg [dreg:$0x17]  }
0xaf: {  	[sflag:s19] =	ssyncadd.s32 @!p1 $0xFFFFE000;
	s19 =	sadd.s32 @!p1 s17, s15  }
0xb0: {  	s16 =	simm.s32 @!p1 $0x300;
	s15 =	simm.s32 @!p1 $0x0;
	s23 =	sadd.s32 @!p1 $0x30, s19  }
0xb1: {  	[tilespmem:s16], [sflag:$0x4] =	stream.linear.gather @!p1 [hbm4b:s23+s15], $0x80, $0x38;
	[tilespmem:$0x1E500] =	vst v63  }
0xb2: {  	s16 =	sadd.s32 @!p1 $0x9C70, s19;
	s23 =	simm.s32 @!p1 $0x380  }
0xb3: {  	[tilespmem:s23], [sflag:$0x4] =	stream.linear.gather @!p1 [hbm4b:s16+s15], $0x80, $0x38;
	[tilespmem:$0x1E500] =	vst v63  }
0xb4: {  	_ =	swait.ge [sflag:s28], $0x80  }
0xb5: {  	[sflag:s28] =	ssyncset.done $0x0  }
0xb6: {  	[sflag:s28] =	ssyncadd.s32 $0xFFFFFF80  }
0xb7: {  	_ =	swait.ge [sflag:s28], $0x80  }
0xb8: {  	[sflag:s28] =	ssyncset.done $0x0  }
0xb9: {  	s7 =	simm.s32 $0x4500;
	[sflag:s28] =	ssyncadd.s32 $0xFFFFFF80  }
0xba: {  	[tilespmem:s7], [sflag:$0x8] =	stream.indirect.gather [spmem:s1], $0x40, s12, s11, $0xb8;
	[tilespmem:$0x1E500] =	vst v63  }
0xbb: {  	_ =	swait.ge [sflag:s30], $0x2000  }
0xbc: {  	[sflag:s30] =	ssyncset.done $0x0  }
0xbd: {  	s0 =	simm.s32 $0x180;
	s16 =	simm.s32 @!p1 $0xF;
	[sflag:s30] =	ssyncadd.s32 $0xFFFFE000  }
0xbe: {  	[spmem:s3] =	stream.indirect.scatter.add.f32 [tilespmem:s26], [sflag:$0xC], $0x40, s0, s11, $0xb8;
	[tilespmem:$0x1E500] =	vst v63  }
0xbf: {  	_ =	swait.ge @!p1 [sflag:s16], $0x2000  }
0xc0: {  	[sflag:s16] =	ssyncset.done @!p1 $0x0  }
0xc1: {  	s23 =	simm.s32 @!p1 $0x400;
	[sflag:s16] =	ssyncadd.s32 @!p1 $0xFFFFE000;
	s16 =	sadd.s32 @!p1 $0x40, s19  }
0xc2: {  	[tilespmem:s23], [sflag:$0x5] =	stream.linear.gather @!p1 [hbm4b:s16+s15], $0x80, $0x38;
	[tilespmem:$0x1E500] =	vst v63  }
0xc3: {  	s16 =	sadd.s32 @!p1 $0x9C80, s19;
	s19 =	simm.s32 @!p1 $0x480  }
0xc4: {  	[tilespmem:s19], [sflag:$0x5] =	stream.linear.gather @!p1 [hbm4b:s16+s15], $0x80, $0x38;
	[tilespmem:$0x1E500] =	vst v63  }
0xc5: {  	_ =	swait.ge [sflag:s31], $0x80  }
0xc6: {  	[sflag:s31] =	ssyncset.done $0x0  }
0xc7: {  	[sflag:s31] =	ssyncadd.s32 $0xFFFFFF80  }
0xc8: {  	_ =	swait.ge [sflag:s31], $0x80  }
0xc9: {  	[sflag:s31] =	ssyncset.done $0x0  }
0xca: {  	s23 =	simm.s32 $0x300;
	s16 =	simm.s32 $0x6500;
	[sflag:s31] =	ssyncadd.s32 $0xFFFFFF80  }
0xcb: {  	[tilespmem:s16], [sflag:$0x9] =	stream.indirect.gather [spmem:s1], $0x40, s23, s11, $0xb8;
	[tilespmem:$0x1E500] =	vst v63  }
0xcc: {  	_ =	swait.ge [sflag:s6], $0x2000  }
0xcd: {  	[sflag:s6] =	ssyncset.done $0x0  }
0xce: {  	[sflag:s6] =	ssyncadd.s32 $0xFFFFE000  }
0xcf: {  	[spmem:s3] =	stream.indirect.scatter.add.f32 [tilespmem:s7], [sflag:$0xD], $0x40, s29, s11, $0xb8;
	[tilespmem:$0x1E500] =	vst v63  }
0xd0: {  	s19 =	smov.u32 s18;
	_ =	swait.ge [sflag:s13], $0x2000  }
0xd1: {  	s19 =	simm.s32 @p1 $0x0;
	s7 =	rddreg [dreg:$0x11]  }
0xd2: {  	s15 =	sadd.s32 s19, s7  }
0xd3: {  	[sflag:s13] =	ssyncset.done $0x0;
	s15 =	sshrl.u32 s15, $0x3  }
0xd4: {  	[sflag:s13] =	ssyncadd.s32 $0xFFFFE000;
	s15 =	sadd.s32 s5, s15  }
0xd5: {  	[tilespmem:s4], [sflag:$0x1] =	stream.linear.gather [hbm4b:s15+s4], $0x80, $0x38;
	[tilespmem:$0x1E500] =	vst v63  }
0xd6: {  	s15 =	sadd.s32 $0x9C40, s15  }
0xd7: {  	[tilespmem:s11], [sflag:$0x1] =	stream.linear.gather [hbm4b:s15+s4], $0x80, $0x38;
	[tilespmem:$0x1E500] =	vst v63  }
0xd8: {  	_ =	swait.ge [sflag:s8], $0x80  }
0xd9: {  	[sflag:s8] =	ssyncset.done $0x0  }
0xda: {  	[sflag:s8] =	ssyncadd.s32 $0xFFFFFF80  }
0xdb: {  	_ =	swait.ge [sflag:s8], $0x80  }
0xdc: {  	[sflag:s8] =	ssyncset.done $0x0  }
0xdd: {  	s23 =	simm.s32 $0x400;
	s7 =	simm.s32 $0x8500;
	[sflag:s8] =	ssyncadd.s32 $0xFFFFFF80  }
0xde: {  	[tilespmem:s7], [sflag:$0xA] =	stream.indirect.gather [spmem:s1], $0x40, s23, s11, $0xb8;
	[tilespmem:$0x1E500] =	vst v63  }
0xdf: {  	_ =	swait.ge [sflag:s20], $0x2000  }
0xe0: {  	[sflag:s20] =	ssyncset.done $0x0  }
0xe1: {  	s23 =	simm.s32 $0x380;
	[sflag:s20] =	ssyncadd.s32 $0xFFFFE000  }
0xe2: {  	[spmem:s3] =	stream.indirect.scatter.add.f32 [tilespmem:s16], [sflag:$0xE], $0x40, s23, s11, $0xb8;
	[tilespmem:$0x1E500] =	vst v63  }
0xe3: {  	_ =	swait.ge [sflag:s21], $0x2000  }
0xe4: {  	s16 =	smin.u32 s19, $0x4AA0;
	s23 =	rddreg [dreg:$0x12]  }
0xe5: {  	s15 =	sadd.s32 s16, s23  }
0xe6: {  	[sflag:s21] =	ssyncset.done $0x0;
	s15 =	sshrl.u32 s15, $0x3  }
0xe7: {  	[sflag:s21] =	ssyncadd.s32 $0xFFFFE000;
	s15 =	sadd.s32 s5, s15  }
0xe8: {  	[tilespmem:s14], [sflag:$0x2] =	stream.linear.gather [hbm4b:s15+s4], $0x80, $0x38;
	[tilespmem:$0x1E500] =	vst v63  }
0xe9: {  	s15 =	sadd.s32 $0x9C40, s15  }
0xea: {  	[tilespmem:s0], [sflag:$0x2] =	stream.linear.gather [hbm4b:s15+s4], $0x80, $0x38;
	[tilespmem:$0x1E500] =	vst v63  }
0xeb: {  	_ =	swait.ge [sflag:s2], $0x80  }
0xec: {  	[sflag:s2] =	ssyncset.done $0x0  }
0xed: {  	[sflag:s2] =	ssyncadd.s32 $0xFFFFFF80  }
0xee: {  	_ =	swait.ge [sflag:s2], $0x80  }
0xef: {  	[sflag:s2] =	ssyncset.done $0x0  }
0xf0: {  	[sflag:s2] =	ssyncadd.s32 $0xFFFFFF80  }
0xf1: {  	[tilespmem:s9], [sflag:$0x6] =	stream.indirect.gather [spmem:s1], $0x40, s4, s11, $0xb8;
	[tilespmem:$0x1E500] =	vst v63  }
0xf2: {  	_ =	swait.ge [sflag:s22], $0x2000  }
0xf3: {  	p1 =	seq.s32 s17, $0x960;
	[sflag:s22] =	ssyncset.done $0x0  }
.Ltmp3:
0xf4: {  	s16 =	simm.s32 $0x480;
	[sflag:s22] =	ssyncadd.s32 $0xFFFFE000;
	(pc) =	sbr.rel @p1 .LBB2_6-.Ltmp3, $4  }
0xf5: {  	[spmem:s3] =	stream.indirect.scatter.add.f32 [tilespmem:s7], [sflag:$0xF], $0x40, s16, s11, $0xb8;
	[tilespmem:$0x1E500] =	vst v63  }
0xf6: {  	_ =	swait.ge [sflag:s24], $0x2000  }
0xf7: {  	s29 =	simm.s32 $0x180;
	[sflag:s24] =	ssyncset.done $0x0  }
0xf8: {  	s23 =	simm.s32 $0x280;
	s14 =	simm.s32 $0x100;
	[sflag:s24] =	ssyncadd.s32 $0xFFFFE000  }
0xf9: {  	s15 =	smin.u32 s19, $0x4A20;
	s16 =	rddreg [dreg:$0x13]  }
0xfa: {  	s15 =	sadd.s32 s15, s16  }
0xfb: {  	s15 =	sshrl.u32 s15, $0x3  }
0xfc: {  	s15 =	sadd.s32 s5, s15  }
0xfd: {  	[tilespmem:s12], [sflag:$0x3] =	stream.linear.gather [hbm4b:s15+s4], $0x80, $0x38;
	[tilespmem:$0x1E500] =	vst v63  }
0xfe: {  	s15 =	sadd.s32 $0x9C40, s15  }
0xff: {  	[tilespmem:s23], [sflag:$0x3] =	stream.linear.gather [hbm4b:s15+s4], $0x80, $0x38;
	[tilespmem:$0x1E500] =	vst v63  }
0x100: {  	_ =	swait.ge [sflag:s25], $0x80  }
0x101: {  	[sflag:s25] =	ssyncset.done $0x0  }
0x102: {  	[sflag:s25] =	ssyncadd.s32 $0xFFFFFF80  }
.Ltmp4:
0x103: {  	_ =	swait.ge [sflag:s25], $0x80;
	(pc) =	sbr.rel .LBB2_4-.Ltmp4, $4  }
0x104: {  	[sflag:s25] =	ssyncset.done $0x0  }
0x105: {  	s18 =	sadd.s32 $0x280, s18;
	[sflag:s25] =	ssyncadd.s32 $0xFFFFFF80  }
0x106: {  	[tilespmem:s26], [sflag:$0x7] =	stream.indirect.gather [spmem:s1], $0x40, s14, s11, $0xb8;
	[tilespmem:$0x1E500] =	vst v63  }
0x107: {  	s17 =	sadd.s32 $0x50, s17;
	s29 =	simm.s32 $0x280;
	s14 =	simm.s32 $0x100  }
.LBB2_7:
0x108: {  	_ =	sfence.sel $0x180000  }
0x109: {  	[bflag:$0x0] =	sbarrier.arrive $0xFFFF  }
0x10a: {  	_ =	strace $0x90000047  }
0x10b: {  	s0 =	stileid.u32;
	[bflag:$0x2] =	sbarrier.arrive $0xFFFF  }
0x10c: {  	p0 =	sne.s32 s0, $0x0;
	s0 =	rddreg [dreg:$0x5]  }
0x10d: {  	s0 =	sadd.s32 @!p0 $0x100000, s0  }
0x10e: {  	[sflag:s0] =	ssyncadd.tile.s32 @!p0 $0x1;
	_ =	shalt  }
.Lfunc_end2:
_tile_overlayer_lowered:
.L_overlay_start_2:
0x10f: {  	(tag) =	ssettag $0x2  }
0x110: {  	s0 =	rddreg [dreg:$0x0];
	s2 =	stileid.u32  }
0x111: {  	s1 =	rddreg [dreg:$0x1];
	p0 =	sne.s32 s2, $0x0  }
0x112: {  	s3 =	rddreg [dreg:$0x2];
	[bflag:$0x3] =	sbarrier.arrive $0xFFFF;
	s2 =	simm.s32 @!p0 $0x1C10  }
0x113: {  	[timem:s3], [sflag:s2] =	dma.local @!p0 [hbm:s0], s1  }
0x114: {  	s0 =	simm.s32 @!p0 $0x10  }
0x115: {  	_ =	swait.ge @!p0 [sflag:s0], s1  }
0x116: {  	s1 =	ssub.s32 @!p0 $0x0, s1;
	[sflag:s0] =	ssyncset.done @!p0 $0x0  }
0x117: {  	[sflag:s0] =	ssyncadd.s32 @!p0 s1  }
0x118: {  	[bflag:$0x3] =	sbarrier.arrive $0xFFFF  }
0x119: {  	_ =	shalt  }

</sc_bundles>
